<compile_context>
chip_gen: v7x
topology: tpu7x:2x2x1
jax: 0.10.2.dev20260603
libtpu: 0.0.44.dev20260713+nightly
codegen_flags: <defaults>
</compile_context>

<pallas_src>
import functools

import jax
import jax.numpy as jnp
from jax import lax
from jax.experimental import pallas as pl
from jax.experimental.pallas import tpu as pltpu
from jax.experimental.pallas import tpu_sc as plsc


def _make_sc_kernel(N, C, K, NC, NS, L):
    NW = NC * NS
    rows_per_w = N // NW
    R = 128
    NCHUNK = rows_per_w // R
    NRG = R // L
    U = 4

    mesh = plsc.VectorSubcoreMesh(core_axis_name="c", subcore_axis_name="s")

    @functools.partial(
        pl.kernel,
        mesh=mesh,
        out_type=jax.ShapeDtypeStruct((K, N), jnp.float32),
        compiler_params=pltpu.CompilerParams(needs_layout_passes=False),
        scratch_types=[
            pltpu.VMEM((R, C), jnp.float32),
            pltpu.VMEM((R, C), jnp.float32),
            pltpu.VMEM((K, R), jnp.float32),
            pltpu.VMEM((K, R), jnp.float32),
            pltpu.VMEM((K,), jnp.int32),
            pltpu.VMEM((K,), jnp.float32),
            pltpu.VMEM((K,), jnp.float32),
            pltpu.SemaphoreType.DMA,
            pltpu.SemaphoreType.DMA,
            pltpu.SemaphoreType.DMA,
            pltpu.SemaphoreType.DMA,
        ],
    )
    def sc_kernel(y_hbm, w_hbm, b_hbm, onn_hbm, out_hbm,
                  in0, in1, out0, out1, onn_v, w_v, b_v,
                  sem_in0, sem_in1, sem_out0, sem_out1):
        wid = lax.axis_index("s") * NC + lax.axis_index("c")
        pltpu.sync_copy(onn_hbm, onn_v)
        pltpu.sync_copy(w_hbm, w_v)
        pltpu.sync_copy(b_hbm, b_v)

        base = wid * rows_per_w
        inbufs = [in0, in1]
        outbufs = [out0, out1]
        sin = [sem_in0, sem_in1]
        sout = [sem_out0, sem_out1]

        in_copies = [
            pltpu.make_async_copy(
                y_hbm.at[pl.ds(base + c * R, R)],
                inbufs[c % 2], sin[c % 2])
            for c in range(NCHUNK)
        ]
        out_copies = [
            pltpu.make_async_copy(
                outbufs[c % 2],
                out_hbm.at[:, pl.ds(base + c * R, R)],
                sout[c % 2])
            for c in range(NCHUNK)
        ]

        iota = lax.iota(jnp.int32, L)
        rgvec = [iota + rg * L for rg in range(NRG)]

        in_copies[0].start()
        for c in range(NCHUNK):
            if c + 1 < NCHUNK:
                in_copies[c + 1].start()
            in_copies[c].wait()
            if c >= 2:
                out_copies[c - 2].wait()

            inbuf = inbufs[c % 2]
            outbuf = outbufs[c % 2]

            @plsc.parallel_loop(0, K, unroll=U)
            def body(k, inbuf=inbuf, outbuf=outbuf):
                kk = jnp.full((L,), k, dtype=jnp.int32)
                col = plsc.load_gather(onn_v, [kk])
                wk = plsc.load_gather(w_v, [kk])
                bk = plsc.load_gather(b_v, [kk])
                for rg in range(NRG):
                    v = plsc.load_gather(inbuf, [rgvec[rg], col])
                    outbuf[k, pl.ds(rg * L, L)] = v * wk + bk

            out_copies[c].start()

        out_copies[NCHUNK - 2].wait()
        out_copies[NCHUNK - 1].wait()

    return sc_kernel


def kernel(Y_full, weights, bias, output_node_order):
    N, C = Y_full.shape
    K = output_node_order.shape[0]
    info = plsc.get_sparse_core_info()
    NC, NS, L = info.num_cores, info.num_subcores, info.num_lanes

    sc_kernel = _make_sc_kernel(N, C, K, NC, NS, L)
    out_t = sc_kernel(Y_full, weights, bias, output_node_order.astype(jnp.int32))
    return out_t.T

# --- scband reference (transcript-rebuilt; emitter-appended) ---
"""Pipeline reference for scband-project-output-31791347925218 (READ-ONLY COPY).

The authoritative reference and input builder live on the scoring server;
editing this copy changes nothing except your own understanding.
"""

import jax, jax.numpy as jnp
import numpy as np


def setup_inputs(seed: int = 0) -> dict:
    key = jax.random.key(seed)
    Y_full = jax.random.normal(key, (16384, 128), dtype=jnp.float32)
    # output_node_order = [node_idx_map[x] for x in output_labels] = [0, 2, 4, ..., 126]
    output_node_order = jnp.arange(0, 128, 2, dtype=jnp.int32)
    # learned params: weights = projection_amplitude * ones(size_out), bias = zeros(size_out)
    weights = 1.0 * jnp.ones((64,), dtype=jnp.float32)
    bias = jnp.zeros((64,), dtype=jnp.float32)
    return {"Y_full": Y_full, "weights": weights, "bias": bias, "output_node_order": output_node_order}


def reference(Y_full, weights, bias, output_node_order):
    # Y_hat = weights * Y_full[:, output_node_order] + bias
    gathered = jnp.take(Y_full, output_node_order, axis=1)
    Y_hat = weights * gathered + bias
    return Y_hat

if __name__ == "__main__":
    import jax
    _d = setup_inputs()
    print(jax.jit(kernel)(*tuple(_d.values())))

</pallas_src>

<mosaic_0001>
#map = affine_map<(d0, d1) -> (0, 0)>
#map1 = affine_map<(d0, d1) -> (0)>
module attributes {stable_mosaic.version = 14 : i64} {
  func.func @sc_kernel(%arg0: i32, %arg1: i32, %arg2: memref<16384x128xf32, #tpu.memory_space<hbm>>, %arg3: memref<64xf32, #tpu.memory_space<hbm>>, %arg4: memref<64xf32, #tpu.memory_space<hbm>>, %arg5: memref<64xi32, #tpu.memory_space<hbm>>, %arg6: memref<64x16384xf32, #tpu.memory_space<hbm>>, %arg7: memref<128x128xf32, #tpu.memory_space<vmem>>, %arg8: memref<128x128xf32, #tpu.memory_space<vmem>>, %arg9: memref<64x128xf32, #tpu.memory_space<vmem>>, %arg10: memref<64x128xf32, #tpu.memory_space<vmem>>, %arg11: memref<64xi32, #tpu.memory_space<vmem>>, %arg12: memref<64xf32, #tpu.memory_space<vmem>>, %arg13: memref<64xf32, #tpu.memory_space<vmem>>, %arg14: memref<!tpu.dma_semaphore, #tpu.memory_space<semaphore_mem>>, %arg15: memref<!tpu.dma_semaphore, #tpu.memory_space<semaphore_mem>>, %arg16: memref<!tpu.dma_semaphore, #tpu.memory_space<semaphore_mem>>, %arg17: memref<!tpu.dma_semaphore, #tpu.memory_space<semaphore_mem>>) attributes {dimension_semantics = [#tpu.dimension_semantics<core_parallel>, #tpu.dimension_semantics<subcore_parallel>], iteration_bounds = array<i64: 2, 16>, scalar_prefetch = 0 : i64, scratch_operands = 11 : i64, tpu.core_type = #tpu.core_type<sc_vector_subcore>, window_params = [{transform_indices = #map}, {transform_indices = #map1}, {transform_indices = #map1}, {transform_indices = #map1}, {transform_indices = #map}]} {
    %mul3A = arith.constant 2 : i32
    %mul3A_0 = arith.muli %arg1, %mul3A : i32
    %add3A = arith.addi %mul3A_0, %arg0 : i32
    "tpu.region"() ({
      %run_scoped3A = tpu.sem_alloc : memref<!tpu.dma_semaphore, #tpu.memory_space<semaphore_mem>>
      tpu.enqueue_dma source(%arg5 : memref<64xi32, #tpu.memory_space<hbm>>) target(%arg11 : memref<64xi32, #tpu.memory_space<vmem>>) target_semaphore(%run_scoped3A : memref<!tpu.dma_semaphore, #tpu.memory_space<semaphore_mem>>)
      tpu.wait_dma2 semaphore(%run_scoped3A : memref<!tpu.dma_semaphore, #tpu.memory_space<semaphore_mem>>) src(%arg5 : memref<64xi32, #tpu.memory_space<hbm>>) dst(%arg11 : memref<64xi32, #tpu.memory_space<vmem>>)
      tpu.yield
    }) : () -> ()
    "tpu.region"() ({
      %run_scoped3A = tpu.sem_alloc : memref<!tpu.dma_semaphore, #tpu.memory_space<semaphore_mem>>
      tpu.enqueue_dma source(%arg3 : memref<64xf32, #tpu.memory_space<hbm>>) target(%arg12 : memref<64xf32, #tpu.memory_space<vmem>>) target_semaphore(%run_scoped3A : memref<!tpu.dma_semaphore, #tpu.memory_space<semaphore_mem>>)
      tpu.wait_dma2 semaphore(%run_scoped3A : memref<!tpu.dma_semaphore, #tpu.memory_space<semaphore_mem>>) src(%arg3 : memref<64xf32, #tpu.memory_space<hbm>>) dst(%arg12 : memref<64xf32, #tpu.memory_space<vmem>>)
      tpu.yield
    }) : () -> ()
    "tpu.region"() ({
      %run_scoped3A = tpu.sem_alloc : memref<!tpu.dma_semaphore, #tpu.memory_space<semaphore_mem>>
      tpu.enqueue_dma source(%arg4 : memref<64xf32, #tpu.memory_space<hbm>>) target(%arg13 : memref<64xf32, #tpu.memory_space<vmem>>) target_semaphore(%run_scoped3A : memref<!tpu.dma_semaphore, #tpu.memory_space<semaphore_mem>>)
      tpu.wait_dma2 semaphore(%run_scoped3A : memref<!tpu.dma_semaphore, #tpu.memory_space<semaphore_mem>>) src(%arg4 : memref<64xf32, #tpu.memory_space<hbm>>) dst(%arg13 : memref<64xf32, #tpu.memory_space<vmem>>)
      tpu.yield
    }) : () -> ()
    %mul3A_1 = arith.constant 512 : i32
    %mul3A_2 = arith.muli %add3A, %mul3A_1 : i32
    %add3A_3 = arith.constant 0 : i32
    %add3A_4 = arith.addi %mul3A_2, %add3A_3 : i32
    %add3A_5 = arith.constant 128 : i32
    %add3A_6 = arith.addi %mul3A_2, %add3A_5 : i32
    %add3A_7 = arith.constant 256 : i32
    %add3A_8 = arith.addi %mul3A_2, %add3A_7 : i32
    %add3A_9 = arith.constant 384 : i32
    %add3A_10 = arith.addi %mul3A_2, %add3A_9 : i32
    %add3A_11 = arith.constant 0 : i32
    %add3A_12 = arith.addi %mul3A_2, %add3A_11 : i32
    %add3A_13 = arith.constant 128 : i32
    %add3A_14 = arith.addi %mul3A_2, %add3A_13 : i32
    %add3A_15 = arith.constant 256 : i32
    %add3A_16 = arith.addi %mul3A_2, %add3A_15 : i32
    %add3A_17 = arith.constant 384 : i32
    %add3A_18 = arith.addi %mul3A_2, %add3A_17 : i32
    %iota3A = tpu.iota {dimensions = array<i32: 0>} : vector<16xi32>
    %add3A_19 = arith.constant 0 : i32
    %add3A_20 = vector.broadcast %add3A_19 : i32 to vector<16xi32>
    %add3A_21 = arith.addi %iota3A, %add3A_20 : vector<16xi32>
    %add3A_22 = arith.constant 16 : i32
    %add3A_23 = vector.broadcast %add3A_22 : i32 to vector<16xi32>
    %add3A_24 = arith.addi %iota3A, %add3A_23 : vector<16xi32>
    %add3A_25 = arith.constant 32 : i32
    %add3A_26 = vector.broadcast %add3A_25 : i32 to vector<16xi32>
    %add3A_27 = arith.addi %iota3A, %add3A_26 : vector<16xi32>
    %add3A_28 = arith.constant 48 : i32
    %add3A_29 = vector.broadcast %add3A_28 : i32 to vector<16xi32>
    %add3A_30 = arith.addi %iota3A, %add3A_29 : vector<16xi32>
    %add3A_31 = arith.constant 64 : i32
    %add3A_32 = vector.broadcast %add3A_31 : i32 to vector<16xi32>
    %add3A_33 = arith.addi %iota3A, %add3A_32 : vector<16xi32>
    %add3A_34 = arith.constant 80 : i32
    %add3A_35 = vector.broadcast %add3A_34 : i32 to vector<16xi32>
    %add3A_36 = arith.addi %iota3A, %add3A_35 : vector<16xi32>
    %add3A_37 = arith.constant 96 : i32
    %add3A_38 = vector.broadcast %add3A_37 : i32 to vector<16xi32>
    %add3A_39 = arith.addi %iota3A, %add3A_38 : vector<16xi32>
    %add3A_40 = arith.constant 112 : i32
    %add3A_41 = vector.broadcast %add3A_40 : i32 to vector<16xi32>
    %add3A_42 = arith.addi %iota3A, %add3A_41 : vector<16xi32>
    %dma_start3A = arith.constant 0 : i32
    %dma_start3A_43 = tpu.memref_slice %arg2[%add3A_4, %dma_start3A] : memref<16384x128xf32, #tpu.memory_space<hbm>> -> memref<128x128xf32, #tpu.memory_space<hbm>>
    %dma_start3A_44 = arith.constant 0 : i32
    %dma_start3A_45 = tpu.memref_slice %arg2[%add3A_4, %dma_start3A_44] : memref<16384x128xf32, #tpu.memory_space<hbm>> -> memref<128x128xf32, #tpu.memory_space<hbm>>
    tpu.enqueue_dma source(%dma_start3A_45 : memref<128x128xf32, #tpu.memory_space<hbm>>) target(%arg7 : memref<128x128xf32, #tpu.memory_space<vmem>>) target_semaphore(%arg14 : memref<!tpu.dma_semaphore, #tpu.memory_space<semaphore_mem>>)
    %dma_start3A_46 = arith.constant 0 : i32
    %dma_start3A_47 = tpu.memref_slice %arg2[%add3A_6, %dma_start3A_46] : memref<16384x128xf32, #tpu.memory_space<hbm>> -> memref<128x128xf32, #tpu.memory_space<hbm>>
    %dma_start3A_48 = arith.constant 0 : i32
    %dma_start3A_49 = tpu.memref_slice %arg2[%add3A_6, %dma_start3A_48] : memref<16384x128xf32, #tpu.memory_space<hbm>> -> memref<128x128xf32, #tpu.memory_space<hbm>>
    tpu.enqueue_dma source(%dma_start3A_49 : memref<128x128xf32, #tpu.memory_space<hbm>>) target(%arg8 : memref<128x128xf32, #tpu.memory_space<vmem>>) target_semaphore(%arg15 : memref<!tpu.dma_semaphore, #tpu.memory_space<semaphore_mem>>)
    %dma_wait3A = arith.constant 0 : i32
    %dma_wait3A_50 = tpu.memref_slice %arg2[%add3A_4, %dma_wait3A] : memref<16384x128xf32, #tpu.memory_space<hbm>> -> memref<128x128xf32, #tpu.memory_space<hbm>>
    %dma_wait3A_51 = arith.constant 0 : i32
    %dma_wait3A_52 = tpu.memref_slice %arg2[%add3A_4, %dma_wait3A_51] : memref<16384x128xf32, #tpu.memory_space<hbm>> -> memref<128x128xf32, #tpu.memory_space<hbm>>
    tpu.wait_dma2 semaphore(%arg14 : memref<!tpu.dma_semaphore, #tpu.memory_space<semaphore_mem>>) src(%dma_wait3A_52 : memref<128x128xf32, #tpu.memory_space<hbm>>) dst(%arg7 : memref<128x128xf32, #tpu.memory_space<vmem>>)
    %parallel_loop3A = arith.constant 0 : i32
    %parallel_loop3A_53 = arith.constant 64 : i32
    %parallel_loop3A_54 = arith.constant 1 : i32
    scf.for %parallel_loop3A_116 = %parallel_loop3A to %parallel_loop3A_53 step %parallel_loop3A_54  : i32 {
      %parallel_loop3A_117 = vector.broadcast %parallel_loop3A_116 : i32 to vector<16xi32>
      %parallel_loop3A_118 = tpu.vector_load_idx %arg11[%parallel_loop3A_117] : memref<64xi32, #tpu.memory_space<vmem>>[vector<16xi32>], vector<16xi32>,
      %parallel_loop3A_119 = tpu.vector_load_idx %arg12[%parallel_loop3A_117] : memref<64xf32, #tpu.memory_space<vmem>>[vector<16xi32>], vector<16xf32>,
      %parallel_loop3A_120 = tpu.vector_load_idx %arg13[%parallel_loop3A_117] : memref<64xf32, #tpu.memory_space<vmem>>[vector<16xi32>], vector<16xf32>,
      %parallel_loop3A_121 = tpu.vector_load_idx %arg7[%add3A_21, %parallel_loop3A_118] : memref<128x128xf32, #tpu.memory_space<vmem>>[vector<16xi32>, vector<16xi32>], vector<16xf32>,
      %parallel_loop3A_122 = arith.mulf %parallel_loop3A_121, %parallel_loop3A_119 : vector<16xf32>
      %parallel_loop3A_123 = arith.addf %parallel_loop3A_122, %parallel_loop3A_120 : vector<16xf32>
      %parallel_loop3A_124 = arith.index_cast %parallel_loop3A_116 : i32 to index
      %parallel_loop3A_125 = arith.constant 0 : index
      %parallel_loop3A_126 = tpu.vector_load %arg9[%parallel_loop3A_124, %parallel_loop3A_125] {strides = array<i32>} : memref<64x128xf32, #tpu.memory_space<vmem>>, vector<16xf32>,
      tpu.vector_store %arg9[%parallel_loop3A_124, %parallel_loop3A_125], %parallel_loop3A_123 {strides = array<i32>} : memref<64x128xf32, #tpu.memory_space<vmem>>, vector<16xf32>,
      %parallel_loop3A_127 = tpu.vector_load_idx %arg7[%add3A_24, %parallel_loop3A_118] : memref<128x128xf32, #tpu.memory_space<vmem>>[vector<16xi32>, vector<16xi32>], vector<16xf32>,
      %parallel_loop3A_128 = arith.mulf %parallel_loop3A_127, %parallel_loop3A_119 : vector<16xf32>
      %parallel_loop3A_129 = arith.addf %parallel_loop3A_128, %parallel_loop3A_120 : vector<16xf32>
      %parallel_loop3A_130 = arith.index_cast %parallel_loop3A_116 : i32 to index
      %parallel_loop3A_131 = arith.constant 16 : index
      %parallel_loop3A_132 = tpu.vector_load %arg9[%parallel_loop3A_130, %parallel_loop3A_131] {strides = array<i32>} : memref<64x128xf32, #tpu.memory_space<vmem>>, vector<16xf32>,
      tpu.vector_store %arg9[%parallel_loop3A_130, %parallel_loop3A_131], %parallel_loop3A_129 {strides = array<i32>} : memref<64x128xf32, #tpu.memory_space<vmem>>, vector<16xf32>,
      %parallel_loop3A_133 = tpu.vector_load_idx %arg7[%add3A_27, %parallel_loop3A_118] : memref<128x128xf32, #tpu.memory_space<vmem>>[vector<16xi32>, vector<16xi32>], vector<16xf32>,
      %parallel_loop3A_134 = arith.mulf %parallel_loop3A_133, %parallel_loop3A_119 : vector<16xf32>
      %parallel_loop3A_135 = arith.addf %parallel_loop3A_134, %parallel_loop3A_120 : vector<16xf32>
      %parallel_loop3A_136 = arith.index_cast %parallel_loop3A_116 : i32 to index
      %parallel_loop3A_137 = arith.constant 32 : index
      %parallel_loop3A_138 = tpu.vector_load %arg9[%parallel_loop3A_136, %parallel_loop3A_137] {strides = array<i32>} : memref<64x128xf32, #tpu.memory_space<vmem>>, vector<16xf32>,
      tpu.vector_store %arg9[%parallel_loop3A_136, %parallel_loop3A_137], %parallel_loop3A_135 {strides = array<i32>} : memref<64x128xf32, #tpu.memory_space<vmem>>, vector<16xf32>,
      %parallel_loop3A_139 = tpu.vector_load_idx %arg7[%add3A_30, %parallel_loop3A_118] : memref<128x128xf32, #tpu.memory_space<vmem>>[vector<16xi32>, vector<16xi32>], vector<16xf32>,
      %parallel_loop3A_140 = arith.mulf %parallel_loop3A_139, %parallel_loop3A_119 : vector<16xf32>
      %parallel_loop3A_141 = arith.addf %parallel_loop3A_140, %parallel_loop3A_120 : vector<16xf32>
      %parallel_loop3A_142 = arith.index_cast %parallel_loop3A_116 : i32 to index
      %parallel_loop3A_143 = arith.constant 48 : index
      %parallel_loop3A_144 = tpu.vector_load %arg9[%parallel_loop3A_142, %parallel_loop3A_143] {strides = array<i32>} : memref<64x128xf32, #tpu.memory_space<vmem>>, vector<16xf32>,
      tpu.vector_store %arg9[%parallel_loop3A_142, %parallel_loop3A_143], %parallel_loop3A_141 {strides = array<i32>} : memref<64x128xf32, #tpu.memory_space<vmem>>, vector<16xf32>,
      %parallel_loop3A_145 = tpu.vector_load_idx %arg7[%add3A_33, %parallel_loop3A_118] : memref<128x128xf32, #tpu.memory_space<vmem>>[vector<16xi32>, vector<16xi32>], vector<16xf32>,
      %parallel_loop3A_146 = arith.mulf %parallel_loop3A_145, %parallel_loop3A_119 : vector<16xf32>
      %parallel_loop3A_147 = arith.addf %parallel_loop3A_146, %parallel_loop3A_120 : vector<16xf32>
      %parallel_loop3A_148 = arith.index_cast %parallel_loop3A_116 : i32 to index
      %parallel_loop3A_149 = arith.constant 64 : index
      %parallel_loop3A_150 = tpu.vector_load %arg9[%parallel_loop3A_148, %parallel_loop3A_149] {strides = array<i32>} : memref<64x128xf32, #tpu.memory_space<vmem>>, vector<16xf32>,
      tpu.vector_store %arg9[%parallel_loop3A_148, %parallel_loop3A_149], %parallel_loop3A_147 {strides = array<i32>} : memref<64x128xf32, #tpu.memory_space<vmem>>, vector<16xf32>,
      %parallel_loop3A_151 = tpu.vector_load_idx %arg7[%add3A_36, %parallel_loop3A_118] : memref<128x128xf32, #tpu.memory_space<vmem>>[vector<16xi32>, vector<16xi32>], vector<16xf32>,
      %parallel_loop3A_152 = arith.mulf %parallel_loop3A_151, %parallel_loop3A_119 : vector<16xf32>
      %parallel_loop3A_153 = arith.addf %parallel_loop3A_152, %parallel_loop3A_120 : vector<16xf32>
      %parallel_loop3A_154 = arith.index_cast %parallel_loop3A_116 : i32 to index
      %parallel_loop3A_155 = arith.constant 80 : index
      %parallel_loop3A_156 = tpu.vector_load %arg9[%parallel_loop3A_154, %parallel_loop3A_155] {strides = array<i32>} : memref<64x128xf32, #tpu.memory_space<vmem>>, vector<16xf32>,
      tpu.vector_store %arg9[%parallel_loop3A_154, %parallel_loop3A_155], %parallel_loop3A_153 {strides = array<i32>} : memref<64x128xf32, #tpu.memory_space<vmem>>, vector<16xf32>,
      %parallel_loop3A_157 = tpu.vector_load_idx %arg7[%add3A_39, %parallel_loop3A_118] : memref<128x128xf32, #tpu.memory_space<vmem>>[vector<16xi32>, vector<16xi32>], vector<16xf32>,
      %parallel_loop3A_158 = arith.mulf %parallel_loop3A_157, %parallel_loop3A_119 : vector<16xf32>
      %parallel_loop3A_159 = arith.addf %parallel_loop3A_158, %parallel_loop3A_120 : vector<16xf32>
      %parallel_loop3A_160 = arith.index_cast %parallel_loop3A_116 : i32 to index
      %parallel_loop3A_161 = arith.constant 96 : index
      %parallel_loop3A_162 = tpu.vector_load %arg9[%parallel_loop3A_160, %parallel_loop3A_161] {strides = array<i32>} : memref<64x128xf32, #tpu.memory_space<vmem>>, vector<16xf32>,
      tpu.vector_store %arg9[%parallel_loop3A_160, %parallel_loop3A_161], %parallel_loop3A_159 {strides = array<i32>} : memref<64x128xf32, #tpu.memory_space<vmem>>, vector<16xf32>,
      %parallel_loop3A_163 = tpu.vector_load_idx %arg7[%add3A_42, %parallel_loop3A_118] : memref<128x128xf32, #tpu.memory_space<vmem>>[vector<16xi32>, vector<16xi32>], vector<16xf32>,
      %parallel_loop3A_164 = arith.mulf %parallel_loop3A_163, %parallel_loop3A_119 : vector<16xf32>
      %parallel_loop3A_165 = arith.addf %parallel_loop3A_164, %parallel_loop3A_120 : vector<16xf32>
      %parallel_loop3A_166 = arith.index_cast %parallel_loop3A_116 : i32 to index
      %parallel_loop3A_167 = arith.constant 112 : index
      %parallel_loop3A_168 = tpu.vector_load %arg9[%parallel_loop3A_166, %parallel_loop3A_167] {strides = array<i32>} : memref<64x128xf32, #tpu.memory_space<vmem>>, vector<16xf32>,
      tpu.vector_store %arg9[%parallel_loop3A_166, %parallel_loop3A_167], %parallel_loop3A_165 {strides = array<i32>} : memref<64x128xf32, #tpu.memory_space<vmem>>, vector<16xf32>,
    } {sc.loop_unroll_factor = 4 : i64, sc.parallel_access}
    %dma_start3A_55 = arith.constant 0 : i32
    %dma_start3A_56 = tpu.memref_slice %arg6[%dma_start3A_55, %add3A_12] : memref<64x16384xf32, #tpu.memory_space<hbm>> -> memref<64x128xf32, #tpu.memory_space<hbm>>
    %dma_start3A_57 = arith.constant 0 : i32
    %dma_start3A_58 = tpu.memref_slice %arg6[%dma_start3A_57, %add3A_12] : memref<64x16384xf32, #tpu.memory_space<hbm>> -> memref<64x128xf32, #tpu.memory_space<hbm>>
    tpu.enqueue_dma source(%arg9 : memref<64x128xf32, #tpu.memory_space<vmem>>) target(%dma_start3A_58 : memref<64x128xf32, #tpu.memory_space<hbm>>) target_semaphore(%arg16 : memref<!tpu.dma_semaphore, #tpu.memory_space<semaphore_mem>>)
    %dma_start3A_59 = arith.constant 0 : i32
    %dma_start3A_60 = tpu.memref_slice %arg2[%add3A_8, %dma_start3A_59] : memref<16384x128xf32, #tpu.memory_space<hbm>> -> memref<128x128xf32, #tpu.memory_space<hbm>>
    %dma_start3A_61 = arith.constant 0 : i32
    %dma_start3A_62 = tpu.memref_slice %arg2[%add3A_8, %dma_start3A_61] : memref<16384x128xf32, #tpu.memory_space<hbm>> -> memref<128x128xf32, #tpu.memory_space<hbm>>
    tpu.enqueue_dma source(%dma_start3A_62 : memref<128x128xf32, #tpu.memory_space<hbm>>) target(%arg7 : memref<128x128xf32, #tpu.memory_space<vmem>>) target_semaphore(%arg14 : memref<!tpu.dma_semaphore, #tpu.memory_space<semaphore_mem>>)
    %dma_wait3A_63 = arith.constant 0 : i32
    %dma_wait3A_64 = tpu.memref_slice %arg2[%add3A_6, %dma_wait3A_63] : memref<16384x128xf32, #tpu.memory_space<hbm>> -> memref<128x128xf32, #tpu.memory_space<hbm>>
    %dma_wait3A_65 = arith.constant 0 : i32
    %dma_wait3A_66 = tpu.memref_slice %arg2[%add3A_6, %dma_wait3A_65] : memref<16384x128xf32, #tpu.memory_space<hbm>> -> memref<128x128xf32, #tpu.memory_space<hbm>>
    tpu.wait_dma2 semaphore(%arg15 : memref<!tpu.dma_semaphore, #tpu.memory_space<semaphore_mem>>) src(%dma_wait3A_66 : memref<128x128xf32, #tpu.memory_space<hbm>>) dst(%arg8 : memref<128x128xf32, #tpu.memory_space<vmem>>)
    %parallel_loop3A_67 = arith.constant 0 : i32
    %parallel_loop3A_68 = arith.constant 64 : i32
    %parallel_loop3A_69 = arith.constant 1 : i32
    scf.for %parallel_loop3A_116 = %parallel_loop3A_67 to %parallel_loop3A_68 step %parallel_loop3A_69  : i32 {
      %parallel_loop3A_117 = vector.broadcast %parallel_loop3A_116 : i32 to vector<16xi32>
      %parallel_loop3A_118 = tpu.vector_load_idx %arg11[%parallel_loop3A_117] : memref<64xi32, #tpu.memory_space<vmem>>[vector<16xi32>], vector<16xi32>,
      %parallel_loop3A_119 = tpu.vector_load_idx %arg12[%parallel_loop3A_117] : memref<64xf32, #tpu.memory_space<vmem>>[vector<16xi32>], vector<16xf32>,
      %parallel_loop3A_120 = tpu.vector_load_idx %arg13[%parallel_loop3A_117] : memref<64xf32, #tpu.memory_space<vmem>>[vector<16xi32>], vector<16xf32>,
      %parallel_loop3A_121 = tpu.vector_load_idx %arg8[%add3A_21, %parallel_loop3A_118] : memref<128x128xf32, #tpu.memory_space<vmem>>[vector<16xi32>, vector<16xi32>], vector<16xf32>,
      %parallel_loop3A_122 = arith.mulf %parallel_loop3A_121, %parallel_loop3A_119 : vector<16xf32>
      %parallel_loop3A_123 = arith.addf %parallel_loop3A_122, %parallel_loop3A_120 : vector<16xf32>
      %parallel_loop3A_124 = arith.index_cast %parallel_loop3A_116 : i32 to index
      %parallel_loop3A_125 = arith.constant 0 : index
      %parallel_loop3A_126 = tpu.vector_load %arg10[%parallel_loop3A_124, %parallel_loop3A_125] {strides = array<i32>} : memref<64x128xf32, #tpu.memory_space<vmem>>, vector<16xf32>,
      tpu.vector_store %arg10[%parallel_loop3A_124, %parallel_loop3A_125], %parallel_loop3A_123 {strides = array<i32>} : memref<64x128xf32, #tpu.memory_space<vmem>>, vector<16xf32>,
      %parallel_loop3A_127 = tpu.vector_load_idx %arg8[%add3A_24, %parallel_loop3A_118] : memref<128x128xf32, #tpu.memory_space<vmem>>[vector<16xi32>, vector<16xi32>], vector<16xf32>,
      %parallel_loop3A_128 = arith.mulf %parallel_loop3A_127, %parallel_loop3A_119 : vector<16xf32>
      %parallel_loop3A_129 = arith.addf %parallel_loop3A_128, %parallel_loop3A_120 : vector<16xf32>
      %parallel_loop3A_130 = arith.index_cast %parallel_loop3A_116 : i32 to index
      %parallel_loop3A_131 = arith.constant 16 : index
      %parallel_loop3A_132 = tpu.vector_load %arg10[%parallel_loop3A_130, %parallel_loop3A_131] {strides = array<i32>} : memref<64x128xf32, #tpu.memory_space<vmem>>, vector<16xf32>,
      tpu.vector_store %arg10[%parallel_loop3A_130, %parallel_loop3A_131], %parallel_loop3A_129 {strides = array<i32>} : memref<64x128xf32, #tpu.memory_space<vmem>>, vector<16xf32>,
      %parallel_loop3A_133 = tpu.vector_load_idx %arg8[%add3A_27, %parallel_loop3A_118] : memref<128x128xf32, #tpu.memory_space<vmem>>[vector<16xi32>, vector<16xi32>], vector<16xf32>,
      %parallel_loop3A_134 = arith.mulf %parallel_loop3A_133, %parallel_loop3A_119 : vector<16xf32>
      %parallel_loop3A_135 = arith.addf %parallel_loop3A_134, %parallel_loop3A_120 : vector<16xf32>
      %parallel_loop3A_136 = arith.index_cast %parallel_loop3A_116 : i32 to index
      %parallel_loop3A_137 = arith.constant 32 : index
      %parallel_loop3A_138 = tpu.vector_load %arg10[%parallel_loop3A_136, %parallel_loop3A_137] {strides = array<i32>} : memref<64x128xf32, #tpu.memory_space<vmem>>, vector<16xf32>,
      tpu.vector_store %arg10[%parallel_loop3A_136, %parallel_loop3A_137], %parallel_loop3A_135 {strides = array<i32>} : memref<64x128xf32, #tpu.memory_space<vmem>>, vector<16xf32>,
      %parallel_loop3A_139 = tpu.vector_load_idx %arg8[%add3A_30, %parallel_loop3A_118] : memref<128x128xf32, #tpu.memory_space<vmem>>[vector<16xi32>, vector<16xi32>], vector<16xf32>,
      %parallel_loop3A_140 = arith.mulf %parallel_loop3A_139, %parallel_loop3A_119 : vector<16xf32>
      %parallel_loop3A_141 = arith.addf %parallel_loop3A_140, %parallel_loop3A_120 : vector<16xf32>
      %parallel_loop3A_142 = arith.index_cast %parallel_loop3A_116 : i32 to index
      %parallel_loop3A_143 = arith.constant 48 : index
      %parallel_loop3A_144 = tpu.vector_load %arg10[%parallel_loop3A_142, %parallel_loop3A_143] {strides = array<i32>} : memref<64x128xf32, #tpu.memory_space<vmem>>, vector<16xf32>,
      tpu.vector_store %arg10[%parallel_loop3A_142, %parallel_loop3A_143], %parallel_loop3A_141 {strides = array<i32>} : memref<64x128xf32, #tpu.memory_space<vmem>>, vector<16xf32>,
      %parallel_loop3A_145 = tpu.vector_load_idx %arg8[%add3A_33, %parallel_loop3A_118] : memref<128x128xf32, #tpu.memory_space<vmem>>[vector<16xi32>, vector<16xi32>], vector<16xf32>,
      %parallel_loop3A_146 = arith.mulf %parallel_loop3A_145, %parallel_loop3A_119 : vector<16xf32>
      %parallel_loop3A_147 = arith.addf %parallel_loop3A_146, %parallel_loop3A_120 : vector<16xf32>
      %parallel_loop3A_148 = arith.index_cast %parallel_loop3A_116 : i32 to index
      %parallel_loop3A_149 = arith.constant 64 : index
      %parallel_loop3A_150 = tpu.vector_load %arg10[%parallel_loop3A_148, %parallel_loop3A_149] {strides = array<i32>} : memref<64x128xf32, #tpu.memory_space<vmem>>, vector<16xf32>,
      tpu.vector_store %arg10[%parallel_loop3A_148, %parallel_loop3A_149], %parallel_loop3A_147 {strides = array<i32>} : memref<64x128xf32, #tpu.memory_space<vmem>>, vector<16xf32>,
      %parallel_loop3A_151 = tpu.vector_load_idx %arg8[%add3A_36, %parallel_loop3A_118] : memref<128x128xf32, #tpu.memory_space<vmem>>[vector<16xi32>, vector<16xi32>], vector<16xf32>,
      %parallel_loop3A_152 = arith.mulf %parallel_loop3A_151, %parallel_loop3A_119 : vector<16xf32>
      %parallel_loop3A_153 = arith.addf %parallel_loop3A_152, %parallel_loop3A_120 : vector<16xf32>
      %parallel_loop3A_154 = arith.index_cast %parallel_loop3A_116 : i32 to index
      %parallel_loop3A_155 = arith.constant 80 : index
      %parallel_loop3A_156 = tpu.vector_load %arg10[%parallel_loop3A_154, %parallel_loop3A_155] {strides = array<i32>} : memref<64x128xf32, #tpu.memory_space<vmem>>, vector<16xf32>,
      tpu.vector_store %arg10[%parallel_loop3A_154, %parallel_loop3A_155], %parallel_loop3A_153 {strides = array<i32>} : memref<64x128xf32, #tpu.memory_space<vmem>>, vector<16xf32>,
      %parallel_loop3A_157 = tpu.vector_load_idx %arg8[%add3A_39, %parallel_loop3A_118] : memref<128x128xf32, #tpu.memory_space<vmem>>[vector<16xi32>, vector<16xi32>], vector<16xf32>,
      %parallel_loop3A_158 = arith.mulf %parallel_loop3A_157, %parallel_loop3A_119 : vector<16xf32>
      %parallel_loop3A_159 = arith.addf %parallel_loop3A_158, %parallel_loop3A_120 : vector<16xf32>
      %parallel_loop3A_160 = arith.index_cast %parallel_loop3A_116 : i32 to index
      %parallel_loop3A_161 = arith.constant 96 : index
      %parallel_loop3A_162 = tpu.vector_load %arg10[%parallel_loop3A_160, %parallel_loop3A_161] {strides = array<i32>} : memref<64x128xf32, #tpu.memory_space<vmem>>, vector<16xf32>,
      tpu.vector_store %arg10[%parallel_loop3A_160, %parallel_loop3A_161], %parallel_loop3A_159 {strides = array<i32>} : memref<64x128xf32, #tpu.memory_space<vmem>>, vector<16xf32>,
      %parallel_loop3A_163 = tpu.vector_load_idx %arg8[%add3A_42, %parallel_loop3A_118] : memref<128x128xf32, #tpu.memory_space<vmem>>[vector<16xi32>, vector<16xi32>], vector<16xf32>,
      %parallel_loop3A_164 = arith.mulf %parallel_loop3A_163, %parallel_loop3A_119 : vector<16xf32>
      %parallel_loop3A_165 = arith.addf %parallel_loop3A_164, %parallel_loop3A_120 : vector<16xf32>
      %parallel_loop3A_166 = arith.index_cast %parallel_loop3A_116 : i32 to index
      %parallel_loop3A_167 = arith.constant 112 : index
      %parallel_loop3A_168 = tpu.vector_load %arg10[%parallel_loop3A_166, %parallel_loop3A_167] {strides = array<i32>} : memref<64x128xf32, #tpu.memory_space<vmem>>, vector<16xf32>,
      tpu.vector_store %arg10[%parallel_loop3A_166, %parallel_loop3A_167], %parallel_loop3A_165 {strides = array<i32>} : memref<64x128xf32, #tpu.memory_space<vmem>>, vector<16xf32>,
    } {sc.loop_unroll_factor = 4 : i64, sc.parallel_access}
    %dma_start3A_70 = arith.constant 0 : i32
    %dma_start3A_71 = tpu.memref_slice %arg6[%dma_start3A_70, %add3A_14] : memref<64x16384xf32, #tpu.memory_space<hbm>> -> memref<64x128xf32, #tpu.memory_space<hbm>>
    %dma_start3A_72 = arith.constant 0 : i32
    %dma_start3A_73 = tpu.memref_slice %arg6[%dma_start3A_72, %add3A_14] : memref<64x16384xf32, #tpu.memory_space<hbm>> -> memref<64x128xf32, #tpu.memory_space<hbm>>
    tpu.enqueue_dma source(%arg10 : memref<64x128xf32, #tpu.memory_space<vmem>>) target(%dma_start3A_73 : memref<64x128xf32, #tpu.memory_space<hbm>>) target_semaphore(%arg17 : memref<!tpu.dma_semaphore, #tpu.memory_space<semaphore_mem>>)
    %dma_start3A_74 = arith.constant 0 : i32
    %dma_start3A_75 = tpu.memref_slice %arg2[%add3A_10, %dma_start3A_74] : memref<16384x128xf32, #tpu.memory_space<hbm>> -> memref<128x128xf32, #tpu.memory_space<hbm>>
    %dma_start3A_76 = arith.constant 0 : i32
    %dma_start3A_77 = tpu.memref_slice %arg2[%add3A_10, %dma_start3A_76] : memref<16384x128xf32, #tpu.memory_space<hbm>> -> memref<128x128xf32, #tpu.memory_space<hbm>>
    tpu.enqueue_dma source(%dma_start3A_77 : memref<128x128xf32, #tpu.memory_space<hbm>>) target(%arg8 : memref<128x128xf32, #tpu.memory_space<vmem>>) target_semaphore(%arg15 : memref<!tpu.dma_semaphore, #tpu.memory_space<semaphore_mem>>)
    %dma_wait3A_78 = arith.constant 0 : i32
    %dma_wait3A_79 = tpu.memref_slice %arg2[%add3A_8, %dma_wait3A_78] : memref<16384x128xf32, #tpu.memory_space<hbm>> -> memref<128x128xf32, #tpu.memory_space<hbm>>
    %dma_wait3A_80 = arith.constant 0 : i32
    %dma_wait3A_81 = tpu.memref_slice %arg2[%add3A_8, %dma_wait3A_80] : memref<16384x128xf32, #tpu.memory_space<hbm>> -> memref<128x128xf32, #tpu.memory_space<hbm>>
    tpu.wait_dma2 semaphore(%arg14 : memref<!tpu.dma_semaphore, #tpu.memory_space<semaphore_mem>>) src(%dma_wait3A_81 : memref<128x128xf32, #tpu.memory_space<hbm>>) dst(%arg7 : memref<128x128xf32, #tpu.memory_space<vmem>>)
    %dma_wait3A_82 = arith.constant 0 : i32
    %dma_wait3A_83 = tpu.memref_slice %arg6[%dma_wait3A_82, %add3A_12] : memref<64x16384xf32, #tpu.memory_space<hbm>> -> memref<64x128xf32, #tpu.memory_space<hbm>>
    %dma_wait3A_84 = arith.constant 0 : i32
    %dma_wait3A_85 = tpu.memref_slice %arg6[%dma_wait3A_84, %add3A_12] : memref<64x16384xf32, #tpu.memory_space<hbm>> -> memref<64x128xf32, #tpu.memory_space<hbm>>
    tpu.wait_dma2 semaphore(%arg16 : memref<!tpu.dma_semaphore, #tpu.memory_space<semaphore_mem>>) src(%arg9 : memref<64x128xf32, #tpu.memory_space<vmem>>) dst(%dma_wait3A_85 : memref<64x128xf32, #tpu.memory_space<hbm>>)
    %parallel_loop3A_86 = arith.constant 0 : i32
    %parallel_loop3A_87 = arith.constant 64 : i32
    %parallel_loop3A_88 = arith.constant 1 : i32
    scf.for %parallel_loop3A_116 = %parallel_loop3A_86 to %parallel_loop3A_87 step %parallel_loop3A_88  : i32 {
      %parallel_loop3A_117 = vector.broadcast %parallel_loop3A_116 : i32 to vector<16xi32>
      %parallel_loop3A_118 = tpu.vector_load_idx %arg11[%parallel_loop3A_117] : memref<64xi32, #tpu.memory_space<vmem>>[vector<16xi32>], vector<16xi32>,
      %parallel_loop3A_119 = tpu.vector_load_idx %arg12[%parallel_loop3A_117] : memref<64xf32, #tpu.memory_space<vmem>>[vector<16xi32>], vector<16xf32>,
      %parallel_loop3A_120 = tpu.vector_load_idx %arg13[%parallel_loop3A_117] : memref<64xf32, #tpu.memory_space<vmem>>[vector<16xi32>], vector<16xf32>,
      %parallel_loop3A_121 = tpu.vector_load_idx %arg7[%add3A_21, %parallel_loop3A_118] : memref<128x128xf32, #tpu.memory_space<vmem>>[vector<16xi32>, vector<16xi32>], vector<16xf32>,
      %parallel_loop3A_122 = arith.mulf %parallel_loop3A_121, %parallel_loop3A_119 : vector<16xf32>
      %parallel_loop3A_123 = arith.addf %parallel_loop3A_122, %parallel_loop3A_120 : vector<16xf32>
      %parallel_loop3A_124 = arith.index_cast %parallel_loop3A_116 : i32 to index
      %parallel_loop3A_125 = arith.constant 0 : index
      %parallel_loop3A_126 = tpu.vector_load %arg9[%parallel_loop3A_124, %parallel_loop3A_125] {strides = array<i32>} : memref<64x128xf32, #tpu.memory_space<vmem>>, vector<16xf32>,
      tpu.vector_store %arg9[%parallel_loop3A_124, %parallel_loop3A_125], %parallel_loop3A_123 {strides = array<i32>} : memref<64x128xf32, #tpu.memory_space<vmem>>, vector<16xf32>,
      %parallel_loop3A_127 = tpu.vector_load_idx %arg7[%add3A_24, %parallel_loop3A_118] : memref<128x128xf32, #tpu.memory_space<vmem>>[vector<16xi32>, vector<16xi32>], vector<16xf32>,
      %parallel_loop3A_128 = arith.mulf %parallel_loop3A_127, %parallel_loop3A_119 : vector<16xf32>
      %parallel_loop3A_129 = arith.addf %parallel_loop3A_128, %parallel_loop3A_120 : vector<16xf32>
      %parallel_loop3A_130 = arith.index_cast %parallel_loop3A_116 : i32 to index
      %parallel_loop3A_131 = arith.constant 16 : index
      %parallel_loop3A_132 = tpu.vector_load %arg9[%parallel_loop3A_130, %parallel_loop3A_131] {strides = array<i32>} : memref<64x128xf32, #tpu.memory_space<vmem>>, vector<16xf32>,
      tpu.vector_store %arg9[%parallel_loop3A_130, %parallel_loop3A_131], %parallel_loop3A_129 {strides = array<i32>} : memref<64x128xf32, #tpu.memory_space<vmem>>, vector<16xf32>,
      %parallel_loop3A_133 = tpu.vector_load_idx %arg7[%add3A_27, %parallel_loop3A_118] : memref<128x128xf32, #tpu.memory_space<vmem>>[vector<16xi32>, vector<16xi32>], vector<16xf32>,
      %parallel_loop3A_134 = arith.mulf %parallel_loop3A_133, %parallel_loop3A_119 : vector<16xf32>
      %parallel_loop3A_135 = arith.addf %parallel_loop3A_134, %parallel_loop3A_120 : vector<16xf32>
      %parallel_loop3A_136 = arith.index_cast %parallel_loop3A_116 : i32 to index
      %parallel_loop3A_137 = arith.constant 32 : index
      %parallel_loop3A_138 = tpu.vector_load %arg9[%parallel_loop3A_136, %parallel_loop3A_137] {strides = array<i32>} : memref<64x128xf32, #tpu.memory_space<vmem>>, vector<16xf32>,
      tpu.vector_store %arg9[%parallel_loop3A_136, %parallel_loop3A_137], %parallel_loop3A_135 {strides = array<i32>} : memref<64x128xf32, #tpu.memory_space<vmem>>, vector<16xf32>,
      %parallel_loop3A_139 = tpu.vector_load_idx %arg7[%add3A_30, %parallel_loop3A_118] : memref<128x128xf32, #tpu.memory_space<vmem>>[vector<16xi32>, vector<16xi32>], vector<16xf32>,
      %parallel_loop3A_140 = arith.mulf %parallel_loop3A_139, %parallel_loop3A_119 : vector<16xf32>
      %parallel_loop3A_141 = arith.addf %parallel_loop3A_140, %parallel_loop3A_120 : vector<16xf32>
      %parallel_loop3A_142 = arith.index_cast %parallel_loop3A_116 : i32 to index
      %parallel_loop3A_143 = arith.constant 48 : index
      %parallel_loop3A_144 = tpu.vector_load %arg9[%parallel_loop3A_142, %parallel_loop3A_143] {strides = array<i32>} : memref<64x128xf32, #tpu.memory_space<vmem>>, vector<16xf32>,
      tpu.vector_store %arg9[%parallel_loop3A_142, %parallel_loop3A_143], %parallel_loop3A_141 {strides = array<i32>} : memref<64x128xf32, #tpu.memory_space<vmem>>, vector<16xf32>,
      %parallel_loop3A_145 = tpu.vector_load_idx %arg7[%add3A_33, %parallel_loop3A_118] : memref<128x128xf32, #tpu.memory_space<vmem>>[vector<16xi32>, vector<16xi32>], vector<16xf32>,
      %parallel_loop3A_146 = arith.mulf %parallel_loop3A_145, %parallel_loop3A_119 : vector<16xf32>
      %parallel_loop3A_147 = arith.addf %parallel_loop3A_146, %parallel_loop3A_120 : vector<16xf32>
      %parallel_loop3A_148 = arith.index_cast %parallel_loop3A_116 : i32 to index
      %parallel_loop3A_149 = arith.constant 64 : index
      %parallel_loop3A_150 = tpu.vector_load %arg9[%parallel_loop3A_148, %parallel_loop3A_149] {strides = array<i32>} : memref<64x128xf32, #tpu.memory_space<vmem>>, vector<16xf32>,
      tpu.vector_store %arg9[%parallel_loop3A_148, %parallel_loop3A_149], %parallel_loop3A_147 {strides = array<i32>} : memref<64x128xf32, #tpu.memory_space<vmem>>, vector<16xf32>,
      %parallel_loop3A_151 = tpu.vector_load_idx %arg7[%add3A_36, %parallel_loop3A_118] : memref<128x128xf32, #tpu.memory_space<vmem>>[vector<16xi32>, vector<16xi32>], vector<16xf32>,
      %parallel_loop3A_152 = arith.mulf %parallel_loop3A_151, %parallel_loop3A_119 : vector<16xf32>
      %parallel_loop3A_153 = arith.addf %parallel_loop3A_152, %parallel_loop3A_120 : vector<16xf32>
      %parallel_loop3A_154 = arith.index_cast %parallel_loop3A_116 : i32 to index
      %parallel_loop3A_155 = arith.constant 80 : index
      %parallel_loop3A_156 = tpu.vector_load %arg9[%parallel_loop3A_154, %parallel_loop3A_155] {strides = array<i32>} : memref<64x128xf32, #tpu.memory_space<vmem>>, vector<16xf32>,
      tpu.vector_store %arg9[%parallel_loop3A_154, %parallel_loop3A_155], %parallel_loop3A_153 {strides = array<i32>} : memref<64x128xf32, #tpu.memory_space<vmem>>, vector<16xf32>,
      %parallel_loop3A_157 = tpu.vector_load_idx %arg7[%add3A_39, %parallel_loop3A_118] : memref<128x128xf32, #tpu.memory_space<vmem>>[vector<16xi32>, vector<16xi32>], vector<16xf32>,
      %parallel_loop3A_158 = arith.mulf %parallel_loop3A_157, %parallel_loop3A_119 : vector<16xf32>
      %parallel_loop3A_159 = arith.addf %parallel_loop3A_158, %parallel_loop3A_120 : vector<16xf32>
      %parallel_loop3A_160 = arith.index_cast %parallel_loop3A_116 : i32 to index
      %parallel_loop3A_161 = arith.constant 96 : index
      %parallel_loop3A_162 = tpu.vector_load %arg9[%parallel_loop3A_160, %parallel_loop3A_161] {strides = array<i32>} : memref<64x128xf32, #tpu.memory_space<vmem>>, vector<16xf32>,
      tpu.vector_store %arg9[%parallel_loop3A_160, %parallel_loop3A_161], %parallel_loop3A_159 {strides = array<i32>} : memref<64x128xf32, #tpu.memory_space<vmem>>, vector<16xf32>,
      %parallel_loop3A_163 = tpu.vector_load_idx %arg7[%add3A_42, %parallel_loop3A_118] : memref<128x128xf32, #tpu.memory_space<vmem>>[vector<16xi32>, vector<16xi32>], vector<16xf32>,
      %parallel_loop3A_164 = arith.mulf %parallel_loop3A_163, %parallel_loop3A_119 : vector<16xf32>
      %parallel_loop3A_165 = arith.addf %parallel_loop3A_164, %parallel_loop3A_120 : vector<16xf32>
      %parallel_loop3A_166 = arith.index_cast %parallel_loop3A_116 : i32 to index
      %parallel_loop3A_167 = arith.constant 112 : index
      %parallel_loop3A_168 = tpu.vector_load %arg9[%parallel_loop3A_166, %parallel_loop3A_167] {strides = array<i32>} : memref<64x128xf32, #tpu.memory_space<vmem>>, vector<16xf32>,
      tpu.vector_store %arg9[%parallel_loop3A_166, %parallel_loop3A_167], %parallel_loop3A_165 {strides = array<i32>} : memref<64x128xf32, #tpu.memory_space<vmem>>, vector<16xf32>,
    } {sc.loop_unroll_factor = 4 : i64, sc.parallel_access}
    %dma_start3A_89 = arith.constant 0 : i32
    %dma_start3A_90 = tpu.memref_slice %arg6[%dma_start3A_89, %add3A_16] : memref<64x16384xf32, #tpu.memory_space<hbm>> -> memref<64x128xf32, #tpu.memory_space<hbm>>
    %dma_start3A_91 = arith.constant 0 : i32
    %dma_start3A_92 = tpu.memref_slice %arg6[%dma_start3A_91, %add3A_16] : memref<64x16384xf32, #tpu.memory_space<hbm>> -> memref<64x128xf32, #tpu.memory_space<hbm>>
    tpu.enqueue_dma source(%arg9 : memref<64x128xf32, #tpu.memory_space<vmem>>) target(%dma_start3A_92 : memref<64x128xf32, #tpu.memory_space<hbm>>) target_semaphore(%arg16 : memref<!tpu.dma_semaphore, #tpu.memory_space<semaphore_mem>>)
    %dma_wait3A_93 = arith.constant 0 : i32
    %dma_wait3A_94 = tpu.memref_slice %arg2[%add3A_10, %dma_wait3A_93] : memref<16384x128xf32, #tpu.memory_space<hbm>> -> memref<128x128xf32, #tpu.memory_space<hbm>>
    %dma_wait3A_95 = arith.constant 0 : i32
    %dma_wait3A_96 = tpu.memref_slice %arg2[%add3A_10, %dma_wait3A_95] : memref<16384x128xf32, #tpu.memory_space<hbm>> -> memref<128x128xf32, #tpu.memory_space<hbm>>
    tpu.wait_dma2 semaphore(%arg15 : memref<!tpu.dma_semaphore, #tpu.memory_space<semaphore_mem>>) src(%dma_wait3A_96 : memref<128x128xf32, #tpu.memory_space<hbm>>) dst(%arg8 : memref<128x128xf32, #tpu.memory_space<vmem>>)
    %dma_wait3A_97 = arith.constant 0 : i32
    %dma_wait3A_98 = tpu.memref_slice %arg6[%dma_wait3A_97, %add3A_14] : memref<64x16384xf32, #tpu.memory_space<hbm>> -> memref<64x128xf32, #tpu.memory_space<hbm>>
    %dma_wait3A_99 = arith.constant 0 : i32
    %dma_wait3A_100 = tpu.memref_slice %arg6[%dma_wait3A_99, %add3A_14] : memref<64x16384xf32, #tpu.memory_space<hbm>> -> memref<64x128xf32, #tpu.memory_space<hbm>>
    tpu.wait_dma2 semaphore(%arg17 : memref<!tpu.dma_semaphore, #tpu.memory_space<semaphore_mem>>) src(%arg10 : memref<64x128xf32, #tpu.memory_space<vmem>>) dst(%dma_wait3A_100 : memref<64x128xf32, #tpu.memory_space<hbm>>)
    %parallel_loop3A_101 = arith.constant 0 : i32
    %parallel_loop3A_102 = arith.constant 64 : i32
    %parallel_loop3A_103 = arith.constant 1 : i32
    scf.for %parallel_loop3A_116 = %parallel_loop3A_101 to %parallel_loop3A_102 step %parallel_loop3A_103  : i32 {
      %parallel_loop3A_117 = vector.broadcast %parallel_loop3A_116 : i32 to vector<16xi32>
      %parallel_loop3A_118 = tpu.vector_load_idx %arg11[%parallel_loop3A_117] : memref<64xi32, #tpu.memory_space<vmem>>[vector<16xi32>], vector<16xi32>,
      %parallel_loop3A_119 = tpu.vector_load_idx %arg12[%parallel_loop3A_117] : memref<64xf32, #tpu.memory_space<vmem>>[vector<16xi32>], vector<16xf32>,
      %parallel_loop3A_120 = tpu.vector_load_idx %arg13[%parallel_loop3A_117] : memref<64xf32, #tpu.memory_space<vmem>>[vector<16xi32>], vector<16xf32>,
      %parallel_loop3A_121 = tpu.vector_load_idx %arg8[%add3A_21, %parallel_loop3A_118] : memref<128x128xf32, #tpu.memory_space<vmem>>[vector<16xi32>, vector<16xi32>], vector<16xf32>,
      %parallel_loop3A_122 = arith.mulf %parallel_loop3A_121, %parallel_loop3A_119 : vector<16xf32>
      %parallel_loop3A_123 = arith.addf %parallel_loop3A_122, %parallel_loop3A_120 : vector<16xf32>
      %parallel_loop3A_124 = arith.index_cast %parallel_loop3A_116 : i32 to index
      %parallel_loop3A_125 = arith.constant 0 : index
      %parallel_loop3A_126 = tpu.vector_load %arg10[%parallel_loop3A_124, %parallel_loop3A_125] {strides = array<i32>} : memref<64x128xf32, #tpu.memory_space<vmem>>, vector<16xf32>,
      tpu.vector_store %arg10[%parallel_loop3A_124, %parallel_loop3A_125], %parallel_loop3A_123 {strides = array<i32>} : memref<64x128xf32, #tpu.memory_space<vmem>>, vector<16xf32>,
      %parallel_loop3A_127 = tpu.vector_load_idx %arg8[%add3A_24, %parallel_loop3A_118] : memref<128x128xf32, #tpu.memory_space<vmem>>[vector<16xi32>, vector<16xi32>], vector<16xf32>,
      %parallel_loop3A_128 = arith.mulf %parallel_loop3A_127, %parallel_loop3A_119 : vector<16xf32>
      %parallel_loop3A_129 = arith.addf %parallel_loop3A_128, %parallel_loop3A_120 : vector<16xf32>
      %parallel_loop3A_130 = arith.index_cast %parallel_loop3A_116 : i32 to index
      %parallel_loop3A_131 = arith.constant 16 : index
      %parallel_loop3A_132 = tpu.vector_load %arg10[%parallel_loop3A_130, %parallel_loop3A_131] {strides = array<i32>} : memref<64x128xf32, #tpu.memory_space<vmem>>, vector<16xf32>,
      tpu.vector_store %arg10[%parallel_loop3A_130, %parallel_loop3A_131], %parallel_loop3A_129 {strides = array<i32>} : memref<64x128xf32, #tpu.memory_space<vmem>>, vector<16xf32>,
      %parallel_loop3A_133 = tpu.vector_load_idx %arg8[%add3A_27, %parallel_loop3A_118] : memref<128x128xf32, #tpu.memory_space<vmem>>[vector<16xi32>, vector<16xi32>], vector<16xf32>,
      %parallel_loop3A_134 = arith.mulf %parallel_loop3A_133, %parallel_loop3A_119 : vector<16xf32>
      %parallel_loop3A_135 = arith.addf %parallel_loop3A_134, %parallel_loop3A_120 : vector<16xf32>
      %parallel_loop3A_136 = arith.index_cast %parallel_loop3A_116 : i32 to index
      %parallel_loop3A_137 = arith.constant 32 : index
      %parallel_loop3A_138 = tpu.vector_load %arg10[%parallel_loop3A_136, %parallel_loop3A_137] {strides = array<i32>} : memref<64x128xf32, #tpu.memory_space<vmem>>, vector<16xf32>,
      tpu.vector_store %arg10[%parallel_loop3A_136, %parallel_loop3A_137], %parallel_loop3A_135 {strides = array<i32>} : memref<64x128xf32, #tpu.memory_space<vmem>>, vector<16xf32>,
      %parallel_loop3A_139 = tpu.vector_load_idx %arg8[%add3A_30, %parallel_loop3A_118] : memref<128x128xf32, #tpu.memory_space<vmem>>[vector<16xi32>, vector<16xi32>], vector<16xf32>,
      %parallel_loop3A_140 = arith.mulf %parallel_loop3A_139, %parallel_loop3A_119 : vector<16xf32>
      %parallel_loop3A_141 = arith.addf %parallel_loop3A_140, %parallel_loop3A_120 : vector<16xf32>
      %parallel_loop3A_142 = arith.index_cast %parallel_loop3A_116 : i32 to index
      %parallel_loop3A_143 = arith.constant 48 : index
      %parallel_loop3A_144 = tpu.vector_load %arg10[%parallel_loop3A_142, %parallel_loop3A_143] {strides = array<i32>} : memref<64x128xf32, #tpu.memory_space<vmem>>, vector<16xf32>,
      tpu.vector_store %arg10[%parallel_loop3A_142, %parallel_loop3A_143], %parallel_loop3A_141 {strides = array<i32>} : memref<64x128xf32, #tpu.memory_space<vmem>>, vector<16xf32>,
      %parallel_loop3A_145 = tpu.vector_load_idx %arg8[%add3A_33, %parallel_loop3A_118] : memref<128x128xf32, #tpu.memory_space<vmem>>[vector<16xi32>, vector<16xi32>], vector<16xf32>,
      %parallel_loop3A_146 = arith.mulf %parallel_loop3A_145, %parallel_loop3A_119 : vector<16xf32>
      %parallel_loop3A_147 = arith.addf %parallel_loop3A_146, %parallel_loop3A_120 : vector<16xf32>
      %parallel_loop3A_148 = arith.index_cast %parallel_loop3A_116 : i32 to index
      %parallel_loop3A_149 = arith.constant 64 : index
      %parallel_loop3A_150 = tpu.vector_load %arg10[%parallel_loop3A_148, %parallel_loop3A_149] {strides = array<i32>} : memref<64x128xf32, #tpu.memory_space<vmem>>, vector<16xf32>,
      tpu.vector_store %arg10[%parallel_loop3A_148, %parallel_loop3A_149], %parallel_loop3A_147 {strides = array<i32>} : memref<64x128xf32, #tpu.memory_space<vmem>>, vector<16xf32>,
      %parallel_loop3A_151 = tpu.vector_load_idx %arg8[%add3A_36, %parallel_loop3A_118] : memref<128x128xf32, #tpu.memory_space<vmem>>[vector<16xi32>, vector<16xi32>], vector<16xf32>,
      %parallel_loop3A_152 = arith.mulf %parallel_loop3A_151, %parallel_loop3A_119 : vector<16xf32>
      %parallel_loop3A_153 = arith.addf %parallel_loop3A_152, %parallel_loop3A_120 : vector<16xf32>
      %parallel_loop3A_154 = arith.index_cast %parallel_loop3A_116 : i32 to index
      %parallel_loop3A_155 = arith.constant 80 : index
      %parallel_loop3A_156 = tpu.vector_load %arg10[%parallel_loop3A_154, %parallel_loop3A_155] {strides = array<i32>} : memref<64x128xf32, #tpu.memory_space<vmem>>, vector<16xf32>,
      tpu.vector_store %arg10[%parallel_loop3A_154, %parallel_loop3A_155], %parallel_loop3A_153 {strides = array<i32>} : memref<64x128xf32, #tpu.memory_space<vmem>>, vector<16xf32>,
      %parallel_loop3A_157 = tpu.vector_load_idx %arg8[%add3A_39, %parallel_loop3A_118] : memref<128x128xf32, #tpu.memory_space<vmem>>[vector<16xi32>, vector<16xi32>], vector<16xf32>,
      %parallel_loop3A_158 = arith.mulf %parallel_loop3A_157, %parallel_loop3A_119 : vector<16xf32>
      %parallel_loop3A_159 = arith.addf %parallel_loop3A_158, %parallel_loop3A_120 : vector<16xf32>
      %parallel_loop3A_160 = arith.index_cast %parallel_loop3A_116 : i32 to index
      %parallel_loop3A_161 = arith.constant 96 : index
      %parallel_loop3A_162 = tpu.vector_load %arg10[%parallel_loop3A_160, %parallel_loop3A_161] {strides = array<i32>} : memref<64x128xf32, #tpu.memory_space<vmem>>, vector<16xf32>,
      tpu.vector_store %arg10[%parallel_loop3A_160, %parallel_loop3A_161], %parallel_loop3A_159 {strides = array<i32>} : memref<64x128xf32, #tpu.memory_space<vmem>>, vector<16xf32>,
      %parallel_loop3A_163 = tpu.vector_load_idx %arg8[%add3A_42, %parallel_loop3A_118] : memref<128x128xf32, #tpu.memory_space<vmem>>[vector<16xi32>, vector<16xi32>], vector<16xf32>,
      %parallel_loop3A_164 = arith.mulf %parallel_loop3A_163, %parallel_loop3A_119 : vector<16xf32>
      %parallel_loop3A_165 = arith.addf %parallel_loop3A_164, %parallel_loop3A_120 : vector<16xf32>
      %parallel_loop3A_166 = arith.index_cast %parallel_loop3A_116 : i32 to index
      %parallel_loop3A_167 = arith.constant 112 : index
      %parallel_loop3A_168 = tpu.vector_load %arg10[%parallel_loop3A_166, %parallel_loop3A_167] {strides = array<i32>} : memref<64x128xf32, #tpu.memory_space<vmem>>, vector<16xf32>,
      tpu.vector_store %arg10[%parallel_loop3A_166, %parallel_loop3A_167], %parallel_loop3A_165 {strides = array<i32>} : memref<64x128xf32, #tpu.memory_space<vmem>>, vector<16xf32>,
    } {sc.loop_unroll_factor = 4 : i64, sc.parallel_access}
    %dma_start3A_104 = arith.constant 0 : i32
    %dma_start3A_105 = tpu.memref_slice %arg6[%dma_start3A_104, %add3A_18] : memref<64x16384xf32, #tpu.memory_space<hbm>> -> memref<64x128xf32, #tpu.memory_space<hbm>>
    %dma_start3A_106 = arith.constant 0 : i32
    %dma_start3A_107 = tpu.memref_slice %arg6[%dma_start3A_106, %add3A_18] : memref<64x16384xf32, #tpu.memory_space<hbm>> -> memref<64x128xf32, #tpu.memory_space<hbm>>
    tpu.enqueue_dma source(%arg10 : memref<64x128xf32, #tpu.memory_space<vmem>>) target(%dma_start3A_107 : memref<64x128xf32, #tpu.memory_space<hbm>>) target_semaphore(%arg17 : memref<!tpu.dma_semaphore, #tpu.memory_space<semaphore_mem>>)
    %dma_wait3A_108 = arith.constant 0 : i32
    %dma_wait3A_109 = tpu.memref_slice %arg6[%dma_wait3A_108, %add3A_16] : memref<64x16384xf32, #tpu.memory_space<hbm>> -> memref<64x128xf32, #tpu.memory_space<hbm>>
    %dma_wait3A_110 = arith.constant 0 : i32
    %dma_wait3A_111 = tpu.memref_slice %arg6[%dma_wait3A_110, %add3A_16] : memref<64x16384xf32, #tpu.memory_space<hbm>> -> memref<64x128xf32, #tpu.memory_space<hbm>>
    tpu.wait_dma2 semaphore(%arg16 : memref<!tpu.dma_semaphore, #tpu.memory_space<semaphore_mem>>) src(%arg9 : memref<64x128xf32, #tpu.memory_space<vmem>>) dst(%dma_wait3A_111 : memref<64x128xf32, #tpu.memory_space<hbm>>)
    %dma_wait3A_112 = arith.constant 0 : i32
    %dma_wait3A_113 = tpu.memref_slice %arg6[%dma_wait3A_112, %add3A_18] : memref<64x16384xf32, #tpu.memory_space<hbm>> -> memref<64x128xf32, #tpu.memory_space<hbm>>
    %dma_wait3A_114 = arith.constant 0 : i32
    %dma_wait3A_115 = tpu.memref_slice %arg6[%dma_wait3A_114, %add3A_18] : memref<64x16384xf32, #tpu.memory_space<hbm>> -> memref<64x128xf32, #tpu.memory_space<hbm>>
    tpu.wait_dma2 semaphore(%arg17 : memref<!tpu.dma_semaphore, #tpu.memory_space<semaphore_mem>>) src(%arg10 : memref<64x128xf32, #tpu.memory_space<vmem>>) dst(%dma_wait3A_115 : memref<64x128xf32, #tpu.memory_space<hbm>>)
    return
  }
}

</mosaic_0001>

<sc_bundles>
// kernel: kernel.3.cloned.1.call-start
scs
__scs_entry_jumppad:
0x0: {  	(pc) =	sbr.rel $0x88, $3  }
0x1: {  	(tag) =	ssettag $0x0;
	lr =	simm.s32 $0x1  }
0x2: {  	[smem:$0x3F9D] =	sst lr;
	_ =	strace $0xD0000000  }
0x3: {  	_ = 	snop  }
0x4: {  	_ = 	snop  }
0x5: {  	_ = 	snop  }
0x6: {  	_ = 	snop  }
0x7: {  	_ = 	snop  }
__scs_overlays_trampoline_lowered:
0x8: {  	[smem:$0x3FAC] =	sst s0  }
0x9: {  	[smem:$0x3FAD] =	sst s1  }
0xa: {  	[smem:$0x3FAE] =	sst s2  }
0xb: {  	[smem:$0x3FAF] =	sst s3  }
0xc: {  	[smem:$0x3FB0] =	sst s4  }
0xd: {  	[smem:$0x3FB1] =	sst s5  }
0xe: {  	[smem:$0x3FB2] =	sst s6  }
0xf: {  	[smem:$0x3FB3] =	sst s7  }
0x10: {  	[smem:$0x3FB4] =	sst s8  }
0x11: {  	[smem:$0x3FB5] =	sst s9;
	s0 =	simm.s32 @!p0 $0x0  }
0x12: {  	s1 =	sld [smem:$0x3F9B];
	s0 =	simm.s32 @p0 $0x1  }
0x13: {  	[smem:$0x3FB6] =	sst s0;
	s0 =	simm.s32 @!p1 $0x0  }
0x14: {  	s2 =	sld [smem:$0x3F9A];
	s0 =	simm.s32 @p1 $0x1  }
0x15: {  	[smem:$0x3FB7] =	sst s0;
	s0 =	simm.s32 @!p2 $0x0  }
0x16: {  	s3 =	sld [smem:$0x3FDB];
	s0 =	simm.s32 @p2 $0x1  }
0x17: {  	s4 =	simm.s32 $0x1BF5;
	[smem:$0x3FB9] =	sst s0  }
0x18: {  	s0 =	sld [smem:$0x3F9C];
	_ =	swait.ge [sflag:s4], $0x0  }
0x19: {  	s7 =	sld [smem:$0x3F9D]  }
0x1a: {  	s8 =	sadd.s32 $0xFFFFE003, lr  }
0x1b: {  	s9 =	sadd.s32 $0xFFFFFEF7, lr;
	s5 =	simm.s32 $0xFFFFFFFF;
	p2 =	slt.u32 s8, $0xFFFFF086  }
0x1c: {  	p1 =	slt.u32 s9, $0xF7A;
	s5 =	simm.s32 @!p2 $0x0  }
0x1d: {  	s5 =	simm.s32 @p1 $0x1;
	p0 =	seq.s32 s7, s2  }
0x1e: {  	s7 =	smul.u32 @!p0 $0xF7A, s2;
	p2 =	seq.s32 @!p0 s5, $0x0  }
0x1f: {  	s9 =	smul.u32 $0xF7A, s1;
	s8 =	simm.s32 @!p0 $0x1BF5;
	p2 =	por !p2, p0  }
0x20: {  	[sflag:s8] =	ssyncset.s32 @!p0 $0xFFFFF086;
	s6 =	sadd.s32 @!p0 s3, s7;
	s7 =	simm.s32 @!p0 $0x108  }
0x21: {  	s3 =	sadd.s32 s3, s9;
	s6 =	sadd.s32 @!p0 $0x88, s6;
	s7 =	simm.s32 @p2 $0x1082  }
0x22: {  	[simem:s7], [sflag:s8] =	dma.local @!p0 [hbm:s6], $0xF7A  }
0x23: {  	s9 =	sor.u32 $0xD0000000, s2;
	s6 =	simm.s32 $0x108;
	_ =	swait.ge @!p0 [sflag:s8], $0x0  }
0x24: {  	s3 =	sadd.s32 $0x88, s3;
	s6 =	simm.s32 @!p1 $0x1082;
	[sflag:s4] =	ssyncset.s32 $0xFFFFF086  }
0x25: {  	[simem:s6], [sflag:s4] =	dma.local [hbm:s3], $0xF7A  }
0x26: {  	[smem:$0x3F9D] =	sst s1;
	(tag) =	ssettag s2;
	_ =	strace s9  }
0x27: {  	s1 =	sld [smem:$0x3FAD]  }
0x28: {  	s2 =	sld [smem:$0x3FAE]  }
0x29: {  	s4 =	sld [smem:$0x3FB0]  }
0x2a: {  	p0 =	seq.s32 s5, $0x0;
	s5 =	sld [smem:$0x3FB1]  }
0x2b: {  	s6 =	sld [smem:$0x3FB2]  }
0x2c: {  	s7 =	sld [smem:$0x3FB3]  }
0x2d: {  	s3 =	simm.s32 $0x108;
	s8 =	sld [smem:$0x3FB4]  }
0x2e: {  	s3 =	simm.s32 @!p0 $0x1082;
	s9 =	sld [smem:$0x3FB5]  }
0x2f: {  	lr =	sadd.s32 s0, s3;
	s0 =	sld [smem:$0x3FAC]  }
0x30: {  	s3 =	sld [smem:$0x3FAF]  }
0x31: {  	[smem:$0x3FB8] =	sst s10  }
0x32: {  	s10 =	sld [smem:$0x3FB6];
	_ =	sdelay $0x3  }
0x33: {  	p0 =	seq.s32 s10, $0x1;
	s10 =	sld [smem:$0x3FB8];
	_ =	sdelay $0x3  }
0x34: {  	[smem:$0x3FB8] =	sst s10  }
0x35: {  	s10 =	sld [smem:$0x3FB7];
	_ =	sdelay $0x3  }
0x36: {  	p1 =	seq.s32 s10, $0x1;
	s10 =	sld [smem:$0x3FB8];
	_ =	sdelay $0x3  }
0x37: {  	[smem:$0x3FB8] =	sst s10  }
0x38: {  	s10 =	sld [smem:$0x3FB9]  }
0x39: {  	_ = 	snop;
	(pc) =	sbr.ind lr, $3  }
0x3a: {  	_ = 	snop  }
0x3b: {  	_ = 	snop  }
0x3c: {  	p2 =	seq.s32 s10, $0x1;
	s10 =	sld [smem:$0x3FB8]  }
0x3d: {  	_ =	shalt  }
0x3e: {  	_ =	shalt  }
0x3f: {  	_ =	shalt  }
0x40: {  	_ =	shalt  }
0x41: {  	_ =	shalt  }
0x42: {  	_ =	shalt  }
0x43: {  	_ =	shalt  }
0x44: {  	_ =	shalt  }
0x45: {  	_ =	shalt  }
0x46: {  	_ =	shalt  }
0x47: {  	_ =	shalt  }
0x48: {  	_ =	shalt  }
0x49: {  	_ =	shalt  }
0x4a: {  	_ =	shalt  }
0x4b: {  	_ =	shalt  }
0x4c: {  	_ =	shalt  }
0x4d: {  	_ =	shalt  }
0x4e: {  	_ =	shalt  }
0x4f: {  	_ =	shalt  }
0x50: {  	_ =	shalt  }
0x51: {  	_ =	shalt  }
0x52: {  	_ =	shalt  }
0x53: {  	_ =	shalt  }
0x54: {  	_ =	shalt  }
0x55: {  	_ =	shalt  }
0x56: {  	_ =	shalt  }
0x57: {  	_ =	shalt  }
0x58: {  	_ =	shalt  }
0x59: {  	_ =	shalt  }
0x5a: {  	_ =	shalt  }
0x5b: {  	_ =	shalt  }
0x5c: {  	_ =	shalt  }
0x5d: {  	_ =	shalt  }
0x5e: {  	_ =	shalt  }
0x5f: {  	_ =	shalt  }
0x60: {  	_ =	shalt  }
0x61: {  	_ =	shalt  }
0x62: {  	_ =	shalt  }
0x63: {  	_ =	shalt  }
0x64: {  	_ =	shalt  }
0x65: {  	_ =	shalt  }
0x66: {  	_ =	shalt  }
0x67: {  	_ =	shalt  }
0x68: {  	_ =	shalt  }
0x69: {  	_ =	shalt  }
0x6a: {  	_ =	shalt  }
0x6b: {  	_ =	shalt  }
0x6c: {  	_ =	shalt  }
0x6d: {  	_ =	shalt  }
0x6e: {  	_ =	shalt  }
0x6f: {  	_ =	shalt  }
0x70: {  	_ =	shalt  }
0x71: {  	_ =	shalt  }
0x72: {  	_ =	shalt  }
0x73: {  	_ =	shalt  }
0x74: {  	_ =	shalt  }
0x75: {  	_ =	shalt  }
0x76: {  	_ =	shalt  }
0x77: {  	_ =	shalt  }
0x78: {  	_ =	shalt  }
0x79: {  	_ =	shalt  }
0x7a: {  	_ =	shalt  }
0x7b: {  	_ =	shalt  }
0x7c: {  	_ =	shalt  }
0x7d: {  	_ =	shalt  }
0x7e: {  	_ =	shalt  }
0x7f: {  	_ =	shalt  }
0x80: {  	_ =	shalt  }
0x81: {  	_ =	shalt  }
0x82: {  	_ =	shalt  }
0x83: {  	_ =	shalt  }
0x84: {  	_ =	shalt  }
0x85: {  	_ =	shalt  }
0x86: {  	_ =	shalt  }
0x87: {  	_ =	shalt  }
.Lfunc_end0:
.L_simem_size_0:
called_computation_lowered:
.L_overlay_start_0:
0x88: {  	s2 =	sld [smem:$0x3FD9]  }
0x89: {  	s3 =	sld [smem:$0x3FFE];
	_ =	sdelay $0x1  }
0x8a: {  	s1 =	srdreg.scid  }
0x8b: {  	s0 =	sand.u32 $0x1, s1  }
0x8c: {  	s18 =	sshll.u32 s0, $0xA;
	s2 =	sadd.s32 s3, s2  }
0x8d: {  	s2 =	sadd.s32 s2, s18  }
0x8e: {  	[smem:$0x3FC4] =	sst s2  }
0x8f: {  	_ = 	snop  }
0x90: {  	s2 =	sld [smem:$0x3FC9]  }
0x91: {  	s19 =	sld [smem:$0x3FC8]  }
0x92: {  	s4 =	sld [smem:$0x3FC7]  }
0x93: {  	s5 =	sld [smem:$0x3FC6]  }
0x94: {  	s6 =	sld [smem:$0x3FD0];
	(tm) =	ssettm $0x1  }
0x95: {  	s7 =	sld [smem:$0x3FFB];
	_ =	sdelay $0x3  }
0x96: {  	_ =	strace s7  }
0x97: {  	s7 =	sld [smem:$0x3FFC];
	_ =	sdelay $0x3  }
0x98: {  	_ =	strace s7  }
0x99: {  	s7 =	sld [smem:$0x3FFD];
	_ =	sdelay $0x3  }
0x9a: {  	_ =	strace s7  }
0x9b: {  	_ =	strace $0x8FFFFFFF  }
0x9c: {  	s20 =	sld [smem:$0x3FDB];
	_ =	sdelay $0x1  }
0x9d: {  	s8 =	simm.s32 $_scs_section_size  }
0x9e: {  	s9 =	simm.s32 $_size__tile_overlayer_lowered;
	s10 =	simm.s32 $_tile_overlayer_lowered  }
0x9f: {  	s23 =	simm.s32 $0x1BFF;
	s22 =	sshll.u32 s10, $0x1;
	s7 =	sadd.s32 s8, s20  }
0xa0: {  	s11 =	simm.s32 $0x0;
	s21 =	sshll.u32 s9, $0x1;
	s9 =	sadd.s32 s22, s7  }
0xa1: {  	[timem:s11], [sflag:s23] =	dma.local [hbm:s9], s21  }
0xa2: {  	_ =	swait.ge [sflag:s23], s21  }
0xa3: {  	s8 =	ssub.s32 $0x0, s21;
	[sflag:s23] =	ssyncset.done $0x0  }
0xa4: {  	[sflag:s23] =	ssyncadd.s32 s8;
	_ =	sdelay $0x1  }
0xa5: {  	s24 =	simm.s32 $0x1B8B  }
0xa6: {  	_ =	swait.ge [sflag:s24], $0x1  }
0xa7: {  	[sflag:s24] =	ssyncset.done $0x0  }
0xa8: {  	s25 =	simm.s32 $0x1B8E;
	[sflag:s24] =	ssyncadd.s32 $0xFFFFFFFF  }
0xa9: {  	s26 =	simm.s32 $execute0_lowered;
	[smem:$0x3FD2] =	sst s25  }
0xaa: {  	s8 =	sshll.u32 s26, $0x1;
	_ =	strace $0x80000046;
	[dreg:$0x1] =	wrdreg $0xFFFFFFFF  }
0xab: {  	s28 =	simm.s32 $_size_execute0_lowered;
	s7 =	sadd.s32 s7, s8;
	[dreg:$0x0] =	wrdreg $0x0  }
0xac: {  	s8 =	sshll.u32 s28, $0x1;
	[dreg:$0x2] =	wrdreg s7  }
0xad: {  	[dreg:$0x3] =	wrdreg s8  }
0xae: {  	[dreg:$0x4] =	wrdreg $0xC0  }
0xaf: {  	_ =	task [dreg:s11], $0x5FFFF  }
0xb0: {  	[dreg:$0x1] =	wrdreg $0xFFFFFFFF  }
0xb1: {  	[dreg:$0x0] =	wrdreg $0x60  }
0xb2: {  	[dreg:$0x2] =	wrdreg s2  }
0xb3: {  	[dreg:$0x3] =	wrdreg s19  }
0xb4: {  	[dreg:$0x4] =	wrdreg s4  }
0xb5: {  	[dreg:$0x5] =	wrdreg s5  }
0xb6: {  	[dreg:$0x6] =	wrdreg s6  }
0xb7: {  	[dreg:$0x7] =	wrdreg $0x9  }
0xb8: {  	_ =	task.clear_ibuf [dreg:s11], $0x8FFFF;
	_ =	strace $0x90000046  }
0xb9: {  	s29 =	simm.s32 $0x9;
	_ =	strace $0x80000048  }
0xba: {  	_ =	swait.ge [sflag:s29], $0x1  }
0xbb: {  	[sflag:s29] =	ssyncadd.s32 $0xFFFFFFFF  }
0xbc: {  	_ =	strace $0x90000048  }
0xbd: {  	_ =	sfence  }
0xbe: {  	s30 =	sld [smem:$0x0];
	_ =	sdelay $0x2  }
0xbf: {  	s31 =	sshll.u32 s1, $0xD;
	s1 =	sshrl.u32 s1, $0x2  }
0xc0: {  	s3 =	sand.u32 $0x4000, s31;
	s1 =	sadd.s32 s1, s30  }
0xc1: {  	s0 =	sor.u32 s3, s0;
	s1 =	sshll.u32 s1, $0x11  }
0xc2: {  	s0 =	sor.u32 s1, s0  }
0xc3: {  	s0 =	sadd.s32 $0x8F2B, s0  }
0xc4: {  	[sflag:s0] =	ssyncadd.remote.s32 $0x1  }
0xc5: {  	_ =	sfence.sel $0xFFFF  }
0xc6: {  	[dreg:$0x0] =	wrdreg $0xFFFFFFFF;
	(pc) =	sbr.abs _section_cstart, $3  }
0xc7: {  	[dreg:$0x1] =	wrdreg $0xFFFFFFFF  }
0xc8: {  	_ =	task.clear_ibuf [dreg:s11], $0x2FFFF;
	_ =	strace $0x9FFFFFFF  }
0xc9: {  	(tm) =	ssettm $0x7FFFFFFF  }
tec
execute0_lowered:
.L_overlay_start_1:
0x0: {  	(tag) =	ssettag $0x1  }
0x1: {  	s0 =	rddreg [dreg:$0x0]  }
0x2: {  	s4 =	rddreg [dreg:$0x4]  }
0x3: {  	s6 =	srdreg.scid;
	s5 =	simm.s32 $0x0;
	s1 =	stileid.u32  }
0x4: {  	s15 =	simm.s32 $0xC000;
	s16 =	simm.s32 $0x5;
	s17 =	simm.s32 $0xC080  }
0x5: {  	s18 =	simm.s32 $0xC100;
	s19 =	simm.s32 $0x4000;
	s20 =	simm.s32 $0x1  }
0x6: {  	v0 =	vlaneseq.u32;
	s21 =	simm.s32 $0x400;
	s22 =	simm.s32 $0x20000;
	s23 =	simm.s32 $0x8000  }
0x7: {  	s24 =	simm.s32 $0x2;
	s25 =	simm.s32 $0xA000;
	s28 =	simm.s32 $0x4;
	v3 =	vmul.u32 $0x80, v0  }
0x8: {  	s6 =	sand.u32 $0x1, s6;
	[smem:$0x7FF] =	sst s5;
	s9 =	sshll.u32 s1, $0xA  }
0x9: {  	s7 =	ssub.s32 $0x2, s6;
	s6 =	sshll.u32 s6, $0x9;
	_ =	strace $0x80000047;
	v0 =	vor.u32 $0x1000, v3;
	[tilespmem:$0x1FFE0] =	vst v3  }
0xa: {  	s29 =	simm.s32 $0x0;
	s8 =	sshrl.u32 s7, $0x1;
	s26 =	sor.u32 s6, s9;
	v4 =	vor.u32 $0x800, v3;
	[tilespmem:$0x1FF80] =	vst v0  }
0xb: {  	s14 =	ssub.s32 s7, s8;
	s10 =	sor.u32 $0x80, s26;
	s12 =	sor.u32 $0x100, s26;
	v0 =	vor.u32 $0x1800, v3;
	[tilespmem:$0x1FFF0] =	vst v4  }
0xc: {  	s6 =	sshll.u32 s26, $0x4;
	s13 =	sor.u32 $0x180, s26;
	s8 =	sadd.s32 s4, s26;
	[tilespmem:$0x1FF90] =	vst v0;
	v0 =	vor.u32 $0x2000, v3  }
0xd: {  	s26 =	simm.s32 $0x3;
	s6 =	sadd.s32 s0, s6;
	s30 =	sshll.u32 s10, $0x4;
	[tilespmem:$0x1FFA0] =	vst v0;
	v0 =	vor.u32 $0x2800, v3  }
0xe: {  	s31 =	sshll.u32 s12, $0x4;
	s10 =	sadd.s32 s4, s10;
	s11 =	sshll.u32 s13, $0x4;
	[tilespmem:$0x1FFB0] =	vst v0;
	v0 =	vor.u32 $0x3000, v3  }
0xf: {  	s12 =	sadd.s32 s4, s12;
	s13 =	sadd.s32 s4, s13;
	s14 =	smax.u32 s14, $0x1;
	[tilespmem:$0x1FFC0] =	vst v0;
	v0 =	vor.u32 $0x3800, v3  }
0x10: {  	s7 =	sadd.s32 s0, s30;
	s9 =	sadd.s32 s0, s31;
	s11 =	sadd.s32 s0, s11;
	[tilespmem:$0x1FFD0] =	vst v0  }
.LBB2_1:
0x11: {  	s0 =	rddreg [dreg:$0x3]  }
0x12: {  	[tilespmem:s15], [sflag:$0x5] =	stream.linear.gather [hbm4b:s0+s5], $0x80, $0x38;
	[tilespmem:$0xC180] =	vst v63  }
0x13: {  	_ =	swait.ge [sflag:s16], $0x80  }
0x14: {  	[sflag:s16] =	ssyncset.done $0x0  }
0x15: {  	[sflag:s16] =	ssyncadd.s32 $0xFFFFFF80  }
0x16: {  	s2 =	rddreg [dreg:$0x1]  }
0x17: {  	[tilespmem:s17], [sflag:$0x5] =	stream.linear.gather [hbm4b:s2+s5], $0x80, $0x38;
	[tilespmem:$0xC180] =	vst v63  }
0x18: {  	_ =	swait.ge [sflag:s16], $0x80  }
0x19: {  	[sflag:s16] =	ssyncset.done $0x0  }
0x1a: {  	[sflag:s16] =	ssyncadd.s32 $0xFFFFFF80  }
0x1b: {  	s3 =	rddreg [dreg:$0x2]  }
0x1c: {  	[tilespmem:s18], [sflag:$0x5] =	stream.linear.gather [hbm4b:s3+s5], $0x80, $0x38;
	[tilespmem:$0xC180] =	vst v63  }
0x1d: {  	_ =	swait.ge [sflag:s16], $0x80  }
0x1e: {  	[sflag:s16] =	ssyncset.done $0x0  }
0x1f: {  	s4 =	simm.s32 $0x3;
	[sflag:s16] =	ssyncadd.s32 $0xFFFFFF80  }
0x20: {  	[tilespmem:s5], [sflag:$0x1] =	stream.linear.gather [hbm4b:s6+s5], $0x4000, $0x38;
	[tilespmem:$0xC180] =	vst v63  }
0x21: {  	s1 =	simm.s32 $0x1;
	v0 =	vmov s4  }
0x22: {  	v1 =	vmov s1;
	[tilespmem:s19], [sflag:$0x2] =	stream.linear.gather [hbm4b:s7+s5], $0x4000, $0x38;
	[tilespmem:$0xC180] =	vst v63  }
0x23: {  	v1 =	vand.u32 $0xFFFFFFFD, v1;
	_ =	swait.ge [sflag:s20], $0x4000  }
0x24: {  	v1 =	vbroadcast v1, $0x0;
	[sflag:s20] =	ssyncset.done $0x0  }
0x25: {  	[sflag:s20] =	ssyncadd.s32 $0xFFFFC000  }
0x26: {  	v2 =	vmov s5;
	v37 =	vld.idx.msk [tilespmem:v0+s15+$0x0], $0xffff  }
0x27: {  	v2 =	vand.u32 $0xFFFFFFFC, v2  }
0x28: {  	v2 =	vbroadcast v2, $0x0;
	s2 =	simm.s32 $0x2  }
0x29: {  	v8 =	vmov s2  }
0x2a: {  	v8 =	vand.u32 $0xFFFFFFFE, v8;
	v39 =	vld.idx.msk [tilespmem:v1+s15+$0x0], $0xffff  }
0x2b: {  	v11 =	vbroadcast v8, $0x0;
	v9 =	vadd.s32 v3, v37;
	_ =	sdelay $0x2  }
0x2c: {  	v40 =	vld.idx.msk [tilespmem:v2+s15+$0x0], $0xffff  }
0x2d: {  	v8 =	vld.idx.msk [tilespmem:v0+s17+$0x0], $0xffff;
	v12 =	vadd.s32 v3, v39  }
0x2e: {  	v9 =	vld.idx.msk [tilespmem:v9+s5+$0x0], $0xffff  }
0x2f: {  	v44 =	vld.idx.msk [tilespmem:v11+s15+$0x0], $0xffff  }
0x30: {  	v62 =	vld.idx.msk [tilespmem:v0+s18+$0x0], $0xffff  }
0x31: {  	v24 =	vld.idx.msk [tilespmem:v1+s17+$0x0], $0xffff;
	v0 =	vadd.s32 v3, v40  }
0x32: {  	v12 =	vld.idx.msk [tilespmem:v12+s5+$0x0], $0xffff  }
0x33: {  	v14 =	vadd.s32 v4, v37;
	v13 =	vmul.f32 v9, v8  }
0x34: {  	v28 =	vld.idx.msk [tilespmem:v1+s18+$0x0], $0xffff  }
0x35: {  	v23 =	vld.idx.msk [tilespmem:v2+s17+$0x0], $0xffff;
	v13 =	vadd.f32 v13, v62  }
0x36: {  	s30 =	simm.s32 $0x8100;
	v15 =	vadd.s32 v3, v44;
	v0 =	vld.idx.msk [tilespmem:v0+s5+$0x0], $0xffff  }
0x37: {  	v27 =	vld.idx.msk [tilespmem:v2+s18+$0x0], $0xffff;
	v12 =	vmul.f32 v12, v24;
	[tilespmem:s30+$0x80] =	vst v13  }
0x38: {  	v1 =	vld.idx.msk [tilespmem:v14+s5+$0x0], $0xffff  }
0x39: {  	v12 =	vadd.f32 v12, v28;
	v5 =	vld [tilespmem:$0x1FF80]  }
0x3a: {  	s3 =	simm.s32 $0x5;
	v9 =	vld.idx.msk [tilespmem:v11+s17+$0x0], $0xffff  }
0x3b: {  	s31 =	simm.s32 $0x7;
	v0 =	vmul.f32 v0, v23;
	v13 =	vld.idx.msk [tilespmem:v15+s5+$0x0], $0xffff;
	[tilespmem:s30+$0xFFFFFF80] =	vst v12;
	v12 =	vmov s3  }
0x3c: {  	s4 =	simm.s32 $0x6;
	v18 =	vmov s31;
	v2 =	vadd.s32 v4, v39;
	v12 =	vand.u32 $0xFFFFFFFD, v12  }
0x3d: {  	v17 =	vmov s4;
	v11 =	vld.idx.msk [tilespmem:v11+s18+$0x0], $0xffff;
	v0 =	vadd.f32 v0, v27;
	v20 =	vbroadcast v12, $0x0  }
0x3e: {  	v12 =	vand.u32 $0xFFFFFFFE, v17;
	v14 =	vadd.s32 v5, v37;
	v1 =	vmul.f32 v1, v8  }
0x3f: {  	s1 =	simm.s32 $0x4;
	v16 =	vadd.s32 v4, v40;
	[tilespmem:s30+$0xFFFFFF00] =	vst v0;
	v0 =	vbroadcast v12, $0x0  }
0x40: {  	v12 =	vmov s1;
	v13 =	vmul.f32 v13, v9;
	v1 =	vadd.f32 v1, v62  }
0x41: {  	v2 =	vld.idx.msk [tilespmem:v2+s5+$0x0], $0xffff;
	v12 =	vand.u32 $0xFFFFFFFC, v12  }
0x42: {  	v19 =	vld.idx.msk [tilespmem:v18+s15+$0x0], $0xffff;
	v25 =	vbroadcast v12, $0x0;
	v13 =	vadd.f32 v13, v11;
	[tilespmem:s30+$0x90] =	vst v1  }
0x43: {  	v1 =	vld.idx.msk [tilespmem:v14+s5+$0x0], $0xffff  }
0x44: {  	v15 =	vadd.s32 v4, v44;
	[tilespmem:s30+$0x0] =	vst v13;
	v14 =	vld.idx.msk [tilespmem:v16+s5+$0x0], $0xffff  }
0x45: {  	v6 =	vld [tilespmem:$0x1FF90]  }
0x46: {  	v2 =	vmul.f32 v2, v24;
	v13 =	vld.idx.msk [tilespmem:v18+s17+$0x0], $0xffff;
	v16 =	vadd.s32 v5, v39  }
0x47: {  	v22 =	vld.idx.msk [tilespmem:v20+s15+$0x0], $0xffff  }
0x48: {  	v2 =	vadd.f32 v2, v28;
	v29 =	vld.idx.msk [tilespmem:v25+s15+$0x0], $0xffff  }
0x49: {  	v17 =	vld.idx.msk [tilespmem:v15+s5+$0x0], $0xffff;
	v1 =	vmul.f32 v1, v8  }
0x4a: {  	v21 =	vld.idx.msk [tilespmem:v0+s15+$0x0], $0xffff;
	[tilespmem:s30+$0xFFFFFF90] =	vst v2;
	v15 =	vadd.s32 v6, v37;
	v12 =	vmul.f32 v14, v23  }
0x4b: {  	v26 =	vadd.s32 v5, v40;
	v2 =	vld.idx.msk [tilespmem:v16+s5+$0x0], $0xffff;
	v1 =	vadd.f32 v1, v62  }
0x4c: {  	v61 =	vld.idx.msk [tilespmem:v0+s18+$0x0], $0xffff;
	v14 =	vadd.f32 v12, v27  }
0x4d: {  	v16 =	vld.idx.msk [tilespmem:v0+s17+$0x0], $0xffff;
	v33 =	vadd.s32 v3, v29;
	[tilespmem:s30+$0xA0] =	vst v1  }
0x4e: {  	[tilespmem:s30+$0xFFFFFF10] =	vst v14;
	v14 =	vmul.f32 v17, v9;
	v17 =	vld.idx.msk [tilespmem:v20+s17+$0x0], $0xffff  }
0x4f: {  	v1 =	vadd.s32 v3, v19;
	v30 =	vld.idx.msk [tilespmem:v15+s5+$0x0], $0xffff  }
0x50: {  	v26 =	vld.idx.msk [tilespmem:v26+s5+$0x0], $0xffff;
	v2 =	vmul.f32 v2, v24  }
0x51: {  	v31 =	vadd.s32 v6, v39;
	v15 =	vld.idx.msk [tilespmem:v25+s17+$0x0], $0xffff  }
0x52: {  	v32 =	vadd.s32 v5, v44;
	v33 =	vld.idx.msk [tilespmem:v33+s5+$0x0], $0xffff;
	v0 =	vadd.f32 v2, v28  }
0x53: {  	v2 =	vadd.f32 v14, v11;
	v14 =	vld.idx.msk [tilespmem:v18+s18+$0x0], $0xffff  }
0x54: {  	v1 =	vld.idx.msk [tilespmem:v1+s5+$0x0], $0xffff;
	[tilespmem:s30+$0xFFFFFFA0] =	vst v0;
	v0 =	vadd.s32 v3, v21  }
0x55: {  	v18 =	vld.idx.msk [tilespmem:v20+s18+$0x0], $0xffff;
	v26 =	vmul.f32 v26, v23  }
0x56: {  	[tilespmem:s30+$0x10] =	vst v2;
	v2 =	vld.idx.msk [tilespmem:v31+s5+$0x0], $0xffff  }
0x57: {  	v51 =	vadd.s32 v6, v40;
	v31 =	vld.idx.msk [tilespmem:v32+s5+$0x0], $0xffff;
	v30 =	vmul.f32 v30, v8;
	v26 =	vadd.f32 v26, v27  }
0x58: {  	v34 =	vadd.s32 v3, v22;
	v20 =	vld.idx.msk [tilespmem:v25+s18+$0x0], $0xffff  }
0x59: {  	v30 =	vadd.f32 v30, v62;
	v1 =	vmul.f32 v1, v13;
	[tilespmem:s30+$0xFFFFFF20] =	vst v26;
	v0 =	vld.idx.msk [tilespmem:v0+s5+$0x0], $0xffff  }
0x5a: {  	v25 =	vadd.s32 v4, v19;
	v7 =	vld [tilespmem:$0x1FFA0]  }
0x5b: {  	s1 =	simm.s32 $0xB;
	v54 =	vadd.s32 v4, v29;
	[tilespmem:s30+$0xB0] =	vst v30;
	v30 =	vmul.f32 v33, v15;
	v1 =	vadd.f32 v1, v14  }
0x5c: {  	s31 =	simm.s32 $0x8300;
	v45 =	vmov s1;
	v53 =	vadd.s32 v6, v44;
	v26 =	vld.idx.msk [tilespmem:v51+s5+$0x0], $0xffff;
	v31 =	vmul.f32 v31, v9  }
0x5d: {  	v52 =	vld.idx.msk [tilespmem:v34+s5+$0x0], $0xffff;
	v30 =	vadd.f32 v30, v20;
	[tilespmem:s31+$0x80] =	vst v1;
	v1 =	vmul.f32 v2, v24  }
0x5e: {  	s2 =	simm.s32 $0x9;
	v38 =	vadd.s32 v4, v21;
	v31 =	vadd.f32 v31, v11;
	v0 =	vmul.f32 v0, v16  }
0x5f: {  	v25 =	vld.idx.msk [tilespmem:v25+s5+$0x0], $0xffff;
	[tilespmem:s31+$0xFFFFFF00] =	vst v30;
	v30 =	vmov s2;
	v36 =	vadd.s32 v7, v39;
	v1 =	vadd.f32 v1, v28  }
0x60: {  	[tilespmem:s30+$0x20] =	vst v31;
	v35 =	vadd.s32 v7, v37;
	v33 =	vld.idx.msk [tilespmem:v54+s5+$0x0], $0xffff;
	v30 =	vand.u32 $0xFFFFFFFD, v30;
	v0 =	vadd.f32 v0, v61  }
0x61: {  	v2 =	vadd.s32 v7, v40;
	v26 =	vmul.f32 v26, v23;
	v46 =	vbroadcast v30, $0x0;
	v30 =	vld.idx.msk [tilespmem:v45+s15+$0x0], $0xffff;
	[tilespmem:s30+$0xFFFFFFB0] =	vst v1  }
0x62: {  	v41 =	vadd.s32 v4, v22;
	v31 =	vmul.f32 v52, v17;
	v1 =	vld.idx.msk [tilespmem:v53+s5+$0x0], $0xffff;
	[tilespmem:s31+$0x0] =	vst v0  }
0x63: {  	v26 =	vadd.f32 v26, v27;
	v60 =	vld.idx.msk [tilespmem:v38+s5+$0x0], $0xffff  }
0x64: {  	s3 =	simm.s32 $0xA;
	v31 =	vadd.f32 v31, v18;
	v25 =	vmul.f32 v25, v13;
	v34 =	vld.idx.msk [tilespmem:v36+s5+$0x0], $0xffff  }
0x65: {  	v59 =	vmov s3;
	v55 =	vadd.s32 v5, v19;
	[tilespmem:s30+$0xFFFFFF30] =	vst v26;
	v35 =	vld.idx.msk [tilespmem:v35+s5+$0x0], $0xffff  }
0x66: {  	[tilespmem:s31+$0xFFFFFF80] =	vst v31;
	v26 =	vand.u32 $0xFFFFFFFE, v59;
	v2 =	vld.idx.msk [tilespmem:v2+s5+$0x0], $0xffff;
	v25 =	vadd.f32 v25, v14  }
0x67: {  	v0 =	vbroadcast v26, $0x0;
	v26 =	vld.idx.msk [tilespmem:v41+s5+$0x0], $0xffff  }
0x68: {  	v58 =	vld [tilespmem:$0x1FFD0];
	[tilespmem:s31+$0x90] =	vst v25  }
0x69: {  	s4 =	simm.s32 $0x8;
	v57 =	vld [tilespmem:$0x1FFB0]  }
0x6a: {  	v49 =	vadd.s32 v5, v22;
	v1 =	vmul.f32 v1, v9;
	v25 =	vmov s4;
	v47 =	vld.idx.msk [tilespmem:v55+s5+$0x0], $0xffff  }
0x6b: {  	v43 =	vadd.s32 v7, v44;
	v31 =	vand.u32 $0xFFFFFFFC, v25;
	v25 =	vld.idx.msk [tilespmem:v45+s17+$0x0], $0xffff;
	v2 =	vmul.f32 v2, v23  }
0x6c: {  	v1 =	vadd.f32 v1, v11;
	v50 =	vbroadcast v31, $0x0;
	v31 =	vld.idx.msk [tilespmem:v46+s15+$0x0], $0xffff;
	v51 =	vmul.f32 v26, v17  }
0x6d: {  	v36 =	vmul.f32 v60, v16;
	v34 =	vmul.f32 v34, v24;
	v32 =	vld.idx.msk [tilespmem:v0+s15+$0x0], $0xffff;
	v2 =	vadd.f32 v2, v27  }
0x6e: {  	[tilespmem:s30+$0x30] =	vst v1;
	v26 =	vld.idx.msk [tilespmem:v0+s18+$0x0], $0xffff;
	v1 =	vadd.f32 v51, v18;
	v42 =	vadd.s32 v57, v40  }
0x6f: {  	v36 =	vadd.f32 v36, v61;
	v63 =	vadd.s32 v57, v39;
	v47 =	vmul.f32 v47, v13;
	[tilespmem:s30+$0xFFFFFF40] =	vst v2  }
0x70: {  	v33 =	vmul.f32 v33, v15;
	v34 =	vadd.f32 v34, v28;
	v2 =	vld.idx.msk [tilespmem:v43+s5+$0x0], $0xffff;
	[tilespmem:s31+$0xFFFFFF90] =	vst v1  }
0x71: {  	[tilespmem:s31+$0x10] =	vst v36;
	v59 =	vld.idx.msk [tilespmem:v49+s5+$0x0], $0xffff;
	v56 =	vadd.f32 v47, v14  }
0x72: {  	v60 =	vadd.f32 v33, v20;
	v55 =	vmul.f32 v35, v8;
	[tilespmem:s30+$0xFFFFFFC0] =	vst v34;
	v33 =	vld.idx.msk [tilespmem:v50+s15+$0x0], $0xffff  }
0x73: {  	v48 =	vadd.s32 v6, v19;
	v10 =	vadd.s32 v58, v29;
	[tilespmem:s31+$0xA0] =	vst v56;
	v1 =	vld.idx.msk [tilespmem:v42+s5+$0x0], $0xffff  }
0x74: {  	v34 =	vadd.f32 v55, v62;
	v53 =	vld.idx.msk [tilespmem:v63+s5+$0x0], $0xffff;
	[tilespmem:$0x1FF50] =	vst v10  }
0x75: {  	[tilespmem:s31+$0xFFFFFF10] =	vst v60  }
0x76: {  	[tilespmem:s30+$0xC0] =	vst v34  }
0x77: {  	v60 =	vld [tilespmem:$0x1FFC0]  }
0x78: {  	v52 =	vadd.s32 v5, v29;
	v48 =	vld.idx.msk [tilespmem:v48+s5+$0x0], $0xffff  }
0x79: {  	v51 =	vadd.s32 v3, v30  }
0x7a: {  	v41 =	vadd.s32 v58, v40;
	v55 =	vadd.s32 v57, v37;
	v35 =	vld.idx.msk [tilespmem:v50+s17+$0x0], $0xffff  }
0x7b: {  	v43 =	vadd.s32 v58, v37;
	v54 =	vadd.s32 v57, v44;
	v2 =	vmul.f32 v2, v9;
	v36 =	vld.idx.msk [tilespmem:v46+s17+$0x0], $0xffff  }
0x7c: {  	v49 =	vadd.s32 v5, v21;
	v47 =	vadd.s32 v58, v39;
	v34 =	vld.idx.msk [tilespmem:v0+s17+$0x0], $0xffff;
	v10 =	vadd.s32 v60, v37  }
0x7d: {  	v52 =	vld.idx.msk [tilespmem:v52+s5+$0x0], $0xffff;
	v2 =	vadd.f32 v2, v11;
	v48 =	vmul.f32 v48, v13;
	[tilespmem:$0x1FF60] =	vst v10  }
0x7e: {  	v42 =	vadd.s32 v58, v44;
	v56 =	vmul.f32 v59, v17;
	v1 =	vmul.f32 v1, v23;
	v51 =	vld.idx.msk [tilespmem:v51+s5+$0x0], $0xffff  }
0x7f: {  	v38 =	vadd.f32 v48, v14;
	v48 =	vadd.s32 v60, v40;
	[tilespmem:s30+$0x40] =	vst v2;
	v55 =	vld.idx.msk [tilespmem:v55+s5+$0x0], $0xffff  }
0x80: {  	v0 =	vadd.s32 v6, v22;
	v59 =	vadd.s32 v3, v32;
	v1 =	vadd.f32 v1, v27;
	v54 =	vld.idx.msk [tilespmem:v54+s5+$0x0], $0xffff  }
0x81: {  	v58 =	vadd.s32 v3, v33;
	v56 =	vadd.f32 v56, v18;
	v53 =	vmul.f32 v53, v24;
	v37 =	vld.idx.msk [tilespmem:v45+s18+$0x0], $0xffff  }
0x82: {  	v63 =	vmul.f32 v52, v15;
	v52 =	vadd.s32 v60, v39;
	[tilespmem:s30+$0xFFFFFF50] =	vst v1;
	v49 =	vld.idx.msk [tilespmem:v49+s5+$0x0], $0xffff  }
0x83: {  	v2 =	vadd.s32 v3, v31;
	v3 =	vadd.s32 v60, v44;
	[tilespmem:s31+$0xFFFFFFA0] =	vst v56;
	v39 =	vld.idx.msk [tilespmem:v46+s18+$0x0], $0xffff  }
0x84: {  	v56 =	vadd.f32 v53, v28;
	v63 =	vadd.f32 v63, v20;
	v1 =	vld.idx.msk [tilespmem:v48+s5+$0x0], $0xffff;
	v51 =	vmul.f32 v51, v25  }
0x85: {  	v44 =	vadd.s32 v57, v22;
	v40 =	vld.idx.msk [tilespmem:v50+s18+$0x0], $0xffff;
	[tilespmem:s31+$0xB0] =	vst v38;
	v38 =	vmul.f32 v54, v9  }
0x86: {  	v45 =	vadd.s32 v57, v29;
	v59 =	vld.idx.msk [tilespmem:v59+s5+$0x0], $0xffff;
	[tilespmem:s30+$0xFFFFFFD0] =	vst v56;
	v57 =	vadd.f32 v51, v37  }
0x87: {  	s0 =	simm.s32 $0x8500;
	v0 =	vld.idx.msk [tilespmem:v0+s5+$0x0], $0xffff;
	[tilespmem:s31+$0xFFFFFF20] =	vst v63;
	v54 =	vmul.f32 v55, v8  }
0x88: {  	v56 =	vld.idx.msk [tilespmem:v58+s5+$0x0], $0xffff;
	v49 =	vmul.f32 v49, v16;
	v53 =	vadd.f32 v38, v11;
	[tilespmem:s0+$0x80] =	vst v57  }
0x89: {  	v63 =	vld.idx.msk [tilespmem:v52+s5+$0x0], $0xffff;
	v38 =	vmov v62;
	v62 =	vadd.f32 v54, v62;
	[tilespmem:$0x1FF70] =	vst v1  }
0x8a: {  	v10 =	vmov v13;
	v13 =	vld.idx.msk [tilespmem:v2+s5+$0x0], $0xffff;
	v2 =	vadd.f32 v49, v61;
	[tilespmem:s30+$0x50] =	vst v53  }
0x8b: {  	[tilespmem:s30+$0xD0] =	vst v62  }
0x8c: {  	v0 =	vmul.f32 v0, v17;
	[tilespmem:s31+$0x20] =	vst v2  }
0x8d: {  	v58 =	vadd.s32 v6, v29;
	v1 =	vld [tilespmem:$0x1FF60]  }
0x8e: {  	v60 =	vadd.s32 v4, v30;
	v0 =	vadd.f32 v0, v18;
	_ =	sdelay $0x1  }
0x8f: {  	[tilespmem:s31+$0xFFFFFFB0] =	vst v0  }
0x90: {  	v46 =	vadd.s32 v7, v21;
	v57 =	vadd.s32 v6, v21;
	v0 =	vld [tilespmem:$0x1FF70]  }
0x91: {  	v50 =	vadd.s32 v7, v19;
	v51 =	vadd.s32 v7, v29;
	v7 =	vadd.s32 v7, v22;
	v58 =	vld.idx.msk [tilespmem:v58+s5+$0x0], $0xffff  }
0x92: {  	v12 =	vmov v61;
	v52 =	vadd.s32 v4, v32;
	v54 =	vadd.s32 v5, v30;
	v60 =	vld.idx.msk [tilespmem:v60+s5+$0x0], $0xffff  }
0x93: {  	v49 =	vadd.s32 v5, v31;
	v53 =	vmul.f32 v56, v35;
	v5 =	vmul.f32 v63, v24;
	v56 =	vld.idx.msk [tilespmem:v3+s5+$0x0], $0xffff  }
0x94: {  	v48 =	vadd.s32 v6, v30;
	v62 =	vadd.s32 v4, v33;
	v55 =	vld.idx.msk [tilespmem:v1+s5+$0x0], $0xffff;
	v1 =	vmul.f32 v59, v34  }
0x95: {  	v2 =	vadd.f32 v53, v40;
	v61 =	vadd.f32 v5, v28;
	v53 =	vld.idx.msk [tilespmem:v57+s5+$0x0], $0xffff;
	v63 =	vmul.f32 v0, v23  }
0x96: {  	s4 =	simm.s32 $0xC;
	v57 =	vld.idx.msk [tilespmem:v7+s5+$0x0], $0xffff;
	v0 =	vmul.f32 v13, v36;
	v59 =	vadd.s32 v4, v31;
	v1 =	vadd.f32 v1, v26  }
.LBB2_2:
0x97: {  	_ = 	snop  }
0x98: {  	v7 =	vld [tilespmem:$0x1FF80];
	[tilespmem:s0+$0x0] =	vst v1  }
0x99: {  	v3 =	vmov s4;
	s1 =	sadd.s32 $0x1, s4;
	s2 =	sadd.s32 $0x2, s4;
	[tilespmem:s0+$0xFFFFFF00] =	vst v2;
	v63 =	vadd.f32 v63, v27;
	v4 =	vld.idx.msk [tilespmem:v52+s5+$0x0], $0xffff;
	v2 =	vmul.f32 v58, v15  }
0x9a: {  	v6 =	vld [tilespmem:$0x1FF50];
	v5 =	vmov s1;
	v1 =	vmul.f32 v60, v25;
	v60 =	vmov s2  }
0x9b: {  	[tilespmem:s30+$0xFFFFFFE0] =	vst v61;
	v62 =	vld.idx.msk [tilespmem:v62+s5+$0x0], $0xffff;
	v13 =	vmul.f32 v56, v9;
	v60 =	vand.u32 $0xFFFFFFFE, v60;
	v2 =	vadd.f32 v2, v20  }
0x9c: {  	v0 =	vadd.f32 v0, v39;
	[tilespmem:s30+$0xFFFFFF60] =	vst v63;
	v58 =	vld.idx.msk [tilespmem:v50+s5+$0x0], $0xffff;
	v56 =	vbroadcast v60, $0x0;
	v60 =	vmul.f32 v53, v16  }
0x9d: {  	v50 =	vand.u32 $0xFFFFFFFD, v5;
	v57 =	vmul.f32 v57, v17;
	v1 =	vadd.f32 v1, v37;
	[tilespmem:s31+$0xFFFFFF30] =	vst v2;
	v2 =	vld.idx.msk [tilespmem:v47+s5+$0x0], $0xffff  }
0x9e: {  	v50 =	vbroadcast v50, $0x0;
	v4 =	vmul.f32 v4, v34;
	[tilespmem:s0+$0xFFFFFF80] =	vst v0;
	v63 =	vadd.f32 v60, v12;
	v60 =	vld [tilespmem:$0x1FFE0]  }
0x9f: {  	v3 =	vand.u32 $0xFFFFFFFC, v3;
	v47 =	vmul.f32 v55, v8;
	[tilespmem:s0+$0x90] =	vst v1;
	v1 =	vadd.f32 v13, v11;
	v0 =	vld.idx.msk [tilespmem:v51+s5+$0x0], $0xffff  }
0xa0: {  	s3 =	sadd.s32 $0x3, s4;
	v51 =	vbroadcast v3, $0x0;
	v3 =	vld.idx.msk [tilespmem:v59+s5+$0x0], $0xffff;
	v59 =	vmul.f32 v62, v35;
	v62 =	vadd.f32 v57, v18  }
0xa1: {  	v52 =	vmov s3;
	v61 =	vld.idx.msk [tilespmem:v41+s5+$0x0], $0xffff;
	v4 =	vadd.f32 v4, v26;
	[tilespmem:s30+$0x60] =	vst v1  }
0xa2: {  	v54 =	vld.idx.msk [tilespmem:v54+s5+$0x0], $0xffff;
	v47 =	vadd.f32 v47, v38;
	[tilespmem:s31+$0xFFFFFFC0] =	vst v62  }
0xa3: {  	v42 =	vld.idx.msk [tilespmem:v42+s5+$0x0], $0xffff;
	[tilespmem:s0+$0x10] =	vst v4  }
0xa4: {  	[tilespmem:s30+$0xE0] =	vst v47;
	v4 =	vld.idx.msk [tilespmem:v50+s15+$0x0], $0xffff  }
0xa5: {  	v1 =	vld.idx.msk [tilespmem:v43+s5+$0x0], $0xffff;
	v2 =	vmul.f32 v2, v24  }
0xa6: {  	v5 =	vmovc v38;
	v41 =	vmov v6;
	v38 =	vmul.f32 v58, v10;
	v57 =	vld.idx.msk [tilespmem:v52+s15+$0x0], $0xffff;
	v6 =	vmul.f32 v61, v23  }
0xa7: {  	[tilespmem:s31+$0x30] =	vst v63;
	v58 =	vld.idx.msk [tilespmem:v52+s17+$0x0], $0xffff;
	v23 =	vmov v15;
	v3 =	vmul.f32 v3, v36;
	v2 =	vadd.f32 v2, v28  }
0xa8: {  	v43 =	vadd.f32 v59, v40;
	v59 =	vld.idx.msk [tilespmem:v56+s15+$0x0], $0xffff;
	v0 =	vmul.f32 v0, v23;
	v27 =	vadd.f32 v6, v27  }
0xa9: {  	v61 =	vld [tilespmem:$0x1FFC0];
	v3 =	vadd.f32 v3, v39;
	[tilespmem:s30+$0xFFFFFFF0] =	vst v2  }
0xaa: {  	v6 =	vld [tilespmem:$0x1FFD0];
	v0 =	vadd.f32 v0, v20;
	[tilespmem:s30+$0xFFFFFF70] =	vst v27  }
0xab: {  	v2 =	vld.idx.msk [tilespmem:v56+s18+$0x0], $0xffff;
	[tilespmem:s0+$0xFFFFFF90] =	vst v3  }
0xac: {  	[tilespmem:s31+$0xFFFFFF40] =	vst v0;
	v0 =	vld.idx.msk [tilespmem:v46+s5+$0x0], $0xffff  }
0xad: {  	v24 =	vmov v17;
	v17 =	vmov v36;
	v36 =	vld.idx.msk [tilespmem:v50+s17+$0x0], $0xffff  }
0xae: {  	v28 =	vmul.f32 v54, v25;
	v3 =	vld.idx.msk [tilespmem:v45+s5+$0x0], $0xffff  }
0xaf: {  	v1 =	vmul.f32 v1, v8;
	v45 =	vld.idx.msk [tilespmem:v49+s5+$0x0], $0xffff  }
0xb0: {  	v53 =	vadd.s32 v7, v32;
	v55 =	vadd.s32 v7, v33;
	v27 =	vadd.f32 v28, v37;
	v49 =	vld.idx.msk [tilespmem:v51+s15+$0x0], $0xffff  }
0xb1: {  	v13 =	vmov v10;
	v28 =	vmul.f32 v42, v9;
	v1 =	vadd.f32 v1, v5;
	[tilespmem:s0+$0xFFFFFF10] =	vst v43;
	v5 =	vld [tilespmem:$0x1FFB0]  }
0xb2: {  	v47 =	vadd.f32 v38, v14;
	v15 =	vmov v35;
	v46 =	vadd.s32 v60, v57;
	[tilespmem:s0+$0xA0] =	vst v27;
	v35 =	vld.idx.msk [tilespmem:v51+s17+$0x0], $0xffff  }
0xb3: {  	v62 =	vmov v26;
	v10 =	vadd.f32 v28, v11;
	v54 =	vadd.s32 v6, v33;
	[tilespmem:s30+$0xF0] =	vst v1;
	v1 =	vld.idx.msk [tilespmem:v44+s5+$0x0], $0xffff  }
0xb4: {  	v8 =	vmovc v25;
	v9 =	vmovc v16;
	v11 =	vmov v12;
	v12 =	vmov v14;
	v14 =	vmov v37;
	[tilespmem:$0x1FF50] =	vst v54;
	v37 =	vld.idx.msk [tilespmem:v48+s5+$0x0], $0xffff  }
0xb5: {  	v25 =	vmovc v58;
	v16 =	vmov v34;
	v43 =	vadd.s32 v6, v19;
	[tilespmem:s30+$0x70] =	vst v10;
	s30 =	smov.u32 s31;
	v26 =	vmov v2;
	v2 =	vld.idx.msk [tilespmem:v55+s5+$0x0], $0xffff  }
0xb6: {  	v42 =	vadd.s32 v6, v21;
	[tilespmem:s30+$0xC0] =	vst v47;
	v47 =	vadd.s32 v6, v22;
	v6 =	vld [tilespmem:$0x1FF90];
	v0 =	vmul.f32 v0, v9  }
0xb7: {  	v28 =	vmovc v18;
	v18 =	vmovc v39;
	v27 =	vmov v20;
	v20 =	vmov v40;
	v34 =	vld.idx.msk [tilespmem:v56+s17+$0x0], $0xffff;
	v39 =	vadd.s32 v5, v21  }
0xb8: {  	v54 =	vld.idx.msk [tilespmem:v46+s5+$0x0], $0xffff;
	v40 =	vadd.s32 v5, v19;
	v58 =	vmul.f32 v45, v17;
	v0 =	vadd.f32 v0, v11  }
0xb9: {  	v10 =	vmov v8;
	v46 =	vmul.f32 v37, v8;
	v37 =	vld.idx.msk [tilespmem:v52+s18+$0x0], $0xffff  }
0xba: {  	v3 =	vmul.f32 v3, v23;
	v44 =	vadd.f32 v58, v18;
	v58 =	vadd.s32 v60, v59;
	[tilespmem:s30+$0x40] =	vst v0;
	v8 =	vld [tilespmem:$0x1FFF0]  }
0xbb: {  	v29 =	vadd.s32 v61, v29;
	v45 =	vadd.s32 v6, v31;
	v53 =	vld.idx.msk [tilespmem:v53+s5+$0x0], $0xffff  }
0xbc: {  	s31 =	smov.u32 s0;
	v55 =	vadd.s32 v61, v19;
	v48 =	vadd.s32 v60, v49;
	v3 =	vadd.f32 v3, v27;
	v56 =	vld.idx.msk [tilespmem:v39+s5+$0x0], $0xffff  }
0xbd: {  	v19 =	vmov v30;
	v1 =	vmul.f32 v1, v24;
	v0 =	vadd.s32 v60, v4;
	[tilespmem:s31+$0xFFFFFFA0] =	vst v44;
	v60 =	vld.idx.msk [tilespmem:v40+s5+$0x0], $0xffff  }
0xbe: {  	v30 =	vmov v57;
	v57 =	vadd.s32 v61, v22;
	v2 =	vmul.f32 v2, v15;
	[tilespmem:s30+$0xFFFFFF50] =	vst v3;
	v39 =	vld.idx.msk [tilespmem:v50+s18+$0x0], $0xffff  }
0xbf: {  	v3 =	vadd.s32 v61, v21;
	v1 =	vadd.f32 v1, v28;
	v38 =	vmul.f32 v54, v25;
	v61 =	vld.idx.msk [tilespmem:v58+s5+$0x0], $0xffff  }
0xc0: {  	v22 =	vmov v31;
	v2 =	vadd.f32 v2, v20;
	v44 =	vadd.s32 v5, v31;
	v52 =	vld.idx.msk [tilespmem:v45+s5+$0x0], $0xffff  }
0xc1: {  	v21 =	vmovc v32;
	v31 =	vmov v4;
	v63 =	vadd.f32 v46, v14;
	v45 =	vadd.s32 v5, v33;
	v5 =	vld [tilespmem:$0x1FFA0];
	[tilespmem:s30+$0xFFFFFFD0] =	vst v1  }
0xc2: {  	v32 =	vmov v59;
	v59 =	vadd.s32 v6, v33;
	v1 =	vld.idx.msk [tilespmem:v48+s5+$0x0], $0xffff;
	[tilespmem:s31+$0xFFFFFF20] =	vst v2;
	v4 =	vadd.f32 v38, v37  }
0xc3: {  	[tilespmem:s31+$0xB0] =	vst v63;
	v38 =	vmov v12;
	v40 =	vld.idx.msk [tilespmem:v51+s18+$0x0], $0xffff;
	v53 =	vmul.f32 v53, v16;
	v2 =	vmul.f32 v56, v9  }
0xc4: {  	v48 =	vadd.s32 v6, v30;
	v57 =	vld.idx.msk [tilespmem:v57+s5+$0x0], $0xffff;
	v56 =	vadd.s32 v8, v30;
	v54 =	vmul.f32 v60, v13  }
0xc5: {  	v6 =	vadd.s32 v6, v21;
	v63 =	vld.idx.msk [tilespmem:v29+s5+$0x0], $0xffff;
	v53 =	vadd.f32 v53, v62;
	v2 =	vadd.f32 v2, v11  }
0xc6: {  	s0 =	sadd.s32 $0x200, s0;
	v0 =	vld.idx.msk [tilespmem:v0+s5+$0x0], $0xffff;
	v58 =	vadd.f32 v54, v12;
	v54 =	vadd.s32 v7, v30;
	v61 =	vmul.f32 v61, v34  }
0xc7: {  	[tilespmem:s0+$0x80] =	vst v4;
	v46 =	vadd.s32 v5, v21;
	v50 =	vadd.s32 v5, v19;
	v51 =	vadd.s32 v5, v33  }
0xc8: {  	p0 =	slt.u32 s4, $0x3C;
	v29 =	vmov v33;
	v5 =	vadd.s32 v5, v22;
	v4 =	vmul.f32 v52, v17;
	[tilespmem:s30+$0xD0] =	vst v58;
	v58 =	vld.idx.msk [tilespmem:v59+s5+$0x0], $0xffff  }
.Ltmp0:
0xc9: {  	v33 =	vmov v49;
	v52 =	vadd.s32 v8, v32;
	v49 =	vadd.s32 v7, v31;
	[tilespmem:s30+$0x50] =	vst v2;
	v60 =	vld.idx.msk [tilespmem:v56+s5+$0x0], $0xffff;
	(pc) =	sbr.rel @p0 .LBB2_2-.Ltmp0, $4  }
0xca: {  	v12 =	vmov v62;
	v1 =	vmul.f32 v1, v35;
	v4 =	vadd.f32 v4, v18;
	v55 =	vld.idx.msk [tilespmem:v55+s5+$0x0], $0xffff;
	[tilespmem:s31+$0x20] =	vst v53  }
0xcb: {  	v62 =	vadd.s32 v8, v33;
	v59 =	vadd.s32 v8, v31;
	v7 =	vmul.f32 v57, v24;
	v56 =	vld.idx.msk [tilespmem:v3+s5+$0x0], $0xffff  }
0xcc: {  	v8 =	vmov v13;
	v63 =	vmul.f32 v63, v23;
	v2 =	vadd.f32 v1, v40;
	v53 =	vld.idx.msk [tilespmem:v6+s5+$0x0], $0xffff;
	[tilespmem:s31+$0xFFFFFFB0] =	vst v4  }
0xcd: {  	s4 =	sadd.s32 $0x4, s4;
	v0 =	vmul.f32 v0, v36;
	v1 =	vadd.f32 v61, v26;
	v61 =	vadd.f32 v7, v28;
	v57 =	vld.idx.msk [tilespmem:v5+s5+$0x0], $0xffff  }
0xce: {  	_ =	sdelay $0x1  }
0xcf: {  	v0 =	vadd.f32 v0, v39  }
0xd0: {  	[tilespmem:s0+$0xFFFFFF00] =	vst v2  }
0xd1: {  	v2 =	vld.idx.msk [tilespmem:v62+s5+$0x0], $0xffff;
	[tilespmem:s0+$0xFFFFFF80] =	vst v0  }
0xd2: {  	[tilespmem:s0+$0x0] =	vst v1;
	v0 =	vld.idx.msk [tilespmem:v59+s5+$0x0], $0xffff  }
0xd3: {  	v13 =	vld [tilespmem:$0x1FF80]  }
0xd4: {  	v1 =	vld.idx.msk [tilespmem:v52+s5+$0x0], $0xffff;
	_ =	sdelay $0x1  }
0xd5: {  	v4 =	vmul.f32 v60, v25  }
0xd6: {  	v0 =	vmul.f32 v0, v36  }
0xd7: {  	v4 =	vadd.f32 v4, v37;
	v2 =	vmul.f32 v2, v35;
	v3 =	vadd.s32 v13, v33  }
0xd8: {  	v1 =	vmul.f32 v1, v34;
	v0 =	vadd.f32 v0, v39  }
0xd9: {  	[tilespmem:s0+$0x90] =	vst v4;
	v2 =	vadd.f32 v2, v40  }
0xda: {  	v4 =	vld.idx.msk [tilespmem:v54+s5+$0x0], $0xffff;
	v5 =	vadd.s32 v13, v32;
	[tilespmem:s0+$0xFFFFFF90] =	vst v0;
	v0 =	vadd.f32 v1, v26  }
0xdb: {  	[tilespmem:s0+$0xFFFFFF10] =	vst v2;
	v1 =	vld.idx.msk [tilespmem:v49+s5+$0x0], $0xffff  }
0xdc: {  	v2 =	vld.idx.msk [tilespmem:v3+s5+$0x0], $0xffff;
	v3 =	vmul.f32 v58, v15;
	[tilespmem:s0+$0x10] =	vst v0  }
0xdd: {  	v60 =	vld [tilespmem:$0x1FF90]  }
0xde: {  	v3 =	vadd.f32 v3, v20  }
0xdf: {  	v4 =	vmul.f32 v4, v25;
	v0 =	vld.idx.msk [tilespmem:v5+s5+$0x0], $0xffff  }
0xe0: {  	v6 =	vadd.f32 v63, v27;
	[tilespmem:s31+$0xFFFFFF30] =	vst v3;
	v1 =	vmul.f32 v1, v36  }
0xe1: {  	v4 =	vadd.f32 v4, v37;
	[tilespmem:s30+$0xFFFFFFE0] =	vst v61;
	v2 =	vmul.f32 v2, v35;
	v7 =	vld.idx.msk [tilespmem:v51+s5+$0x0], $0xffff  }
0xe2: {  	[tilespmem:s30+$0xFFFFFF60] =	vst v6;
	v58 =	vadd.s32 v60, v31;
	v1 =	vadd.f32 v1, v39  }
0xe3: {  	v63 =	vmul.f32 v55, v8;
	[tilespmem:s0+$0xA0] =	vst v4;
	v3 =	vadd.s32 v60, v33;
	v2 =	vadd.f32 v2, v40  }
0xe4: {  	v0 =	vmul.f32 v0, v34;
	v6 =	vadd.s32 v60, v32;
	[tilespmem:s0+$0xFFFFFFA0] =	vst v1  }
0xe5: {  	v59 =	vld.idx.msk [tilespmem:v50+s5+$0x0], $0xffff;
	v50 =	vadd.f32 v63, v38;
	v1 =	vmul.f32 v56, v9;
	[tilespmem:s0+$0xFFFFFF20] =	vst v2  }
0xe6: {  	v0 =	vadd.f32 v0, v26;
	v2 =	vmul.f32 v53, v16;
	v52 =	vmul.f32 v7, v15;
	v7 =	vld.idx.msk [tilespmem:v48+s5+$0x0], $0xffff  }
0xe7: {  	[tilespmem:s30+$0xE0] =	vst v50;
	v1 =	vadd.f32 v1, v11;
	v5 =	vld.idx.msk [tilespmem:v58+s5+$0x0], $0xffff  }
0xe8: {  	[tilespmem:s0+$0x20] =	vst v0;
	v0 =	vadd.f32 v2, v12;
	v3 =	vld.idx.msk [tilespmem:v3+s5+$0x0], $0xffff  }
0xe9: {  	v2 =	vld.idx.msk [tilespmem:v6+s5+$0x0], $0xffff;
	[tilespmem:s30+$0x60] =	vst v1  }
0xea: {  	v6 =	vld.idx.msk [tilespmem:v47+s5+$0x0], $0xffff;
	[tilespmem:s31+$0x30] =	vst v0  }
0xeb: {  	v61 =	vld [tilespmem:$0x1FFA0]  }
0xec: {  	v5 =	vmul.f32 v5, v36  }
0xed: {  	v54 =	vld.idx.msk [tilespmem:v41+s5+$0x0], $0xffff;
	v53 =	vmul.f32 v57, v17;
	v1 =	vadd.f32 v52, v20;
	v3 =	vmul.f32 v3, v35  }
0xee: {  	v7 =	vmul.f32 v7, v25;
	v5 =	vadd.f32 v5, v39  }
0xef: {  	v55 =	vadd.f32 v53, v18;
	v46 =	vld.idx.msk [tilespmem:v46+s5+$0x0], $0xffff;
	[tilespmem:s31+$0xFFFFFF40] =	vst v1;
	v3 =	vadd.f32 v3, v40  }
0xf0: {  	v6 =	vmul.f32 v6, v24;
	v7 =	vadd.f32 v7, v37;
	v0 =	vadd.s32 v61, v31;
	[tilespmem:s0+$0xFFFFFFB0] =	vst v5  }
0xf1: {  	v45 =	vld.idx.msk [tilespmem:v45+s5+$0x0], $0xffff;
	v2 =	vmul.f32 v2, v34;
	v1 =	vadd.s32 v61, v33;
	[tilespmem:s0+$0xFFFFFF30] =	vst v3  }
0xf2: {  	v4 =	vmul.f32 v54, v23;
	v62 =	vadd.s32 v61, v30;
	v3 =	vadd.f32 v6, v28;
	v58 =	vld [tilespmem:$0x1FFB0];
	[tilespmem:s0+$0xB0] =	vst v7  }
0xf3: {  	v24 =	vmul.f32 v59, v10;
	v63 =	vadd.s32 v61, v32;
	v2 =	vadd.f32 v2, v26;
	[tilespmem:s31+$0xFFFFFFC0] =	vst v55  }
0xf4: {  	v4 =	vadd.f32 v4, v27;
	v6 =	vmul.f32 v46, v16;
	[tilespmem:s30+$0xFFFFFFF0] =	vst v3;
	v3 =	vld.idx.msk [tilespmem:v44+s5+$0x0], $0xffff  }
0xf5: {  	[tilespmem:s0+$0x30] =	vst v2;
	v2 =	vadd.f32 v24, v14;
	v0 =	vld.idx.msk [tilespmem:v0+s5+$0x0], $0xffff  }
0xf6: {  	[tilespmem:s30+$0xFFFFFF70] =	vst v4;
	v6 =	vadd.f32 v6, v12;
	v1 =	vld.idx.msk [tilespmem:v1+s5+$0x0], $0xffff  }
0xf7: {  	v23 =	vld.idx.msk [tilespmem:v62+s5+$0x0], $0xffff;
	[tilespmem:s31+$0xC0] =	vst v2;
	v7 =	vadd.s32 v58, v21  }
0xf8: {  	v24 =	vmul.f32 v45, v15;
	v28 =	vld.idx.msk [tilespmem:v63+s5+$0x0], $0xffff;
	[tilespmem:s31+$0x40] =	vst v6  }
0xf9: {  	v57 =	vld [tilespmem:$0x1FFC0];
	v50 =	vadd.s32 v58, v19  }
0xfa: {  	v2 =	vadd.f32 v24, v20;
	v24 =	vadd.s32 v58, v31;
	v0 =	vmul.f32 v0, v36  }
0xfb: {  	v6 =	vadd.s32 v58, v33;
	v27 =	vadd.s32 v58, v30;
	v1 =	vmul.f32 v1, v35  }
0xfc: {  	v3 =	vmul.f32 v3, v17;
	v23 =	vmul.f32 v23, v25;
	v0 =	vadd.f32 v0, v39;
	v7 =	vld.idx.msk [tilespmem:v7+s5+$0x0], $0xffff  }
0xfd: {  	v51 =	vmul.f32 v28, v34;
	v28 =	vadd.s32 v58, v32;
	v1 =	vadd.f32 v1, v40  }
0xfe: {  	v5 =	vld.idx.msk [tilespmem:v50+s5+$0x0], $0xffff;
	[tilespmem:s0+$0xFFFFFFC0] =	vst v0;
	v0 =	vadd.f32 v23, v37;
	v23 =	vadd.s32 v57, v29  }
0xff: {  	v52 =	vadd.s32 v57, v22;
	v4 =	vadd.f32 v51, v26;
	[tilespmem:s0+$0xFFFFFF40] =	vst v1;
	v1 =	vld.idx.msk [tilespmem:v24+s5+$0x0], $0xffff  }
0x100: {  	v6 =	vld.idx.msk [tilespmem:v6+s5+$0x0], $0xffff;
	[tilespmem:s0+$0xC0] =	vst v0  }
0x101: {  	v3 =	vadd.f32 v3, v18;
	[tilespmem:s0+$0x40] =	vst v4;
	v53 =	vld.idx.msk [tilespmem:v27+s5+$0x0], $0xffff;
	v7 =	vmul.f32 v7, v16  }
0x102: {  	[tilespmem:s31+$0xFFFFFF50] =	vst v2;
	v54 =	vld.idx.msk [tilespmem:v28+s5+$0x0], $0xffff  }
0x103: {  	[tilespmem:s31+$0xFFFFFFD0] =	vst v3;
	v5 =	vmul.f32 v5, v10;
	v23 =	vld.idx.msk [tilespmem:v23+s5+$0x0], $0xffff;
	v2 =	vadd.f32 v7, v12  }
0x104: {  	v24 =	vadd.s32 v57, v21;
	v7 =	vld.idx.msk [tilespmem:v52+s5+$0x0], $0xffff;
	v1 =	vmul.f32 v1, v36  }
0x105: {  	v0 =	vadd.s32 v57, v19;
	v3 =	vadd.f32 v5, v14;
	[tilespmem:s31+$0x50] =	vst v2;
	v2 =	vmul.f32 v6, v35  }
0x106: {  	v1 =	vadd.f32 v1, v39;
	v4 =	vmul.f32 v53, v25  }
0x107: {  	v5 =	vmul.f32 v54, v34;
	[tilespmem:s31+$0xD0] =	vst v3;
	v3 =	vadd.s32 v57, v31;
	v2 =	vadd.f32 v2, v40  }
0x108: {  	v6 =	vadd.s32 v57, v33;
	v47 =	vld [tilespmem:$0x1FFD0];
	[tilespmem:s0+$0xFFFFFFD0] =	vst v1;
	v1 =	vadd.f32 v4, v37;
	v55 =	vmul.f32 v23, v15  }
0x109: {  	v24 =	vld.idx.msk [tilespmem:v24+s5+$0x0], $0xffff;
	v7 =	vmul.f32 v7, v17;
	[tilespmem:s0+$0xFFFFFF50] =	vst v2;
	v2 =	vadd.f32 v5, v26  }
0x10a: {  	v0 =	vld.idx.msk [tilespmem:v0+s5+$0x0], $0xffff;
	[tilespmem:s0+$0xD0] =	vst v1;
	v1 =	vadd.f32 v55, v20  }
0x10b: {  	v28 =	vadd.s32 v57, v30;
	v56 =	vadd.f32 v7, v18;
	[tilespmem:s0+$0x50] =	vst v2  }
0x10c: {  	v29 =	vadd.s32 v57, v32;
	v3 =	vld.idx.msk [tilespmem:v3+s5+$0x0], $0xffff;
	[tilespmem:s31+$0xFFFFFF60] =	vst v1  }
0x10d: {  	v6 =	vld.idx.msk [tilespmem:v6+s5+$0x0], $0xffff;
	v22 =	vadd.s32 v47, v22;
	[tilespmem:s31+$0xFFFFFFE0] =	vst v56  }
0x10e: {  	v62 =	vmul.f32 v24, v16;
	v24 =	vld [tilespmem:$0x1FF50]  }
0x10f: {  	v27 =	vld.idx.msk [tilespmem:v43+s5+$0x0], $0xffff;
	v0 =	vmul.f32 v0, v10  }
0x110: {  	v2 =	vld.idx.msk [tilespmem:v28+s5+$0x0], $0xffff;
	v59 =	vadd.s32 v47, v19  }
0x111: {  	v7 =	vld.idx.msk [tilespmem:v29+s5+$0x0], $0xffff;
	v0 =	vadd.f32 v0, v14  }
0x112: {  	v3 =	vmul.f32 v3, v36;
	v1 =	vld.idx.msk [tilespmem:v22+s5+$0x0], $0xffff;
	v22 =	vadd.s32 v47, v31  }
0x113: {  	v21 =	vadd.s32 v47, v21;
	v5 =	vadd.f32 v62, v12;
	[tilespmem:s31+$0xE0] =	vst v0;
	v0 =	vmul.f32 v6, v35  }
0x114: {  	v19 =	vld.idx.msk [tilespmem:v42+s5+$0x0], $0xffff;
	v23 =	vadd.s32 v47, v33;
	v63 =	vadd.s32 v47, v30;
	v3 =	vadd.f32 v3, v39  }
0x115: {  	[tilespmem:s31+$0x60] =	vst v5;
	v2 =	vmul.f32 v2, v25;
	v4 =	vld.idx.msk [tilespmem:v59+s5+$0x0], $0xffff;
	v0 =	vadd.f32 v0, v40  }
0x116: {  	v6 =	vadd.s32 v47, v32;
	[tilespmem:s0+$0xFFFFFFE0] =	vst v3;
	v24 =	vld.idx.msk [tilespmem:v24+s5+$0x0], $0xffff  }
0x117: {  	v7 =	vmul.f32 v7, v34;
	v2 =	vadd.f32 v2, v37;
	[tilespmem:s0+$0xFFFFFF60] =	vst v0;
	v0 =	vld.idx.msk [tilespmem:v22+s5+$0x0], $0xffff  }
0x118: {  	v21 =	vld.idx.msk [tilespmem:v21+s5+$0x0], $0xffff;
	v1 =	vmul.f32 v1, v17  }
0x119: {  	v3 =	vmul.f32 v19, v9;
	v7 =	vadd.f32 v7, v26;
	v9 =	vld.idx.msk [tilespmem:v23+s5+$0x0], $0xffff;
	[tilespmem:s0+$0xE0] =	vst v2  }
0x11a: {  	v5 =	vld.idx.msk [tilespmem:v63+s5+$0x0], $0xffff;
	v4 =	vmul.f32 v4, v10;
	v1 =	vadd.f32 v1, v18  }
0x11b: {  	v2 =	vadd.f32 v3, v11;
	[tilespmem:s0+$0x60] =	vst v7;
	v3 =	vmul.f32 v24, v15  }
0x11c: {  	v6 =	vld.idx.msk [tilespmem:v6+s5+$0x0], $0xffff;
	[tilespmem:s31+$0xFFFFFFF0] =	vst v1;
	v1 =	vadd.f32 v4, v14;
	v0 =	vmul.f32 v0, v36  }
0x11d: {  	[tilespmem:s30+$0x70] =	vst v2;
	v2 =	vadd.f32 v3, v20;
	v3 =	vmul.f32 v21, v16  }
0x11e: {  	v8 =	vmul.f32 v27, v8;
	[tilespmem:s31+$0xF0] =	vst v1;
	v0 =	vadd.f32 v0, v39  }
0x11f: {  	v1 =	vmul.f32 v5, v25;
	[tilespmem:s31+$0xFFFFFF70] =	vst v2;
	v2 =	vadd.f32 v3, v12;
	v3 =	vmul.f32 v9, v35  }
0x120: {  	v8 =	vadd.f32 v8, v38;
	[tilespmem:s0+$0xFFFFFFF0] =	vst v0  }
0x121: {  	v0 =	vadd.f32 v1, v37;
	[tilespmem:s31+$0x70] =	vst v2;
	v2 =	vadd.f32 v3, v40;
	v3 =	vmul.f32 v6, v34  }
0x122: {  	[tilespmem:s30+$0xF0] =	vst v8  }
0x123: {  	[tilespmem:s0+$0xF0] =	vst v0;
	v1 =	vadd.f32 v3, v26  }
0x124: {  	[tilespmem:s0+$0xFFFFFF70] =	vst v2  }
0x125: {  	s2 =	simm.s32 $0x3;
	s3 =	simm.s32 $0x1;
	[tilespmem:s0+$0x70] =	vst v1  }
0x126: {  	[hbm4b:s8+s21] =	stream.strided.scatter [tilespmem:s23], [sflag:$0x3], $0x2000, s22, s21, $0x38;
	[tilespmem:$0xC180] =	vst v63  }
0x127: {  	s1 =	simm.s32 $0x0;
	v0 =	vmov s2;
	v1 =	vmov s3  }
0x128: {  	v1 =	vand.u32 $0xFFFFFFFD, v1;
	[tilespmem:s1], [sflag:$0x1] =	stream.linear.gather [hbm4b:s9+s1], $0x4000, $0x38;
	[tilespmem:$0xC180] =	vst v63  }
0x129: {  	v1 =	vbroadcast v1, $0x0;
	_ =	swait.ge [sflag:s24], $0x4000  }
0x12a: {  	[sflag:s24] =	ssyncset.done $0x0  }
0x12b: {  	v29 =	vld [tilespmem:$0x1FFE0];
	[sflag:s24] =	ssyncadd.s32 $0xFFFFC000  }
0x12c: {  	s4 =	simm.s32 $0x2;
	v2 =	vmov s1;
	v37 =	vld.idx.msk [tilespmem:v0+s15+$0x0], $0xffff  }
0x12d: {  	v3 =	vmov s4;
	v2 =	vand.u32 $0xFFFFFFFC, v2  }
0x12e: {  	v3 =	vand.u32 $0xFFFFFFFE, v3;
	v2 =	vbroadcast v2, $0x0  }
0x12f: {  	v3 =	vbroadcast v3, $0x0;
	v39 =	vld.idx.msk [tilespmem:v1+s15+$0x0], $0xffff;
	_ =	sdelay $0x1  }
0x130: {  	v33 =	vadd.s32 v29, v37  }
0x131: {  	v53 =	vld [tilespmem:$0x1FFF0]  }
0x132: {  	v8 =	vld.idx.msk [tilespmem:v0+s17+$0x0], $0xffff  }
0x133: {  	v40 =	vld.idx.msk [tilespmem:v2+s15+$0x0], $0xffff;
	v34 =	vadd.s32 v29, v39  }
0x134: {  	v44 =	vld.idx.msk [tilespmem:v3+s15+$0x0], $0xffff  }
0x135: {  	v4 =	vld.idx.msk [tilespmem:v33+s19+$0x0], $0xffff  }
0x136: {  	v63 =	vld.idx.msk [tilespmem:v0+s18+$0x0], $0xffff  }
0x137: {  	v24 =	vld.idx.msk [tilespmem:v1+s17+$0x0], $0xffff  }
0x138: {  	v5 =	vld.idx.msk [tilespmem:v34+s19+$0x0], $0xffff  }
0x139: {  	v23 =	vld.idx.msk [tilespmem:v2+s17+$0x0], $0xffff;
	v0 =	vadd.s32 v29, v40  }
0x13a: {  	v28 =	vld.idx.msk [tilespmem:v1+s18+$0x0], $0xffff;
	v6 =	vadd.s32 v53, v37;
	v4 =	vmul.f32 v4, v8  }
0x13b: {  	v9 =	vld.idx.msk [tilespmem:v3+s17+$0x0], $0xffff  }
0x13c: {  	v27 =	vld.idx.msk [tilespmem:v2+s18+$0x0], $0xffff;
	v7 =	vadd.s32 v29, v44;
	v4 =	vadd.f32 v4, v63  }
0x13d: {  	s30 =	simm.s32 $0xA100;
	v11 =	vld.idx.msk [tilespmem:v3+s18+$0x0], $0xffff;
	v2 =	vadd.s32 v53, v39;
	v5 =	vmul.f32 v5, v24  }
0x13e: {  	v0 =	vld.idx.msk [tilespmem:v0+s19+$0x0], $0xffff;
	[tilespmem:s30+$0x80] =	vst v4  }
0x13f: {  	v3 =	vadd.f32 v5, v28;
	v1 =	vld.idx.msk [tilespmem:v6+s19+$0x0], $0xffff  }
0x140: {  	s2 =	simm.s32 $0x7  }
0x141: {  	v14 =	vmov s2;
	s4 =	simm.s32 $0x4;
	v35 =	vld.idx.msk [tilespmem:v7+s19+$0x0], $0xffff;
	[tilespmem:s30+$0xFFFFFF80] =	vst v3  }
0x142: {  	v38 =	vmov s4;
	s3 =	simm.s32 $0x6;
	v2 =	vld.idx.msk [tilespmem:v2+s19+$0x0], $0xffff  }
0x143: {  	v12 =	vmov s3;
	v7 =	vadd.s32 v53, v40;
	v0 =	vmul.f32 v0, v23  }
0x144: {  	v12 =	vand.u32 $0xFFFFFFFE, v12;
	v36 =	vadd.s32 v13, v37;
	v1 =	vmul.f32 v1, v8  }
0x145: {  	v41 =	vmovc v13;
	v16 =	vadd.s32 v13, v40;
	v20 =	vadd.s32 v13, v44;
	v0 =	vadd.f32 v0, v27  }
0x146: {  	v19 =	vld.idx.msk [tilespmem:v14+s15+$0x0], $0xffff;
	v4 =	vmul.f32 v35, v9;
	v6 =	vadd.s32 v53, v44;
	v1 =	vadd.f32 v1, v63  }
0x147: {  	v42 =	vadd.s32 v13, v39;
	v13 =	vld.idx.msk [tilespmem:v14+s18+$0x0], $0xffff;
	[tilespmem:s30+$0xFFFFFF00] =	vst v0;
	v0 =	vbroadcast v12, $0x0;
	v2 =	vmul.f32 v2, v24  }
0x148: {  	s1 =	simm.s32 $0x5;
	v5 =	vand.u32 $0xFFFFFFFC, v38;
	v7 =	vld.idx.msk [tilespmem:v7+s19+$0x0], $0xffff;
	v4 =	vadd.f32 v4, v11;
	[tilespmem:s30+$0x90] =	vst v1  }
0x149: {  	v5 =	vbroadcast v5, $0x0;
	v3 =	vmov s1;
	v2 =	vadd.f32 v2, v28;
	v1 =	vld.idx.msk [tilespmem:v36+s19+$0x0], $0xffff  }
0x14a: {  	v12 =	vld.idx.msk [tilespmem:v14+s17+$0x0], $0xffff;
	v3 =	vand.u32 $0xFFFFFFFD, v3;
	[tilespmem:s30+$0x0] =	vst v4  }
0x14b: {  	v3 =	vbroadcast v3, $0x0;
	v6 =	vld.idx.msk [tilespmem:v6+s19+$0x0], $0xffff;
	[tilespmem:s30+$0xFFFFFF90] =	vst v2  }
0x14c: {  	v2 =	vld.idx.msk [tilespmem:v42+s19+$0x0], $0xffff  }
0x14d: {  	v7 =	vmul.f32 v7, v23;
	v21 =	vld.idx.msk [tilespmem:v0+s15+$0x0], $0xffff  }
0x14e: {  	v45 =	vld.idx.msk [tilespmem:v0+s18+$0x0], $0xffff;
	v1 =	vmul.f32 v1, v8  }
0x14f: {  	v10 =	vld.idx.msk [tilespmem:v5+s15+$0x0], $0xffff;
	v43 =	vadd.f32 v7, v27  }
0x150: {  	v15 =	vadd.s32 v60, v37;
	v49 =	vld.idx.msk [tilespmem:v0+s17+$0x0], $0xffff;
	v1 =	vadd.f32 v1, v63  }
0x151: {  	v18 =	vadd.s32 v60, v39;
	v22 =	vld.idx.msk [tilespmem:v3+s15+$0x0], $0xffff;
	[tilespmem:s30+$0xFFFFFF10] =	vst v43;
	v2 =	vmul.f32 v2, v24  }
0x152: {  	v7 =	vld.idx.msk [tilespmem:v16+s19+$0x0], $0xffff;
	v6 =	vmul.f32 v6, v9;
	[tilespmem:s30+$0xA0] =	vst v1;
	v1 =	vadd.s32 v29, v19  }
0x153: {  	v17 =	vld.idx.msk [tilespmem:v3+s17+$0x0], $0xffff;
	v0 =	vadd.f32 v2, v28  }
0x154: {  	v16 =	vld.idx.msk [tilespmem:v5+s17+$0x0], $0xffff;
	v2 =	vadd.f32 v6, v11  }
0x155: {  	v46 =	vld.idx.msk [tilespmem:v15+s19+$0x0], $0xffff;
	[tilespmem:s30+$0xFFFFFFA0] =	vst v0  }
0x156: {  	v6 =	vadd.s32 v29, v10;
	[tilespmem:s30+$0x10] =	vst v2;
	v2 =	vld.idx.msk [tilespmem:v18+s19+$0x0], $0xffff  }
0x157: {  	v26 =	vadd.s32 v60, v40;
	v7 =	vmul.f32 v7, v23;
	v1 =	vld.idx.msk [tilespmem:v1+s19+$0x0], $0xffff  }
0x158: {  	v0 =	vadd.s32 v29, v21;
	v25 =	vld.idx.msk [tilespmem:v20+s19+$0x0], $0xffff  }
0x159: {  	v30 =	vadd.s32 v29, v22;
	v18 =	vld.idx.msk [tilespmem:v3+s18+$0x0], $0xffff;
	v3 =	vadd.f32 v7, v27  }
0x15a: {  	v20 =	vld.idx.msk [tilespmem:v5+s18+$0x0], $0xffff  }
0x15b: {  	v6 =	vld.idx.msk [tilespmem:v6+s19+$0x0], $0xffff;
	[tilespmem:s30+$0xFFFFFF20] =	vst v3  }
0x15c: {  	v50 =	vadd.s32 v53, v19;
	v3 =	vld.idx.msk [tilespmem:v26+s19+$0x0], $0xffff;
	v1 =	vmul.f32 v1, v12  }
0x15d: {  	v31 =	vadd.s32 v61, v39;
	v4 =	vmul.f32 v46, v8;
	v0 =	vld.idx.msk [tilespmem:v0+s19+$0x0], $0xffff  }
0x15e: {  	v14 =	vadd.s32 v47, v40;
	v7 =	vmul.f32 v25, v9;
	v25 =	vld.idx.msk [tilespmem:v30+s19+$0x0], $0xffff;
	v1 =	vadd.f32 v1, v13  }
0x15f: {  	s31 =	simm.s32 $0xA300;
	v51 =	vadd.s32 v53, v21;
	v30 =	vadd.s32 v61, v37;
	v4 =	vadd.f32 v4, v63  }
0x160: {  	v54 =	vadd.s32 v53, v22;
	v26 =	vadd.s32 v60, v44;
	v52 =	vmul.f32 v6, v16;
	[tilespmem:s31+$0x80] =	vst v1  }
0x161: {  	v7 =	vadd.f32 v7, v11;
	[tilespmem:s30+$0xB0] =	vst v4;
	v1 =	vmul.f32 v2, v24;
	v5 =	vld.idx.msk [tilespmem:v50+s19+$0x0], $0xffff  }
0x162: {  	v3 =	vmul.f32 v3, v23;
	v4 =	vadd.f32 v52, v20;
	v2 =	vadd.s32 v61, v40;
	[tilespmem:$0x1FF30] =	vst v49  }
0x163: {  	v0 =	vmul.f32 v0, v49;
	v1 =	vadd.f32 v1, v28;
	[tilespmem:s30+$0x20] =	vst v7;
	v7 =	vmul.f32 v25, v17  }
0x164: {  	v6 =	vadd.s32 v53, v10;
	v3 =	vadd.f32 v3, v27;
	[tilespmem:s31+$0xFFFFFF00] =	vst v4;
	v4 =	vld.idx.msk [tilespmem:v30+s19+$0x0], $0xffff  }
0x165: {  	s1 =	simm.s32 $0x9;
	v0 =	vadd.f32 v0, v45;
	[tilespmem:s30+$0xFFFFFFB0] =	vst v1;
	v1 =	vld.idx.msk [tilespmem:v26+s19+$0x0], $0xffff;
	v7 =	vadd.f32 v7, v18  }
0x166: {  	s2 =	simm.s32 $0xA;
	s3 =	simm.s32 $0xB;
	v25 =	vadd.s32 v41, v19;
	v30 =	vmov s1;
	[tilespmem:s30+$0xFFFFFF30] =	vst v3;
	v26 =	vld.idx.msk [tilespmem:v31+s19+$0x0], $0xffff;
	v5 =	vmul.f32 v5, v12  }
0x167: {  	v15 =	vmovc v45;
	v45 =	vmov s3;
	v30 =	vand.u32 $0xFFFFFFFD, v30;
	v31 =	vmov s2;
	v2 =	vld.idx.msk [tilespmem:v2+s19+$0x0], $0xffff;
	[tilespmem:s31+$0xFFFFFF80] =	vst v7  }
0x168: {  	[tilespmem:s31+$0x0] =	vst v0;
	v3 =	vbroadcast v30, $0x0;
	v30 =	vand.u32 $0xFFFFFFFE, v31;
	v7 =	vld.idx.msk [tilespmem:v54+s19+$0x0], $0xffff;
	v5 =	vadd.f32 v5, v13  }
0x169: {  	v6 =	vld.idx.msk [tilespmem:v6+s19+$0x0], $0xffff;
	v0 =	vbroadcast v30, $0x0;
	[tilespmem:$0x1FF00] =	vst v14  }
0x16a: {  	v55 =	vadd.s32 v61, v44;
	v33 =	vld.idx.msk [tilespmem:v51+s19+$0x0], $0xffff;
	[tilespmem:s31+$0x90] =	vst v5  }
0x16b: {  	s4 =	simm.s32 $0x8;
	v34 =	vadd.s32 v58, v40;
	v62 =	vadd.s32 v41, v22;
	v1 =	vmul.f32 v1, v9;
	v56 =	vld.idx.msk [tilespmem:v25+s19+$0x0], $0xffff  }
0x16c: {  	v30 =	vld.idx.msk [tilespmem:v45+s15+$0x0], $0xffff;
	v5 =	vadd.s32 v58, v39;
	v2 =	vmul.f32 v2, v23;
	v25 =	vmov s4  }
0x16d: {  	v1 =	vadd.f32 v1, v11;
	v31 =	vand.u32 $0xFFFFFFFC, v25;
	v25 =	vld.idx.msk [tilespmem:v45+s17+$0x0], $0xffff;
	v7 =	vmul.f32 v7, v17  }
0x16e: {  	v54 =	vmul.f32 v26, v24;
	v2 =	vadd.f32 v2, v27;
	v48 =	vbroadcast v31, $0x0;
	v31 =	vld.idx.msk [tilespmem:v3+s15+$0x0], $0xffff  }
0x16f: {  	v32 =	vld.idx.msk [tilespmem:v0+s15+$0x0], $0xffff;
	v33 =	vmul.f32 v33, v49;
	[tilespmem:s30+$0x30] =	vst v1;
	v1 =	vadd.f32 v7, v18  }
0x170: {  	v26 =	vld.idx.msk [tilespmem:v0+s18+$0x0], $0xffff;
	v7 =	vadd.f32 v54, v28;
	[tilespmem:s30+$0xFFFFFF40] =	vst v2;
	v36 =	vmul.f32 v56, v12  }
0x171: {  	v59 =	vadd.s32 v60, v19;
	v2 =	vld.idx.msk [tilespmem:v55+s19+$0x0], $0xffff;
	v33 =	vadd.f32 v33, v15;
	[tilespmem:s31+$0xFFFFFF90] =	vst v1  }
0x172: {  	v6 =	vmul.f32 v6, v16;
	v1 =	vld.idx.msk [tilespmem:v34+s19+$0x0], $0xffff;
	[tilespmem:s30+$0xFFFFFFC0] =	vst v7;
	v7 =	vadd.f32 v36, v13  }
0x173: {  	v52 =	vadd.s32 v41, v10;
	v4 =	vmul.f32 v4, v8;
	v55 =	vld.idx.msk [tilespmem:v62+s19+$0x0], $0xffff;
	[tilespmem:s31+$0x10] =	vst v33  }
0x174: {  	v6 =	vadd.f32 v6, v20;
	v5 =	vld.idx.msk [tilespmem:v5+s19+$0x0], $0xffff;
	[tilespmem:s31+$0xA0] =	vst v7;
	v7 =	vadd.s32 v47, v10  }
0x175: {  	v4 =	vadd.f32 v4, v63;
	v33 =	vld.idx.msk [tilespmem:v48+s15+$0x0], $0xffff;
	[tilespmem:$0x1FF10] =	vst v7  }
0x176: {  	v50 =	vadd.s32 v29, v30;
	[tilespmem:s31+$0xFFFFFF10] =	vst v6;
	v6 =	vld.idx.msk [tilespmem:v59+s19+$0x0], $0xffff  }
0x177: {  	v56 =	vadd.s32 v47, v44;
	[tilespmem:s30+$0xC0] =	vst v4;
	v35 =	vld.idx.msk [tilespmem:v48+s17+$0x0], $0xffff  }
0x178: {  	v7 =	vld.idx.msk [tilespmem:v52+s19+$0x0], $0xffff;
	[tilespmem:$0x1FF20] =	vst v56  }
0x179: {  	v42 =	vmov v10;
	v10 =	vadd.s32 v57, v37;
	v36 =	vld.idx.msk [tilespmem:v3+s17+$0x0], $0xffff  }
0x17a: {  	v2 =	vmul.f32 v2, v9;
	v34 =	vld.idx.msk [tilespmem:v0+s17+$0x0], $0xffff;
	[tilespmem:$0x1FF40] =	vst v10  }
0x17b: {  	v43 =	vadd.s32 v47, v37;
	v1 =	vmul.f32 v1, v23;
	v50 =	vld.idx.msk [tilespmem:v50+s19+$0x0], $0xffff  }
0x17c: {  	v49 =	vadd.s32 v41, v21;
	v2 =	vadd.f32 v2, v11;
	v59 =	vmul.f32 v55, v17  }
0x17d: {  	v4 =	vadd.s32 v58, v37;
	v5 =	vmul.f32 v5, v24;
	v1 =	vadd.f32 v1, v27;
	v37 =	vld.idx.msk [tilespmem:v45+s18+$0x0], $0xffff  }
0x17e: {  	v46 =	vadd.s32 v58, v44;
	v51 =	vadd.f32 v59, v18;
	[tilespmem:s30+$0x40] =	vst v2;
	v6 =	vmul.f32 v6, v12  }
0x17f: {  	v5 =	vadd.f32 v5, v28;
	[tilespmem:s30+$0xFFFFFF50] =	vst v1;
	v7 =	vmul.f32 v7, v16  }
0x180: {  	[tilespmem:s31+$0xFFFFFFA0] =	vst v51;
	v6 =	vadd.f32 v6, v13;
	v52 =	vmul.f32 v50, v25  }
0x181: {  	[tilespmem:s30+$0xFFFFFFD0] =	vst v5;
	v7 =	vadd.f32 v7, v20  }
0x182: {  	v49 =	vld.idx.msk [tilespmem:v49+s19+$0x0], $0xffff;
	[tilespmem:s31+$0xB0] =	vst v6;
	v5 =	vadd.f32 v52, v37  }
0x183: {  	s0 =	simm.s32 $0xA500;
	v54 =	vld.idx.msk [tilespmem:v46+s19+$0x0], $0xffff;
	[tilespmem:s31+$0xFFFFFF20] =	vst v7  }
0x184: {  	v4 =	vld.idx.msk [tilespmem:v4+s19+$0x0], $0xffff;
	[tilespmem:s0+$0x80] =	vst v5  }
0x185: {  	v1 =	vld [tilespmem:$0x1FF30];
	_ =	sdelay $0x1  }
0x186: {  	v55 =	vadd.s32 v29, v32;
	v56 =	vadd.s32 v57, v40;
	v2 =	vadd.s32 v29, v31  }
0x187: {  	v0 =	vadd.s32 v60, v22;
	v62 =	vadd.s32 v29, v33;
	v6 =	vmul.f32 v54, v9  }
0x188: {  	v29 =	vadd.s32 v57, v44;
	v57 =	vadd.s32 v57, v39;
	v4 =	vmul.f32 v4, v8  }
0x189: {  	v47 =	vadd.s32 v47, v39;
	v39 =	vld.idx.msk [tilespmem:v3+s18+$0x0], $0xffff;
	v6 =	vadd.f32 v6, v11;
	v5 =	vmul.f32 v49, v1  }
0x18a: {  	v14 =	vmov v15;
	v40 =	vld.idx.msk [tilespmem:v48+s18+$0x0], $0xffff;
	v4 =	vadd.f32 v4, v63  }
0x18b: {  	[tilespmem:s30+$0x50] =	vst v6;
	v10 =	vmov v1;
	v1 =	vld.idx.msk [tilespmem:v2+s19+$0x0], $0xffff;
	v2 =	vadd.f32 v5, v14  }
0x18c: {  	v44 =	vadd.s32 v58, v22;
	v0 =	vld.idx.msk [tilespmem:v0+s19+$0x0], $0xffff;
	[tilespmem:s30+$0xD0] =	vst v4  }
0x18d: {  	v45 =	vadd.s32 v58, v42;
	v58 =	vadd.s32 v60, v42;
	v57 =	vld.idx.msk [tilespmem:v57+s19+$0x0], $0xffff;
	[tilespmem:s31+$0x20] =	vst v2  }
0x18e: {  	v2 =	vld [tilespmem:$0x1FF40]  }
0x18f: {  	v62 =	vld.idx.msk [tilespmem:v62+s19+$0x0], $0xffff;
	v7 =	vadd.s32 v53, v30  }
0x190: {  	v38 =	vmov v16;
	v48 =	vadd.s32 v60, v30;
	v3 =	vadd.s32 v60, v21;
	v59 =	vld.idx.msk [tilespmem:v55+s19+$0x0], $0xffff  }
0x191: {  	v15 =	vmovc v12;
	v46 =	vadd.s32 v61, v21;
	v51 =	vadd.s32 v61, v42;
	v12 =	vmov v63;
	v63 =	vld.idx.msk [tilespmem:v56+s19+$0x0], $0xffff  }
0x192: {  	v50 =	vadd.s32 v61, v19;
	v61 =	vadd.s32 v61, v22;
	v58 =	vld.idx.msk [tilespmem:v58+s19+$0x0], $0xffff;
	v0 =	vmul.f32 v0, v17  }
0x193: {  	v54 =	vadd.s32 v41, v30;
	v52 =	vadd.s32 v53, v32;
	v6 =	vmul.f32 v57, v24;
	v56 =	vld.idx.msk [tilespmem:v29+s19+$0x0], $0xffff  }
0x194: {  	v0 =	vadd.f32 v0, v18;
	v4 =	vmul.f32 v62, v35;
	v62 =	vadd.s32 v53, v33;
	v60 =	vld.idx.msk [tilespmem:v7+s19+$0x0], $0xffff  }
0x195: {  	v49 =	vadd.s32 v41, v31;
	v41 =	vmul.f32 v59, v34;
	v59 =	vadd.s32 v53, v31;
	v53 =	vld.idx.msk [tilespmem:v3+s19+$0x0], $0xffff  }
0x196: {  	v16 =	vmov v13;
	v63 =	vmul.f32 v63, v23;
	[tilespmem:s31+$0xFFFFFFB0] =	vst v0;
	v55 =	vld.idx.msk [tilespmem:v2+s19+$0x0], $0xffff;
	v2 =	vadd.f32 v4, v40  }
0x197: {  	s4 =	simm.s32 $0xC;
	v0 =	vmul.f32 v1, v36;
	v1 =	vadd.f32 v41, v26;
	v57 =	vld.idx.msk [tilespmem:v61+s19+$0x0], $0xffff;
	v61 =	vadd.f32 v6, v28  }
.LBB2_4:
0x198: {  	v4 =	vld.idx.msk [tilespmem:v50+s19+$0x0], $0xffff;
	[tilespmem:s0+$0xFFFFFF00] =	vst v2;
	v2 =	vmul.f32 v58, v38  }
0x199: {  	v3 =	vmov s4;
	s1 =	sadd.s32 $0x1, s4;
	v13 =	vld [tilespmem:$0x1FF00];
	v5 =	vadd.f32 v63, v27;
	[tilespmem:s0+$0x0] =	vst v1  }
0x19a: {  	s2 =	sadd.s32 $0x2, s4;
	v6 =	vmov s1;
	[tilespmem:s30+$0xFFFFFFE0] =	vst v61;
	v7 =	vld.idx.msk [tilespmem:v62+s19+$0x0], $0xffff;
	v1 =	vmul.f32 v60, v25;
	v2 =	vadd.f32 v2, v20  }
0x19b: {  	v41 =	vmov s2;
	v0 =	vadd.f32 v0, v39;
	v6 =	vand.u32 $0xFFFFFFFD, v6;
	[tilespmem:s30+$0xFFFFFF60] =	vst v5;
	v60 =	vld.idx.msk [tilespmem:v52+s19+$0x0], $0xffff  }
0x19c: {  	v50 =	vbroadcast v6, $0x0;
	v6 =	vmul.f32 v55, v8;
	v1 =	vadd.f32 v1, v37;
	[tilespmem:s31+$0xFFFFFF30] =	vst v2;
	v2 =	vld.idx.msk [tilespmem:v47+s19+$0x0], $0xffff  }
0x19d: {  	v29 =	vmovc v38;
	v3 =	vand.u32 $0xFFFFFFFC, v3;
	v38 =	vand.u32 $0xFFFFFFFE, v41;
	v41 =	vmul.f32 v56, v9;
	[tilespmem:s0+$0xFFFFFF80] =	vst v0;
	v0 =	vld.idx.msk [tilespmem:v51+s19+$0x0], $0xffff  }
0x19e: {  	s3 =	sadd.s32 $0x3, s4;
	v6 =	vadd.f32 v6, v12;
	[tilespmem:s0+$0x90] =	vst v1;
	v51 =	vbroadcast v3, $0x0;
	v3 =	vld.idx.msk [tilespmem:v59+s19+$0x0], $0xffff  }
0x19f: {  	v52 =	vmov s3;
	v1 =	vadd.f32 v41, v11;
	v54 =	vld.idx.msk [tilespmem:v54+s19+$0x0], $0xffff  }
0x1a0: {  	[tilespmem:s30+$0xE0] =	vst v6;
	v6 =	vld [tilespmem:$0x1FF10]  }
0x1a1: {  	[tilespmem:s30+$0x60] =	vst v1;
	v1 =	vld.idx.msk [tilespmem:v43+s19+$0x0], $0xffff  }
0x1a2: {  	v55 =	vmul.f32 v57, v17;
	v57 =	vld.idx.msk [tilespmem:v13+s19+$0x0], $0xffff  }
0x1a3: {  	v62 =	vld [tilespmem:$0x1FF80];
	v5 =	vbroadcast v38, $0x0;
	v38 =	vmul.f32 v53, v10  }
0x1a4: {  	v61 =	vmov v10;
	v41 =	vmul.f32 v60, v34;
	v60 =	vld.idx.msk [tilespmem:v52+s17+$0x0], $0xffff;
	v2 =	vmul.f32 v2, v24  }
0x1a5: {  	v10 =	vmovc v12;
	v12 =	vmov v6;
	v6 =	vadd.f32 v55, v18;
	v55 =	vld.idx.msk [tilespmem:v52+s15+$0x0], $0xffff;
	v3 =	vmul.f32 v3, v36  }
0x1a6: {  	[tilespmem:$0x1FF00] =	vst v12;
	v12 =	vld [tilespmem:$0x1FF20];
	v2 =	vadd.f32 v2, v28;
	v1 =	vmul.f32 v1, v8  }
0x1a7: {  	[tilespmem:s31+$0xFFFFFFC0] =	vst v6;
	v6 =	vmul.f32 v57, v23;
	v23 =	vmov v29;
	v3 =	vadd.f32 v3, v39;
	v29 =	vld [tilespmem:$0x1FFD0]  }
0x1a8: {  	v0 =	vmul.f32 v0, v23;
	v57 =	vld.idx.msk [tilespmem:v50+s15+$0x0], $0xffff;
	[tilespmem:s30+$0xFFFFFFF0] =	vst v2;
	v1 =	vadd.f32 v1, v10  }
0x1a9: {  	v6 =	vadd.f32 v6, v27;
	v27 =	vmul.f32 v54, v25;
	v54 =	vld [tilespmem:$0x1FFE0];
	[tilespmem:s0+$0xFFFFFF90] =	vst v3  }
0x1aa: {  	v8 =	vmov v25;
	v25 =	vmov v60;
	v60 =	vld [tilespmem:$0x1FFB0];
	v0 =	vadd.f32 v0, v20;
	[tilespmem:s30+$0xF0] =	vst v1  }
0x1ab: {  	v1 =	vld.idx.msk [tilespmem:v44+s19+$0x0], $0xffff;
	[tilespmem:s30+$0xFFFFFF70] =	vst v6  }
0x1ac: {  	v24 =	vmov v17;
	v17 =	vmov v36;
	v36 =	vld.idx.msk [tilespmem:v50+s17+$0x0], $0xffff;
	[tilespmem:s31+$0xFFFFFF40] =	vst v0  }
0x1ad: {  	v3 =	vld.idx.msk [tilespmem:v45+s19+$0x0], $0xffff  }
0x1ae: {  	v7 =	vmul.f32 v7, v35;
	v43 =	vadd.f32 v41, v26;
	v59 =	vadd.s32 v29, v21;
	v45 =	vld.idx.msk [tilespmem:v49+s19+$0x0], $0xffff  }
0x1af: {  	v63 =	vmov v42;
	v38 =	vadd.f32 v38, v14;
	[tilespmem:$0x1FF20] =	vst v59;
	v42 =	vld.idx.msk [tilespmem:v12+s19+$0x0], $0xffff  }
0x1b0: {  	v7 =	vadd.f32 v7, v40;
	v49 =	vld.idx.msk [tilespmem:v51+s15+$0x0], $0xffff;
	[tilespmem:s0+$0x10] =	vst v43  }
0x1b1: {  	v59 =	vld [tilespmem:$0x1FF90];
	[tilespmem:s31+$0x30] =	vst v38  }
0x1b2: {  	v47 =	vadd.s32 v62, v33;
	[tilespmem:s0+$0xFFFFFF10] =	vst v7;
	v2 =	vld.idx.msk [tilespmem:v5+s18+$0x0], $0xffff  }
0x1b3: {  	v4 =	vmul.f32 v4, v15;
	v13 =	vmov v14;
	v14 =	vmov v35;
	v35 =	vld.idx.msk [tilespmem:v51+s17+$0x0], $0xffff  }
0x1b4: {  	v6 =	vadd.f32 v27, v37;
	v0 =	vld.idx.msk [tilespmem:v46+s19+$0x0], $0xffff;
	v27 =	vmul.f32 v42, v9  }
0x1b5: {  	v53 =	vadd.s32 v62, v32;
	v4 =	vadd.f32 v4, v16;
	v58 =	vld.idx.msk [tilespmem:v5+s15+$0x0], $0xffff  }
0x1b6: {  	[tilespmem:s0+$0xA0] =	vst v6;
	v46 =	vadd.s32 v54, v55;
	v9 =	vmov v61;
	v61 =	vld [tilespmem:$0x1FFC0];
	v6 =	vadd.f32 v27, v11  }
0x1b7: {  	v28 =	vmovc v18;
	v10 =	vadd.s32 v29, v33;
	v11 =	vmovc v13;
	v13 =	vmov v26;
	v26 =	vmov v2;
	v2 =	vld.idx.msk [tilespmem:v47+s19+$0x0], $0xffff  }
0x1b8: {  	v12 =	vmov v37;
	v7 =	vadd.s32 v60, v21;
	v37 =	vmul.f32 v45, v17;
	[tilespmem:s30+$0x70] =	vst v6;
	v6 =	vld.idx.msk [tilespmem:v48+s19+$0x0], $0xffff  }
0x1b9: {  	v18 =	vmovc v39;
	v44 =	vadd.s32 v60, v31;
	v42 =	vmov v34;
	v0 =	vmul.f32 v0, v9;
	s30 =	smov.u32 s31;
	v34 =	vld.idx.msk [tilespmem:v5+s17+$0x0], $0xffff  }
0x1ba: {  	v45 =	vadd.s32 v60, v33;
	v39 =	vadd.f32 v37, v18;
	[tilespmem:s30+$0xC0] =	vst v4;
	v4 =	vadd.s32 v60, v19;
	v60 =	vld [tilespmem:$0x1FFA0]  }
0x1bb: {  	[tilespmem:$0x1FF10] =	vst v10;
	v1 =	vmul.f32 v1, v24;
	s31 =	smov.u32 s0;
	v0 =	vadd.f32 v0, v11;
	v48 =	vld.idx.msk [tilespmem:v46+s19+$0x0], $0xffff  }
0x1bc: {  	v41 =	vmov v15;
	v43 =	vadd.s32 v29, v19;
	[tilespmem:s31+$0xFFFFFFA0] =	vst v39;
	v37 =	vld.idx.msk [tilespmem:v52+s18+$0x0], $0xffff  }
0x1bd: {  	v15 =	vmov v8;
	v1 =	vadd.f32 v1, v28;
	v5 =	vadd.s32 v59, v31;
	[tilespmem:s30+$0x40] =	vst v0;
	v39 =	vld.idx.msk [tilespmem:v50+s18+$0x0], $0xffff  }
0x1be: {  	v3 =	vmul.f32 v3, v23;
	v27 =	vmovc v20;
	v20 =	vmov v40;
	v40 =	vadd.s32 v54, v49;
	v7 =	vld.idx.msk [tilespmem:v7+s19+$0x0], $0xffff  }
0x1bf: {  	v47 =	vadd.s32 v29, v22;
	v0 =	vadd.s32 v54, v57;
	v54 =	vadd.s32 v54, v58;
	v53 =	vld.idx.msk [tilespmem:v53+s19+$0x0], $0xffff  }
0x1c0: {  	v10 =	vmovc v16;
	v3 =	vadd.f32 v3, v27;
	v52 =	vadd.s32 v61, v22;
	v6 =	vmul.f32 v6, v8;
	v8 =	vld [tilespmem:$0x1FFF0]  }
0x1c1: {  	v16 =	vmovc v12;
	v56 =	vadd.s32 v61, v19;
	v19 =	vmov v30;
	v2 =	vmul.f32 v2, v14;
	v4 =	vld.idx.msk [tilespmem:v4+s19+$0x0], $0xffff  }
0x1c2: {  	v30 =	vmov v55;
	v29 =	vadd.s32 v61, v63;
	v55 =	vadd.s32 v59, v33;
	[tilespmem:s30+$0xFFFFFF50] =	vst v3;
	v5 =	vld.idx.msk [tilespmem:v5+s19+$0x0], $0xffff  }
0x1c3: {  	v3 =	vadd.s32 v61, v21;
	v21 =	vmov v32;
	v2 =	vadd.f32 v2, v20;
	[tilespmem:s30+$0xFFFFFFD0] =	vst v1;
	v1 =	vld.idx.msk [tilespmem:v40+s19+$0x0], $0xffff  }
0x1c4: {  	v22 =	vmovc v31;
	v31 =	vmov v57;
	v46 =	vadd.s32 v60, v21;
	v6 =	vadd.f32 v6, v12;
	v57 =	vld.idx.msk [tilespmem:v54+s19+$0x0], $0xffff  }
0x1c5: {  	v32 =	vmov v58;
	v50 =	vadd.s32 v60, v19;
	[tilespmem:s31+$0xFFFFFF20] =	vst v2;
	v63 =	vld.idx.msk [tilespmem:v52+s19+$0x0], $0xffff;
	v2 =	vmul.f32 v7, v9  }
0x1c6: {  	v61 =	vadd.s32 v60, v22;
	v12 =	vmov v10;
	v0 =	vld.idx.msk [tilespmem:v0+s19+$0x0], $0xffff;
	[tilespmem:s31+$0xB0] =	vst v6;
	v6 =	vmul.f32 v48, v25  }
0x1c7: {  	v40 =	vld.idx.msk [tilespmem:v51+s18+$0x0], $0xffff;
	v7 =	vadd.s32 v8, v30;
	v2 =	vadd.f32 v2, v11;
	v4 =	vmul.f32 v4, v41  }
0x1c8: {  	v54 =	vadd.s32 v62, v30;
	v51 =	vadd.s32 v60, v33;
	v29 =	vld.idx.msk [tilespmem:v29+s19+$0x0], $0xffff;
	v6 =	vadd.f32 v6, v37  }
0x1c9: {  	s0 =	sadd.s32 $0x200, s0;
	v48 =	vadd.s32 v59, v30;
	v5 =	vmul.f32 v5, v17;
	[tilespmem:s30+$0x50] =	vst v2;
	v4 =	vadd.f32 v4, v10  }
0x1ca: {  	v52 =	vadd.s32 v8, v32;
	v1 =	vmul.f32 v1, v35;
	[tilespmem:s0+$0x80] =	vst v6;
	v6 =	vmul.f32 v53, v42  }
0x1cb: {  	p0 =	slt.u32 s4, $0x3C;
	v58 =	vld.idx.msk [tilespmem:v55+s19+$0x0], $0xffff;
	v10 =	vmov v42;
	v53 =	vadd.s32 v59, v21;
	v5 =	vadd.f32 v5, v18;
	[tilespmem:s30+$0xD0] =	vst v4  }
.Ltmp1:
0x1cc: {  	v42 =	vmovc v33;
	v33 =	vmov v49;
	v49 =	vadd.s32 v62, v31;
	v4 =	vadd.f32 v6, v13;
	v60 =	vld.idx.msk [tilespmem:v7+s19+$0x0], $0xffff;
	(pc) =	sbr.rel @p0 .LBB2_4-.Ltmp1, $4  }
0x1cd: {  	v59 =	vadd.s32 v8, v31;
	v62 =	vadd.s32 v8, v33;
	[tilespmem:s31+$0xFFFFFFB0] =	vst v5;
	v55 =	vld.idx.msk [tilespmem:v56+s19+$0x0], $0xffff  }
0x1ce: {  	v8 =	vmov v41;
	v41 =	vmul.f32 v63, v24;
	v6 =	vmul.f32 v57, v34;
	v57 =	vld.idx.msk [tilespmem:v61+s19+$0x0], $0xffff;
	[tilespmem:s31+$0x20] =	vst v4  }
0x1cf: {  	v38 =	vmovc v14;
	v14 =	vmov v13;
	v0 =	vmul.f32 v0, v36;
	v2 =	vadd.f32 v1, v40;
	v56 =	vld.idx.msk [tilespmem:v3+s19+$0x0], $0xffff  }
0x1d0: {  	s4 =	sadd.s32 $0x4, s4;
	v63 =	vmul.f32 v29, v23;
	v61 =	vadd.f32 v41, v28;
	v1 =	vadd.f32 v6, v26;
	v53 =	vld.idx.msk [tilespmem:v53+s19+$0x0], $0xffff  }
0x1d1: {  	_ =	sdelay $0x1  }
0x1d2: {  	v0 =	vadd.f32 v0, v39  }
0x1d3: {  	[tilespmem:s0+$0xFFFFFF00] =	vst v2  }
0x1d4: {  	v2 =	vld.idx.msk [tilespmem:v62+s19+$0x0], $0xffff;
	[tilespmem:s0+$0xFFFFFF80] =	vst v0  }
0x1d5: {  	[tilespmem:s0+$0x0] =	vst v1;
	v0 =	vld.idx.msk [tilespmem:v59+s19+$0x0], $0xffff  }
0x1d6: {  	v1 =	vld.idx.msk [tilespmem:v52+s19+$0x0], $0xffff  }
0x1d7: {  	v52 =	vld [tilespmem:$0x1FF80]  }
0x1d8: {  	v4 =	vmul.f32 v60, v25;
	_ =	sdelay $0x1  }
0x1d9: {  	v4 =	vadd.f32 v4, v37;
	v0 =	vmul.f32 v0, v36;
	_ =	sdelay $0x1  }
0x1da: {  	[tilespmem:s0+$0x90] =	vst v4;
	v2 =	vmul.f32 v2, v35;
	v3 =	vadd.s32 v52, v33;
	v0 =	vadd.f32 v0, v39  }
0x1db: {  	v4 =	vld.idx.msk [tilespmem:v54+s19+$0x0], $0xffff;
	v1 =	vmul.f32 v1, v34;
	v5 =	vadd.s32 v52, v32  }
0x1dc: {  	v2 =	vadd.f32 v2, v40;
	[tilespmem:s0+$0xFFFFFF90] =	vst v0  }
0x1dd: {  	v0 =	vadd.f32 v1, v26;
	v1 =	vld.idx.msk [tilespmem:v49+s19+$0x0], $0xffff  }
0x1de: {  	[tilespmem:s0+$0xFFFFFF10] =	vst v2  }
0x1df: {  	v2 =	vld.idx.msk [tilespmem:v3+s19+$0x0], $0xffff;
	[tilespmem:s0+$0x10] =	vst v0  }
0x1e0: {  	v4 =	vmul.f32 v4, v25;
	v0 =	vld.idx.msk [tilespmem:v5+s19+$0x0], $0xffff  }
0x1e1: {  	v6 =	vadd.f32 v63, v27;
	v55 =	vmul.f32 v55, v8  }
0x1e2: {  	v4 =	vadd.f32 v4, v37;
	v60 =	vld [tilespmem:$0x1FF90];
	[tilespmem:s30+$0xFFFFFFE0] =	vst v61;
	v1 =	vmul.f32 v1, v36  }
0x1e3: {  	v3 =	vmul.f32 v58, v38;
	v49 =	vadd.f32 v55, v12;
	[tilespmem:s30+$0xFFFFFF60] =	vst v6  }
0x1e4: {  	[tilespmem:s0+$0xA0] =	vst v4;
	v2 =	vmul.f32 v2, v35;
	v1 =	vadd.f32 v1, v39  }
0x1e5: {  	v3 =	vadd.f32 v3, v20;
	[tilespmem:s30+$0xE0] =	vst v49;
	v0 =	vmul.f32 v0, v34  }
0x1e6: {  	v2 =	vadd.f32 v2, v40;
	[tilespmem:s0+$0xFFFFFFA0] =	vst v1;
	v1 =	vmul.f32 v56, v9  }
0x1e7: {  	[tilespmem:s31+$0xFFFFFF30] =	vst v3;
	v0 =	vadd.f32 v0, v26  }
0x1e8: {  	[tilespmem:s0+$0xFFFFFF20] =	vst v2;
	v1 =	vadd.f32 v1, v11  }
0x1e9: {  	v54 =	vadd.s32 v60, v31;
	[tilespmem:s0+$0x20] =	vst v0  }
0x1ea: {  	v7 =	vld.idx.msk [tilespmem:v51+s19+$0x0], $0xffff;
	v3 =	vadd.s32 v60, v33;
	[tilespmem:s30+$0x60] =	vst v1  }
0x1eb: {  	v61 =	vld [tilespmem:$0x1FF00]  }
0x1ec: {  	v6 =	vadd.s32 v60, v32  }
0x1ed: {  	v29 =	vld.idx.msk [tilespmem:v50+s19+$0x0], $0xffff  }
0x1ee: {  	v5 =	vld.idx.msk [tilespmem:v54+s19+$0x0], $0xffff  }
0x1ef: {  	v2 =	vmul.f32 v53, v10;
	v3 =	vld.idx.msk [tilespmem:v3+s19+$0x0], $0xffff  }
0x1f0: {  	v58 =	vmul.f32 v7, v38;
	v7 =	vld.idx.msk [tilespmem:v48+s19+$0x0], $0xffff  }
0x1f1: {  	v0 =	vadd.f32 v2, v14;
	v2 =	vld.idx.msk [tilespmem:v6+s19+$0x0], $0xffff  }
0x1f2: {  	v6 =	vld.idx.msk [tilespmem:v47+s19+$0x0], $0xffff  }
0x1f3: {  	[tilespmem:s31+$0x30] =	vst v0;
	v5 =	vmul.f32 v5, v36;
	v4 =	vld.idx.msk [tilespmem:v61+s19+$0x0], $0xffff  }
0x1f4: {  	v1 =	vadd.f32 v58, v20;
	v3 =	vmul.f32 v3, v35;
	v61 =	vld [tilespmem:$0x1FFA0]  }
0x1f5: {  	v46 =	vld.idx.msk [tilespmem:v46+s19+$0x0], $0xffff;
	v7 =	vmul.f32 v7, v25;
	v5 =	vadd.f32 v5, v39  }
0x1f6: {  	v2 =	vmul.f32 v2, v34;
	v3 =	vadd.f32 v3, v40;
	[tilespmem:s31+$0xFFFFFF40] =	vst v1  }
0x1f7: {  	v59 =	vmul.f32 v57, v17;
	v7 =	vadd.f32 v7, v37;
	[tilespmem:s0+$0xFFFFFFB0] =	vst v5  }
0x1f8: {  	v50 =	vmov v10;
	v6 =	vmul.f32 v6, v24;
	v2 =	vadd.f32 v2, v26;
	[tilespmem:s0+$0xFFFFFF30] =	vst v3  }
0x1f9: {  	v41 =	vadd.f32 v59, v18;
	v24 =	vmul.f32 v29, v15;
	v58 =	vld [tilespmem:$0x1FFB0];
	[tilespmem:s0+$0xB0] =	vst v7;
	v0 =	vadd.s32 v61, v31  }
0x1fa: {  	v3 =	vadd.f32 v6, v28;
	v6 =	vmul.f32 v46, v50;
	[tilespmem:s0+$0x30] =	vst v2;
	v1 =	vadd.s32 v61, v33  }
0x1fb: {  	[tilespmem:s31+$0xFFFFFFC0] =	vst v41;
	v2 =	vadd.f32 v24, v16;
	v4 =	vmul.f32 v4, v23  }
0x1fc: {  	v45 =	vld.idx.msk [tilespmem:v45+s19+$0x0], $0xffff;
	[tilespmem:s30+$0xFFFFFFF0] =	vst v3;
	v6 =	vadd.f32 v6, v14;
	v62 =	vadd.s32 v61, v30  }
0x1fd: {  	v3 =	vld.idx.msk [tilespmem:v44+s19+$0x0], $0xffff;
	[tilespmem:s31+$0xC0] =	vst v2;
	v63 =	vadd.s32 v61, v32;
	v4 =	vadd.f32 v4, v27  }
0x1fe: {  	[tilespmem:s31+$0x40] =	vst v6;
	v7 =	vadd.s32 v58, v21;
	v0 =	vld.idx.msk [tilespmem:v0+s19+$0x0], $0xffff  }
0x1ff: {  	[tilespmem:s30+$0xFFFFFF70] =	vst v4;
	v1 =	vld.idx.msk [tilespmem:v1+s19+$0x0], $0xffff  }
0x200: {  	v57 =	vld [tilespmem:$0x1FFC0]  }
0x201: {  	v24 =	vmul.f32 v45, v38;
	v23 =	vld.idx.msk [tilespmem:v62+s19+$0x0], $0xffff  }
0x202: {  	v49 =	vadd.s32 v58, v19;
	v28 =	vld.idx.msk [tilespmem:v63+s19+$0x0], $0xffff  }
0x203: {  	v2 =	vadd.f32 v24, v20;
	v24 =	vadd.s32 v58, v31;
	v7 =	vld.idx.msk [tilespmem:v7+s19+$0x0], $0xffff;
	v0 =	vmul.f32 v0, v36  }
0x204: {  	v6 =	vadd.s32 v58, v33;
	v3 =	vmul.f32 v3, v17;
	v1 =	vmul.f32 v1, v35  }
0x205: {  	v27 =	vadd.s32 v58, v30;
	v29 =	vadd.s32 v57, v22;
	v0 =	vadd.f32 v0, v39  }
0x206: {  	v3 =	vadd.f32 v3, v18;
	[tilespmem:s31+$0xFFFFFF50] =	vst v2;
	v23 =	vmul.f32 v23, v25;
	v1 =	vadd.f32 v1, v40  }
0x207: {  	v5 =	vld.idx.msk [tilespmem:v49+s19+$0x0], $0xffff;
	v51 =	vmul.f32 v28, v34;
	v28 =	vadd.s32 v58, v32;
	[tilespmem:s0+$0xFFFFFFC0] =	vst v0  }
0x208: {  	v7 =	vmul.f32 v7, v50;
	v0 =	vadd.f32 v23, v37;
	[tilespmem:s0+$0xFFFFFF40] =	vst v1;
	v1 =	vld.idx.msk [tilespmem:v24+s19+$0x0], $0xffff  }
0x209: {  	[tilespmem:s31+$0xFFFFFFD0] =	vst v3;
	v4 =	vadd.f32 v51, v26;
	v6 =	vld.idx.msk [tilespmem:v6+s19+$0x0], $0xffff  }
0x20a: {  	v2 =	vadd.f32 v7, v14;
	v7 =	vld.idx.msk [tilespmem:v29+s19+$0x0], $0xffff;
	[tilespmem:s0+$0xC0] =	vst v0  }
0x20b: {  	[tilespmem:s0+$0x40] =	vst v4;
	v53 =	vld.idx.msk [tilespmem:v27+s19+$0x0], $0xffff  }
0x20c: {  	v5 =	vmul.f32 v5, v15;
	v54 =	vld.idx.msk [tilespmem:v28+s19+$0x0], $0xffff  }
0x20d: {  	v1 =	vmul.f32 v1, v36  }
0x20e: {  	v3 =	vadd.f32 v5, v16;
	[tilespmem:s31+$0x50] =	vst v2;
	v2 =	vmul.f32 v6, v35  }
0x20f: {  	v7 =	vmul.f32 v7, v17;
	v1 =	vadd.f32 v1, v39  }
0x210: {  	v23 =	vadd.s32 v57, v42;
	[tilespmem:s31+$0xD0] =	vst v3;
	v4 =	vmul.f32 v53, v25;
	v2 =	vadd.f32 v2, v40  }
0x211: {  	v47 =	vld [tilespmem:$0x1FFD0];
	v5 =	vmul.f32 v54, v34;
	v56 =	vadd.f32 v7, v18;
	[tilespmem:s0+$0xFFFFFFD0] =	vst v1  }
0x212: {  	v1 =	vadd.f32 v4, v37;
	[tilespmem:s0+$0xFFFFFF50] =	vst v2  }
0x213: {  	v2 =	vadd.f32 v5, v26;
	[tilespmem:s31+$0xFFFFFFE0] =	vst v56  }
0x214: {  	[tilespmem:s0+$0xD0] =	vst v1  }
0x215: {  	v24 =	vadd.s32 v57, v21;
	v23 =	vld.idx.msk [tilespmem:v23+s19+$0x0], $0xffff;
	[tilespmem:s0+$0x50] =	vst v2  }
0x216: {  	v10 =	vmov v12;
	v0 =	vadd.s32 v57, v19;
	v12 =	vld [tilespmem:$0x1FF20]  }
0x217: {  	v3 =	vadd.s32 v57, v31  }
0x218: {  	v6 =	vadd.s32 v57, v33;
	_ =	sdelay $0x1  }
0x219: {  	v24 =	vld.idx.msk [tilespmem:v24+s19+$0x0], $0xffff;
	v55 =	vmul.f32 v23, v38  }
0x21a: {  	v28 =	vadd.s32 v57, v30;
	v0 =	vld.idx.msk [tilespmem:v0+s19+$0x0], $0xffff  }
0x21b: {  	v3 =	vld.idx.msk [tilespmem:v3+s19+$0x0], $0xffff;
	v1 =	vadd.f32 v55, v20  }
0x21c: {  	v29 =	vadd.s32 v57, v32;
	v6 =	vld.idx.msk [tilespmem:v6+s19+$0x0], $0xffff  }
0x21d: {  	v22 =	vadd.s32 v47, v22;
	v59 =	vadd.s32 v47, v19;
	[tilespmem:s31+$0xFFFFFF60] =	vst v1;
	v19 =	vld.idx.msk [tilespmem:v12+s19+$0x0], $0xffff  }
0x21e: {  	v12 =	vld [tilespmem:$0x1FF10]  }
0x21f: {  	v0 =	vmul.f32 v0, v15;
	v2 =	vld.idx.msk [tilespmem:v28+s19+$0x0], $0xffff;
	_ =	sdelay $0x1  }
0x220: {  	v62 =	vmul.f32 v24, v50;
	v7 =	vld.idx.msk [tilespmem:v29+s19+$0x0], $0xffff;
	v0 =	vadd.f32 v0, v16  }
0x221: {  	v1 =	vld.idx.msk [tilespmem:v22+s19+$0x0], $0xffff;
	v22 =	vadd.s32 v47, v31;
	v3 =	vmul.f32 v3, v36  }
0x222: {  	v21 =	vadd.s32 v47, v21;
	v5 =	vadd.f32 v62, v14;
	[tilespmem:s31+$0xE0] =	vst v0;
	v0 =	vmul.f32 v6, v35  }
0x223: {  	v27 =	vld.idx.msk [tilespmem:v43+s19+$0x0], $0xffff;
	v63 =	vadd.s32 v47, v30;
	v3 =	vadd.f32 v3, v39;
	v2 =	vmul.f32 v2, v25  }
0x224: {  	v23 =	vadd.s32 v47, v33;
	[tilespmem:s31+$0x60] =	vst v5;
	v4 =	vld.idx.msk [tilespmem:v59+s19+$0x0], $0xffff;
	v0 =	vadd.f32 v0, v40  }
0x225: {  	v2 =	vadd.f32 v2, v37;
	[tilespmem:s0+$0xFFFFFFE0] =	vst v3;
	v24 =	vld.idx.msk [tilespmem:v12+s19+$0x0], $0xffff  }
0x226: {  	v7 =	vmul.f32 v7, v34;
	v6 =	vadd.s32 v47, v32;
	[tilespmem:s0+$0xFFFFFF60] =	vst v0;
	v0 =	vld.idx.msk [tilespmem:v22+s19+$0x0], $0xffff  }
0x227: {  	v1 =	vmul.f32 v1, v17;
	v21 =	vld.idx.msk [tilespmem:v21+s19+$0x0], $0xffff;
	[tilespmem:s0+$0xE0] =	vst v2  }
0x228: {  	v7 =	vadd.f32 v7, v26;
	v5 =	vld.idx.msk [tilespmem:v63+s19+$0x0], $0xffff;
	v3 =	vmul.f32 v19, v9  }
0x229: {  	v1 =	vadd.f32 v1, v18;
	v9 =	vld.idx.msk [tilespmem:v23+s19+$0x0], $0xffff;
	v4 =	vmul.f32 v4, v15  }
0x22a: {  	[tilespmem:s0+$0x60] =	vst v7;
	v2 =	vadd.f32 v3, v11;
	v3 =	vmul.f32 v24, v38  }
0x22b: {  	[tilespmem:s31+$0xFFFFFFF0] =	vst v1;
	v6 =	vld.idx.msk [tilespmem:v6+s19+$0x0], $0xffff;
	v1 =	vadd.f32 v4, v16;
	v0 =	vmul.f32 v0, v36  }
0x22c: {  	[tilespmem:s30+$0x70] =	vst v2;
	v2 =	vadd.f32 v3, v20;
	v3 =	vmul.f32 v21, v50  }
0x22d: {  	v8 =	vmul.f32 v27, v8;
	[tilespmem:s31+$0xF0] =	vst v1;
	v0 =	vadd.f32 v0, v39  }
0x22e: {  	v1 =	vmul.f32 v5, v25;
	[tilespmem:s31+$0xFFFFFF70] =	vst v2;
	v2 =	vadd.f32 v3, v14;
	v3 =	vmul.f32 v9, v35  }
0x22f: {  	v8 =	vadd.f32 v8, v10;
	[tilespmem:s0+$0xFFFFFFF0] =	vst v0  }
0x230: {  	v0 =	vadd.f32 v1, v37;
	[tilespmem:s31+$0x70] =	vst v2;
	v2 =	vadd.f32 v3, v40;
	v3 =	vmul.f32 v6, v34  }
0x231: {  	[tilespmem:s30+$0xF0] =	vst v8  }
0x232: {  	[tilespmem:s0+$0xF0] =	vst v0;
	v1 =	vadd.f32 v3, v26  }
0x233: {  	[tilespmem:s0+$0xFFFFFF70] =	vst v2  }
0x234: {  	[tilespmem:s0+$0x70] =	vst v1  }
0x235: {  	[hbm4b:s10+s21] =	stream.strided.scatter [tilespmem:s25], [sflag:$0x4], $0x2000, s22, s21, $0x38;
	[tilespmem:$0xC180] =	vst v63  }
0x236: {  	s2 =	simm.s32 $0x0  }
0x237: {  	[tilespmem:s19], [sflag:$0x2] =	stream.linear.gather [hbm4b:s11+s2], $0x4000, $0x38;
	[tilespmem:$0xC180] =	vst v63  }
0x238: {  	s1 =	simm.s32 $0x3;
	s3 =	simm.s32 $0x1;
	_ =	swait.ge [sflag:s20], $0x4000  }
0x239: {  	v0 =	vmov s1;
	v1 =	vmov s3;
	[sflag:s20] =	ssyncset.done $0x0  }
0x23a: {  	v1 =	vand.u32 $0xFFFFFFFD, v1;
	[sflag:s20] =	ssyncadd.s32 $0xFFFFC000  }
0x23b: {  	v1 =	vbroadcast v1, $0x0;
	_ =	swait.ge [sflag:s26], $0x2000  }
0x23c: {  	[sflag:s26] =	ssyncset.done $0x0  }
0x23d: {  	v29 =	vld [tilespmem:$0x1FFE0];
	[sflag:s26] =	ssyncadd.s32 $0xFFFFE000  }
0x23e: {  	s4 =	simm.s32 $0x2;
	v2 =	vmov s2;
	v37 =	vld.idx.msk [tilespmem:v0+s15+$0x0], $0xffff  }
0x23f: {  	v3 =	vmov s4;
	v2 =	vand.u32 $0xFFFFFFFC, v2  }
0x240: {  	v3 =	vand.u32 $0xFFFFFFFE, v3;
	v2 =	vbroadcast v2, $0x0  }
0x241: {  	v3 =	vbroadcast v3, $0x0;
	v39 =	vld.idx.msk [tilespmem:v1+s15+$0x0], $0xffff;
	_ =	sdelay $0x1  }
0x242: {  	v33 =	vadd.s32 v29, v37  }
0x243: {  	v53 =	vld [tilespmem:$0x1FFF0]  }
0x244: {  	v8 =	vld.idx.msk [tilespmem:v0+s17+$0x0], $0xffff  }
0x245: {  	v40 =	vld.idx.msk [tilespmem:v2+s15+$0x0], $0xffff;
	v34 =	vadd.s32 v29, v39  }
0x246: {  	v44 =	vld.idx.msk [tilespmem:v3+s15+$0x0], $0xffff  }
0x247: {  	v4 =	vld.idx.msk [tilespmem:v33+s5+$0x0], $0xffff  }
0x248: {  	v63 =	vld.idx.msk [tilespmem:v0+s18+$0x0], $0xffff  }
0x249: {  	v24 =	vld.idx.msk [tilespmem:v1+s17+$0x0], $0xffff  }
0x24a: {  	v5 =	vld.idx.msk [tilespmem:v34+s5+$0x0], $0xffff  }
0x24b: {  	v23 =	vld.idx.msk [tilespmem:v2+s17+$0x0], $0xffff;
	v0 =	vadd.s32 v29, v40  }
0x24c: {  	v28 =	vld.idx.msk [tilespmem:v1+s18+$0x0], $0xffff;
	v6 =	vadd.s32 v53, v37;
	v4 =	vmul.f32 v4, v8  }
0x24d: {  	v9 =	vld.idx.msk [tilespmem:v3+s17+$0x0], $0xffff  }
0x24e: {  	v27 =	vld.idx.msk [tilespmem:v2+s18+$0x0], $0xffff;
	v4 =	vadd.f32 v4, v63  }
0x24f: {  	s30 =	simm.s32 $0x8100;
	v11 =	vld.idx.msk [tilespmem:v3+s18+$0x0], $0xffff;
	v2 =	vadd.s32 v53, v39;
	v5 =	vmul.f32 v5, v24  }
0x250: {  	v7 =	vadd.s32 v29, v44;
	v0 =	vld.idx.msk [tilespmem:v0+s5+$0x0], $0xffff;
	[tilespmem:s30+$0x80] =	vst v4  }
0x251: {  	v3 =	vadd.f32 v5, v28;
	v1 =	vld.idx.msk [tilespmem:v6+s5+$0x0], $0xffff  }
0x252: {  	s2 =	simm.s32 $0x7  }
0x253: {  	v14 =	vmov s2;
	[tilespmem:s30+$0xFFFFFF80] =	vst v3  }
0x254: {  	s4 =	simm.s32 $0x4;
	v2 =	vld.idx.msk [tilespmem:v2+s5+$0x0], $0xffff  }
0x255: {  	v38 =	vmov s4;
	v35 =	vld.idx.msk [tilespmem:v7+s5+$0x0], $0xffff;
	v7 =	vadd.s32 v53, v40;
	v0 =	vmul.f32 v0, v23  }
0x256: {  	v36 =	vadd.s32 v52, v37;
	v5 =	vand.u32 $0xFFFFFFFC, v38;
	v1 =	vmul.f32 v1, v8  }
0x257: {  	s3 =	simm.s32 $0x6;
	v0 =	vadd.f32 v0, v27;
	v5 =	vbroadcast v5, $0x0  }
0x258: {  	v12 =	vmov s3;
	v19 =	vld.idx.msk [tilespmem:v14+s15+$0x0], $0xffff;
	v1 =	vadd.f32 v1, v63  }
0x259: {  	v12 =	vand.u32 $0xFFFFFFFE, v12;
	v13 =	vld.idx.msk [tilespmem:v14+s18+$0x0], $0xffff;
	v42 =	vadd.s32 v52, v39;
	[tilespmem:s30+$0xFFFFFF00] =	vst v0;
	v2 =	vmul.f32 v2, v24  }
0x25a: {  	s1 =	simm.s32 $0x5;
	v4 =	vmul.f32 v35, v9;
	v0 =	vbroadcast v12, $0x0;
	v6 =	vadd.s32 v53, v44;
	v7 =	vld.idx.msk [tilespmem:v7+s5+$0x0], $0xffff;
	[tilespmem:s30+$0x90] =	vst v1  }
0x25b: {  	v3 =	vmov s1;
	v2 =	vadd.f32 v2, v28;
	v1 =	vld.idx.msk [tilespmem:v36+s5+$0x0], $0xffff  }
0x25c: {  	v12 =	vld.idx.msk [tilespmem:v14+s17+$0x0], $0xffff;
	v3 =	vand.u32 $0xFFFFFFFD, v3;
	v4 =	vadd.f32 v4, v11  }
0x25d: {  	v3 =	vbroadcast v3, $0x0;
	v10 =	vld.idx.msk [tilespmem:v5+s15+$0x0], $0xffff;
	[tilespmem:s30+$0xFFFFFF90] =	vst v2  }
0x25e: {  	[tilespmem:s30+$0x0] =	vst v4;
	v2 =	vld.idx.msk [tilespmem:v42+s5+$0x0], $0xffff  }
0x25f: {  	v16 =	vadd.s32 v52, v40;
	v6 =	vld.idx.msk [tilespmem:v6+s5+$0x0], $0xffff;
	v7 =	vmul.f32 v7, v23  }
0x260: {  	v21 =	vld.idx.msk [tilespmem:v0+s15+$0x0], $0xffff;
	v1 =	vmul.f32 v1, v8  }
0x261: {  	v45 =	vld.idx.msk [tilespmem:v0+s18+$0x0], $0xffff;
	v43 =	vadd.f32 v7, v27  }
0x262: {  	v15 =	vadd.s32 v60, v37;
	v49 =	vld.idx.msk [tilespmem:v0+s17+$0x0], $0xffff;
	v1 =	vadd.f32 v1, v63  }
0x263: {  	v18 =	vadd.s32 v60, v39;
	v22 =	vld.idx.msk [tilespmem:v3+s15+$0x0], $0xffff;
	[tilespmem:s30+$0xFFFFFF10] =	vst v43;
	v2 =	vmul.f32 v2, v24  }
0x264: {  	v7 =	vld.idx.msk [tilespmem:v16+s5+$0x0], $0xffff;
	v6 =	vmul.f32 v6, v9;
	[tilespmem:s30+$0xA0] =	vst v1;
	v1 =	vadd.s32 v29, v19  }
0x265: {  	v20 =	vadd.s32 v52, v44;
	v17 =	vld.idx.msk [tilespmem:v3+s17+$0x0], $0xffff;
	v0 =	vadd.f32 v2, v28  }
0x266: {  	v16 =	vld.idx.msk [tilespmem:v5+s17+$0x0], $0xffff;
	v2 =	vadd.f32 v6, v11  }
0x267: {  	[tilespmem:s30+$0xFFFFFFA0] =	vst v0;
	v46 =	vld.idx.msk [tilespmem:v15+s5+$0x0], $0xffff  }
0x268: {  	v6 =	vadd.s32 v29, v10;
	[tilespmem:s30+$0x10] =	vst v2;
	v2 =	vld.idx.msk [tilespmem:v18+s5+$0x0], $0xffff  }
0x269: {  	v26 =	vadd.s32 v60, v40;
	v7 =	vmul.f32 v7, v23;
	v1 =	vld.idx.msk [tilespmem:v1+s5+$0x0], $0xffff  }
0x26a: {  	v0 =	vadd.s32 v29, v21;
	v25 =	vld.idx.msk [tilespmem:v20+s5+$0x0], $0xffff  }
0x26b: {  	v30 =	vadd.s32 v29, v22;
	v18 =	vld.idx.msk [tilespmem:v3+s18+$0x0], $0xffff;
	v3 =	vadd.f32 v7, v27  }
0x26c: {  	v20 =	vld.idx.msk [tilespmem:v5+s18+$0x0], $0xffff  }
0x26d: {  	v6 =	vld.idx.msk [tilespmem:v6+s5+$0x0], $0xffff;
	[tilespmem:s30+$0xFFFFFF20] =	vst v3  }
0x26e: {  	v48 =	vadd.s32 v53, v19;
	v3 =	vld.idx.msk [tilespmem:v26+s5+$0x0], $0xffff;
	v1 =	vmul.f32 v1, v12  }
0x26f: {  	v31 =	vadd.s32 v61, v39;
	v0 =	vld.idx.msk [tilespmem:v0+s5+$0x0], $0xffff;
	v4 =	vmul.f32 v46, v8  }
0x270: {  	v14 =	vadd.s32 v47, v40;
	v7 =	vmul.f32 v25, v9;
	v25 =	vld.idx.msk [tilespmem:v30+s5+$0x0], $0xffff;
	v1 =	vadd.f32 v1, v13  }
0x271: {  	s31 =	simm.s32 $0x8300;
	v50 =	vadd.s32 v53, v21;
	v30 =	vadd.s32 v61, v37;
	v4 =	vadd.f32 v4, v63  }
0x272: {  	v54 =	vadd.s32 v53, v22;
	v26 =	vadd.s32 v60, v44;
	v51 =	vmul.f32 v6, v16;
	[tilespmem:s31+$0x80] =	vst v1  }
0x273: {  	v7 =	vadd.f32 v7, v11;
	[tilespmem:s30+$0xB0] =	vst v4;
	v1 =	vmul.f32 v2, v24;
	v5 =	vld.idx.msk [tilespmem:v48+s5+$0x0], $0xffff  }
0x274: {  	v3 =	vmul.f32 v3, v23;
	v4 =	vadd.f32 v51, v20;
	v2 =	vadd.s32 v61, v40;
	[tilespmem:$0x1FEE0] =	vst v49  }
0x275: {  	v0 =	vmul.f32 v0, v49;
	v1 =	vadd.f32 v1, v28;
	[tilespmem:s30+$0x20] =	vst v7;
	v7 =	vmul.f32 v25, v17  }
0x276: {  	v6 =	vadd.s32 v53, v10;
	v3 =	vadd.f32 v3, v27;
	[tilespmem:s31+$0xFFFFFF00] =	vst v4;
	v4 =	vld.idx.msk [tilespmem:v30+s5+$0x0], $0xffff  }
0x277: {  	s1 =	simm.s32 $0x9;
	v0 =	vadd.f32 v0, v45;
	[tilespmem:s30+$0xFFFFFFB0] =	vst v1;
	v1 =	vld.idx.msk [tilespmem:v26+s5+$0x0], $0xffff;
	v7 =	vadd.f32 v7, v18  }
0x278: {  	s3 =	simm.s32 $0xB;
	s2 =	simm.s32 $0xA;
	v25 =	vadd.s32 v52, v19;
	v30 =	vmov s1;
	[tilespmem:s30+$0xFFFFFF30] =	vst v3;
	v26 =	vld.idx.msk [tilespmem:v31+s5+$0x0], $0xffff;
	v5 =	vmul.f32 v5, v12  }
0x279: {  	v15 =	vmovc v45;
	v45 =	vmov s3;
	v30 =	vand.u32 $0xFFFFFFFD, v30;
	v31 =	vmov s2;
	v2 =	vld.idx.msk [tilespmem:v2+s5+$0x0], $0xffff;
	[tilespmem:s31+$0xFFFFFF80] =	vst v7  }
0x27a: {  	[tilespmem:s31+$0x0] =	vst v0;
	v3 =	vbroadcast v30, $0x0;
	v30 =	vand.u32 $0xFFFFFFFE, v31;
	v7 =	vld.idx.msk [tilespmem:v54+s5+$0x0], $0xffff;
	v5 =	vadd.f32 v5, v13  }
0x27b: {  	v6 =	vld.idx.msk [tilespmem:v6+s5+$0x0], $0xffff;
	v0 =	vbroadcast v30, $0x0;
	[tilespmem:$0x1FEB0] =	vst v14  }
0x27c: {  	v34 =	vadd.s32 v58, v40;
	v33 =	vld.idx.msk [tilespmem:v50+s5+$0x0], $0xffff;
	[tilespmem:s31+$0x90] =	vst v5  }
0x27d: {  	s4 =	simm.s32 $0x8;
	v35 =	vadd.s32 v61, v44;
	v59 =	vadd.s32 v52, v22;
	v1 =	vmul.f32 v1, v9;
	v55 =	vld.idx.msk [tilespmem:v25+s5+$0x0], $0xffff  }
0x27e: {  	v30 =	vld.idx.msk [tilespmem:v45+s15+$0x0], $0xffff;
	v5 =	vadd.s32 v58, v39;
	v2 =	vmul.f32 v2, v23;
	v25 =	vmov s4  }
0x27f: {  	v1 =	vadd.f32 v1, v11;
	v31 =	vand.u32 $0xFFFFFFFC, v25;
	v25 =	vld.idx.msk [tilespmem:v45+s17+$0x0], $0xffff;
	v7 =	vmul.f32 v7, v17  }
0x280: {  	v54 =	vmul.f32 v26, v24;
	v2 =	vadd.f32 v2, v27;
	v48 =	vbroadcast v31, $0x0;
	v31 =	vld.idx.msk [tilespmem:v3+s15+$0x0], $0xffff  }
0x281: {  	v32 =	vld.idx.msk [tilespmem:v0+s15+$0x0], $0xffff;
	v33 =	vmul.f32 v33, v49;
	[tilespmem:s30+$0x30] =	vst v1;
	v1 =	vadd.f32 v7, v18  }
0x282: {  	v26 =	vld.idx.msk [tilespmem:v0+s18+$0x0], $0xffff;
	v7 =	vadd.f32 v54, v28;
	[tilespmem:s30+$0xFFFFFF40] =	vst v2;
	v36 =	vmul.f32 v55, v12  }
0x283: {  	v56 =	vadd.s32 v60, v19;
	v2 =	vld.idx.msk [tilespmem:v35+s5+$0x0], $0xffff;
	v33 =	vadd.f32 v33, v15;
	[tilespmem:s31+$0xFFFFFF90] =	vst v1  }
0x284: {  	v6 =	vmul.f32 v6, v16;
	v1 =	vld.idx.msk [tilespmem:v34+s5+$0x0], $0xffff;
	[tilespmem:s30+$0xFFFFFFC0] =	vst v7;
	v7 =	vadd.f32 v36, v13  }
0x285: {  	v62 =	vadd.s32 v52, v10;
	v4 =	vmul.f32 v4, v8;
	v55 =	vld.idx.msk [tilespmem:v59+s5+$0x0], $0xffff;
	[tilespmem:s31+$0x10] =	vst v33  }
0x286: {  	v6 =	vadd.f32 v6, v20;
	v5 =	vld.idx.msk [tilespmem:v5+s5+$0x0], $0xffff;
	[tilespmem:s31+$0xA0] =	vst v7;
	v7 =	vadd.s32 v47, v10  }
0x287: {  	v4 =	vadd.f32 v4, v63;
	v33 =	vld.idx.msk [tilespmem:v48+s15+$0x0], $0xffff;
	[tilespmem:$0x1FEC0] =	vst v7  }
0x288: {  	v50 =	vadd.s32 v29, v30;
	[tilespmem:s31+$0xFFFFFF10] =	vst v6;
	v6 =	vld.idx.msk [tilespmem:v56+s5+$0x0], $0xffff  }
0x289: {  	[tilespmem:s30+$0xC0] =	vst v4;
	v35 =	vld.idx.msk [tilespmem:v48+s17+$0x0], $0xffff;
	v56 =	vadd.s32 v47, v44  }
0x28a: {  	v7 =	vld.idx.msk [tilespmem:v62+s5+$0x0], $0xffff;
	[tilespmem:$0x1FED0] =	vst v56  }
0x28b: {  	v42 =	vmov v10;
	v10 =	vadd.s32 v57, v37;
	v36 =	vld.idx.msk [tilespmem:v3+s17+$0x0], $0xffff  }
0x28c: {  	v2 =	vmul.f32 v2, v9;
	v34 =	vld.idx.msk [tilespmem:v0+s17+$0x0], $0xffff;
	[tilespmem:$0x1FEF0] =	vst v10  }
0x28d: {  	v43 =	vadd.s32 v47, v37;
	v1 =	vmul.f32 v1, v23;
	v50 =	vld.idx.msk [tilespmem:v50+s5+$0x0], $0xffff  }
0x28e: {  	v49 =	vadd.s32 v52, v21;
	v2 =	vadd.f32 v2, v11;
	v59 =	vmul.f32 v55, v17  }
0x28f: {  	v4 =	vadd.s32 v58, v37;
	v5 =	vmul.f32 v5, v24;
	v1 =	vadd.f32 v1, v27;
	v37 =	vld.idx.msk [tilespmem:v45+s18+$0x0], $0xffff  }
0x290: {  	v46 =	vadd.s32 v58, v44;
	v51 =	vadd.f32 v59, v18;
	[tilespmem:s30+$0x40] =	vst v2;
	v6 =	vmul.f32 v6, v12  }
0x291: {  	v5 =	vadd.f32 v5, v28;
	[tilespmem:s30+$0xFFFFFF50] =	vst v1;
	v7 =	vmul.f32 v7, v16  }
0x292: {  	v41 =	vmov v52;
	[tilespmem:s31+$0xFFFFFFA0] =	vst v51;
	v6 =	vadd.f32 v6, v13;
	v52 =	vmul.f32 v50, v25  }
0x293: {  	[tilespmem:s30+$0xFFFFFFD0] =	vst v5;
	v7 =	vadd.f32 v7, v20  }
0x294: {  	v49 =	vld.idx.msk [tilespmem:v49+s5+$0x0], $0xffff;
	[tilespmem:s31+$0xB0] =	vst v6;
	v5 =	vadd.f32 v52, v37  }
0x295: {  	s0 =	simm.s32 $0x8500;
	v54 =	vld.idx.msk [tilespmem:v46+s5+$0x0], $0xffff;
	[tilespmem:s31+$0xFFFFFF20] =	vst v7  }
0x296: {  	v4 =	vld.idx.msk [tilespmem:v4+s5+$0x0], $0xffff;
	[tilespmem:s0+$0x80] =	vst v5  }
0x297: {  	v1 =	vld [tilespmem:$0x1FEE0];
	_ =	sdelay $0x1  }
0x298: {  	v55 =	vadd.s32 v29, v32;
	v56 =	vadd.s32 v57, v40;
	v2 =	vadd.s32 v29, v31  }
0x299: {  	v0 =	vadd.s32 v60, v22;
	v62 =	vadd.s32 v29, v33;
	v6 =	vmul.f32 v54, v9  }
0x29a: {  	v29 =	vadd.s32 v57, v44;
	v57 =	vadd.s32 v57, v39;
	v4 =	vmul.f32 v4, v8  }
0x29b: {  	v47 =	vadd.s32 v47, v39;
	v39 =	vld.idx.msk [tilespmem:v3+s18+$0x0], $0xffff;
	v6 =	vadd.f32 v6, v11;
	v5 =	vmul.f32 v49, v1  }
0x29c: {  	v14 =	vmov v15;
	v40 =	vld.idx.msk [tilespmem:v48+s18+$0x0], $0xffff;
	v4 =	vadd.f32 v4, v63  }
0x29d: {  	[tilespmem:s30+$0x50] =	vst v6;
	v10 =	vmov v1;
	v1 =	vld.idx.msk [tilespmem:v2+s5+$0x0], $0xffff;
	v2 =	vadd.f32 v5, v14  }
0x29e: {  	v44 =	vadd.s32 v58, v22;
	v0 =	vld.idx.msk [tilespmem:v0+s5+$0x0], $0xffff;
	[tilespmem:s30+$0xD0] =	vst v4  }
0x29f: {  	v45 =	vadd.s32 v58, v42;
	v58 =	vadd.s32 v60, v42;
	v57 =	vld.idx.msk [tilespmem:v57+s5+$0x0], $0xffff;
	[tilespmem:s31+$0x20] =	vst v2  }
0x2a0: {  	v2 =	vld [tilespmem:$0x1FEF0]  }
0x2a1: {  	v62 =	vld.idx.msk [tilespmem:v62+s5+$0x0], $0xffff;
	v7 =	vadd.s32 v53, v30  }
0x2a2: {  	v38 =	vmov v16;
	v48 =	vadd.s32 v60, v30;
	v3 =	vadd.s32 v60, v21;
	v59 =	vld.idx.msk [tilespmem:v55+s5+$0x0], $0xffff  }
0x2a3: {  	v15 =	vmovc v12;
	v46 =	vadd.s32 v61, v21;
	v51 =	vadd.s32 v61, v42;
	v12 =	vmov v63;
	v63 =	vld.idx.msk [tilespmem:v56+s5+$0x0], $0xffff  }
0x2a4: {  	v50 =	vadd.s32 v61, v19;
	v61 =	vadd.s32 v61, v22;
	v58 =	vld.idx.msk [tilespmem:v58+s5+$0x0], $0xffff;
	v0 =	vmul.f32 v0, v17  }
0x2a5: {  	v54 =	vadd.s32 v41, v30;
	v52 =	vadd.s32 v53, v32;
	v6 =	vmul.f32 v57, v24;
	v56 =	vld.idx.msk [tilespmem:v29+s5+$0x0], $0xffff  }
0x2a6: {  	v0 =	vadd.f32 v0, v18;
	v4 =	vmul.f32 v62, v35;
	v62 =	vadd.s32 v53, v33;
	v60 =	vld.idx.msk [tilespmem:v7+s5+$0x0], $0xffff  }
0x2a7: {  	v49 =	vadd.s32 v41, v31;
	v41 =	vmul.f32 v59, v34;
	v59 =	vadd.s32 v53, v31;
	v53 =	vld.idx.msk [tilespmem:v3+s5+$0x0], $0xffff  }
0x2a8: {  	v16 =	vmov v13;
	v63 =	vmul.f32 v63, v23;
	[tilespmem:s31+$0xFFFFFFB0] =	vst v0;
	v55 =	vld.idx.msk [tilespmem:v2+s5+$0x0], $0xffff;
	v2 =	vadd.f32 v4, v40  }
0x2a9: {  	s4 =	simm.s32 $0xC;
	v0 =	vmul.f32 v1, v36;
	v1 =	vadd.f32 v41, v26;
	v57 =	vld.idx.msk [tilespmem:v61+s5+$0x0], $0xffff;
	v61 =	vadd.f32 v6, v28  }
.LBB2_6:
0x2aa: {  	v4 =	vld.idx.msk [tilespmem:v50+s5+$0x0], $0xffff;
	[tilespmem:s0+$0xFFFFFF00] =	vst v2;
	v2 =	vmul.f32 v58, v38  }
0x2ab: {  	v3 =	vmov s4;
	s1 =	sadd.s32 $0x1, s4;
	v13 =	vld [tilespmem:$0x1FEB0];
	v5 =	vadd.f32 v63, v27;
	[tilespmem:s0+$0x0] =	vst v1  }
0x2ac: {  	s2 =	sadd.s32 $0x2, s4;
	v6 =	vmov s1;
	[tilespmem:s30+$0xFFFFFFE0] =	vst v61;
	v7 =	vld.idx.msk [tilespmem:v62+s5+$0x0], $0xffff;
	v1 =	vmul.f32 v60, v25;
	v2 =	vadd.f32 v2, v20  }
0x2ad: {  	v41 =	vmov s2;
	v0 =	vadd.f32 v0, v39;
	v6 =	vand.u32 $0xFFFFFFFD, v6;
	[tilespmem:s30+$0xFFFFFF60] =	vst v5;
	v60 =	vld.idx.msk [tilespmem:v52+s5+$0x0], $0xffff  }
0x2ae: {  	v50 =	vbroadcast v6, $0x0;
	v6 =	vmul.f32 v55, v8;
	v1 =	vadd.f32 v1, v37;
	[tilespmem:s31+$0xFFFFFF30] =	vst v2;
	v2 =	vld.idx.msk [tilespmem:v47+s5+$0x0], $0xffff  }
0x2af: {  	v29 =	vmovc v38;
	v3 =	vand.u32 $0xFFFFFFFC, v3;
	v38 =	vand.u32 $0xFFFFFFFE, v41;
	v41 =	vmul.f32 v56, v9;
	[tilespmem:s0+$0xFFFFFF80] =	vst v0;
	v0 =	vld.idx.msk [tilespmem:v51+s5+$0x0], $0xffff  }
0x2b0: {  	s3 =	sadd.s32 $0x3, s4;
	v6 =	vadd.f32 v6, v12;
	[tilespmem:s0+$0x90] =	vst v1;
	v51 =	vbroadcast v3, $0x0;
	v3 =	vld.idx.msk [tilespmem:v59+s5+$0x0], $0xffff  }
0x2b1: {  	v52 =	vmov s3;
	v1 =	vadd.f32 v41, v11;
	v54 =	vld.idx.msk [tilespmem:v54+s5+$0x0], $0xffff  }
0x2b2: {  	[tilespmem:s30+$0xE0] =	vst v6;
	v6 =	vld [tilespmem:$0x1FEC0]  }
0x2b3: {  	[tilespmem:s30+$0x60] =	vst v1;
	v1 =	vld.idx.msk [tilespmem:v43+s5+$0x0], $0xffff  }
0x2b4: {  	v55 =	vmul.f32 v57, v17;
	v57 =	vld.idx.msk [tilespmem:v13+s5+$0x0], $0xffff  }
0x2b5: {  	v62 =	vld [tilespmem:$0x1FF80];
	v5 =	vbroadcast v38, $0x0;
	v38 =	vmul.f32 v53, v10  }
0x2b6: {  	v61 =	vmov v10;
	v41 =	vmul.f32 v60, v34;
	v60 =	vld.idx.msk [tilespmem:v52+s17+$0x0], $0xffff;
	v2 =	vmul.f32 v2, v24  }
0x2b7: {  	v10 =	vmovc v12;
	v12 =	vmov v6;
	v6 =	vadd.f32 v55, v18;
	v55 =	vld.idx.msk [tilespmem:v52+s15+$0x0], $0xffff;
	v3 =	vmul.f32 v3, v36  }
0x2b8: {  	[tilespmem:$0x1FEB0] =	vst v12;
	v12 =	vld [tilespmem:$0x1FED0];
	v2 =	vadd.f32 v2, v28;
	v1 =	vmul.f32 v1, v8  }
0x2b9: {  	[tilespmem:s31+$0xFFFFFFC0] =	vst v6;
	v6 =	vmul.f32 v57, v23;
	v23 =	vmov v29;
	v3 =	vadd.f32 v3, v39;
	v29 =	vld [tilespmem:$0x1FFD0]  }
0x2ba: {  	v0 =	vmul.f32 v0, v23;
	v57 =	vld.idx.msk [tilespmem:v50+s15+$0x0], $0xffff;
	[tilespmem:s30+$0xFFFFFFF0] =	vst v2;
	v1 =	vadd.f32 v1, v10  }
0x2bb: {  	v6 =	vadd.f32 v6, v27;
	v27 =	vmul.f32 v54, v25;
	v54 =	vld [tilespmem:$0x1FFE0];
	[tilespmem:s0+$0xFFFFFF90] =	vst v3  }
0x2bc: {  	v8 =	vmov v25;
	v25 =	vmov v60;
	v60 =	vld [tilespmem:$0x1FFB0];
	v0 =	vadd.f32 v0, v20;
	[tilespmem:s30+$0xF0] =	vst v1  }
0x2bd: {  	v1 =	vld.idx.msk [tilespmem:v44+s5+$0x0], $0xffff;
	[tilespmem:s30+$0xFFFFFF70] =	vst v6  }
0x2be: {  	v24 =	vmov v17;
	v17 =	vmov v36;
	v36 =	vld.idx.msk [tilespmem:v50+s17+$0x0], $0xffff;
	[tilespmem:s31+$0xFFFFFF40] =	vst v0  }
0x2bf: {  	v3 =	vld.idx.msk [tilespmem:v45+s5+$0x0], $0xffff  }
0x2c0: {  	v7 =	vmul.f32 v7, v35;
	v43 =	vadd.f32 v41, v26;
	v59 =	vadd.s32 v29, v21;
	v45 =	vld.idx.msk [tilespmem:v49+s5+$0x0], $0xffff  }
0x2c1: {  	v63 =	vmov v42;
	v38 =	vadd.f32 v38, v14;
	[tilespmem:$0x1FED0] =	vst v59;
	v42 =	vld.idx.msk [tilespmem:v12+s5+$0x0], $0xffff  }
0x2c2: {  	v7 =	vadd.f32 v7, v40;
	v49 =	vld.idx.msk [tilespmem:v51+s15+$0x0], $0xffff;
	[tilespmem:s0+$0x10] =	vst v43  }
0x2c3: {  	v59 =	vld [tilespmem:$0x1FF90];
	[tilespmem:s31+$0x30] =	vst v38  }
0x2c4: {  	v47 =	vadd.s32 v62, v33;
	[tilespmem:s0+$0xFFFFFF10] =	vst v7;
	v2 =	vld.idx.msk [tilespmem:v5+s18+$0x0], $0xffff  }
0x2c5: {  	v4 =	vmul.f32 v4, v15;
	v13 =	vmov v14;
	v14 =	vmov v35;
	v35 =	vld.idx.msk [tilespmem:v51+s17+$0x0], $0xffff  }
0x2c6: {  	v6 =	vadd.f32 v27, v37;
	v0 =	vld.idx.msk [tilespmem:v46+s5+$0x0], $0xffff;
	v27 =	vmul.f32 v42, v9  }
0x2c7: {  	v53 =	vadd.s32 v62, v32;
	v4 =	vadd.f32 v4, v16;
	v58 =	vld.idx.msk [tilespmem:v5+s15+$0x0], $0xffff  }
0x2c8: {  	[tilespmem:s0+$0xA0] =	vst v6;
	v46 =	vadd.s32 v54, v55;
	v9 =	vmov v61;
	v61 =	vld [tilespmem:$0x1FFC0];
	v6 =	vadd.f32 v27, v11  }
0x2c9: {  	v28 =	vmovc v18;
	v10 =	vadd.s32 v29, v33;
	v11 =	vmovc v13;
	v13 =	vmov v26;
	v26 =	vmov v2;
	v2 =	vld.idx.msk [tilespmem:v47+s5+$0x0], $0xffff  }
0x2ca: {  	v12 =	vmov v37;
	v7 =	vadd.s32 v60, v21;
	v37 =	vmul.f32 v45, v17;
	[tilespmem:s30+$0x70] =	vst v6;
	v6 =	vld.idx.msk [tilespmem:v48+s5+$0x0], $0xffff  }
0x2cb: {  	v18 =	vmovc v39;
	v44 =	vadd.s32 v60, v31;
	v42 =	vmov v34;
	v0 =	vmul.f32 v0, v9;
	s30 =	smov.u32 s31;
	v34 =	vld.idx.msk [tilespmem:v5+s17+$0x0], $0xffff  }
0x2cc: {  	v45 =	vadd.s32 v60, v33;
	v39 =	vadd.f32 v37, v18;
	[tilespmem:s30+$0xC0] =	vst v4;
	v4 =	vadd.s32 v60, v19;
	v60 =	vld [tilespmem:$0x1FFA0]  }
0x2cd: {  	[tilespmem:$0x1FEC0] =	vst v10;
	v1 =	vmul.f32 v1, v24;
	s31 =	smov.u32 s0;
	v0 =	vadd.f32 v0, v11;
	v48 =	vld.idx.msk [tilespmem:v46+s5+$0x0], $0xffff  }
0x2ce: {  	v41 =	vmov v15;
	v43 =	vadd.s32 v29, v19;
	[tilespmem:s31+$0xFFFFFFA0] =	vst v39;
	v37 =	vld.idx.msk [tilespmem:v52+s18+$0x0], $0xffff  }
0x2cf: {  	v15 =	vmov v8;
	v1 =	vadd.f32 v1, v28;
	v5 =	vadd.s32 v59, v31;
	[tilespmem:s30+$0x40] =	vst v0;
	v39 =	vld.idx.msk [tilespmem:v50+s18+$0x0], $0xffff  }
0x2d0: {  	v3 =	vmul.f32 v3, v23;
	v27 =	vmovc v20;
	v20 =	vmov v40;
	v40 =	vadd.s32 v54, v49;
	v7 =	vld.idx.msk [tilespmem:v7+s5+$0x0], $0xffff  }
0x2d1: {  	v47 =	vadd.s32 v29, v22;
	v0 =	vadd.s32 v54, v57;
	v54 =	vadd.s32 v54, v58;
	v53 =	vld.idx.msk [tilespmem:v53+s5+$0x0], $0xffff  }
0x2d2: {  	v10 =	vmovc v16;
	v3 =	vadd.f32 v3, v27;
	v52 =	vadd.s32 v61, v22;
	v6 =	vmul.f32 v6, v8;
	v8 =	vld [tilespmem:$0x1FFF0]  }
0x2d3: {  	v16 =	vmovc v12;
	v56 =	vadd.s32 v61, v19;
	v19 =	vmov v30;
	v2 =	vmul.f32 v2, v14;
	v4 =	vld.idx.msk [tilespmem:v4+s5+$0x0], $0xffff  }
0x2d4: {  	v30 =	vmov v55;
	v29 =	vadd.s32 v61, v63;
	v55 =	vadd.s32 v59, v33;
	[tilespmem:s30+$0xFFFFFF50] =	vst v3;
	v5 =	vld.idx.msk [tilespmem:v5+s5+$0x0], $0xffff  }
0x2d5: {  	v3 =	vadd.s32 v61, v21;
	v21 =	vmov v32;
	v2 =	vadd.f32 v2, v20;
	[tilespmem:s30+$0xFFFFFFD0] =	vst v1;
	v1 =	vld.idx.msk [tilespmem:v40+s5+$0x0], $0xffff  }
0x2d6: {  	v22 =	vmovc v31;
	v31 =	vmov v57;
	v46 =	vadd.s32 v60, v21;
	v6 =	vadd.f32 v6, v12;
	v57 =	vld.idx.msk [tilespmem:v54+s5+$0x0], $0xffff  }
0x2d7: {  	v32 =	vmov v58;
	v50 =	vadd.s32 v60, v19;
	[tilespmem:s31+$0xFFFFFF20] =	vst v2;
	v63 =	vld.idx.msk [tilespmem:v52+s5+$0x0], $0xffff;
	v2 =	vmul.f32 v7, v9  }
0x2d8: {  	v61 =	vadd.s32 v60, v22;
	v12 =	vmov v10;
	v0 =	vld.idx.msk [tilespmem:v0+s5+$0x0], $0xffff;
	[tilespmem:s31+$0xB0] =	vst v6;
	v6 =	vmul.f32 v48, v25  }
0x2d9: {  	v40 =	vld.idx.msk [tilespmem:v51+s18+$0x0], $0xffff;
	v7 =	vadd.s32 v8, v30;
	v2 =	vadd.f32 v2, v11;
	v4 =	vmul.f32 v4, v41  }
0x2da: {  	v54 =	vadd.s32 v62, v30;
	v51 =	vadd.s32 v60, v33;
	v29 =	vld.idx.msk [tilespmem:v29+s5+$0x0], $0xffff;
	v6 =	vadd.f32 v6, v37  }
0x2db: {  	s0 =	sadd.s32 $0x200, s0;
	v48 =	vadd.s32 v59, v30;
	v5 =	vmul.f32 v5, v17;
	[tilespmem:s30+$0x50] =	vst v2;
	v4 =	vadd.f32 v4, v10  }
0x2dc: {  	v52 =	vadd.s32 v8, v32;
	v1 =	vmul.f32 v1, v35;
	[tilespmem:s0+$0x80] =	vst v6;
	v6 =	vmul.f32 v53, v42  }
0x2dd: {  	p0 =	slt.u32 s4, $0x3C;
	v58 =	vld.idx.msk [tilespmem:v55+s5+$0x0], $0xffff;
	v10 =	vmov v42;
	v53 =	vadd.s32 v59, v21;
	v5 =	vadd.f32 v5, v18;
	[tilespmem:s30+$0xD0] =	vst v4  }
.Ltmp2:
0x2de: {  	v42 =	vmovc v33;
	v33 =	vmov v49;
	v49 =	vadd.s32 v62, v31;
	v4 =	vadd.f32 v6, v13;
	v60 =	vld.idx.msk [tilespmem:v7+s5+$0x0], $0xffff;
	(pc) =	sbr.rel @p0 .LBB2_6-.Ltmp2, $4  }
0x2df: {  	v59 =	vadd.s32 v8, v31;
	v62 =	vadd.s32 v8, v33;
	[tilespmem:s31+$0xFFFFFFB0] =	vst v5;
	v55 =	vld.idx.msk [tilespmem:v56+s5+$0x0], $0xffff  }
0x2e0: {  	v8 =	vmov v41;
	v41 =	vmul.f32 v63, v24;
	v6 =	vmul.f32 v57, v34;
	v57 =	vld.idx.msk [tilespmem:v61+s5+$0x0], $0xffff;
	[tilespmem:s31+$0x20] =	vst v4  }
0x2e1: {  	v38 =	vmovc v14;
	v14 =	vmov v13;
	v0 =	vmul.f32 v0, v36;
	v2 =	vadd.f32 v1, v40;
	v56 =	vld.idx.msk [tilespmem:v3+s5+$0x0], $0xffff  }
0x2e2: {  	s4 =	sadd.s32 $0x4, s4;
	v63 =	vmul.f32 v29, v23;
	v61 =	vadd.f32 v41, v28;
	v1 =	vadd.f32 v6, v26;
	v53 =	vld.idx.msk [tilespmem:v53+s5+$0x0], $0xffff  }
0x2e3: {  	_ = 	snop  }
0x2e4: {  	v0 =	vadd.f32 v0, v39;
	_ =	sdelay $0x1  }
0x2e5: {  	[tilespmem:s0+$0xFFFFFF80] =	vst v0  }
0x2e6: {  	[tilespmem:s0+$0xFFFFFF00] =	vst v2;
	v0 =	vld.idx.msk [tilespmem:v59+s5+$0x0], $0xffff  }
0x2e7: {  	v2 =	vld.idx.msk [tilespmem:v62+s5+$0x0], $0xffff;
	[tilespmem:s0+$0x0] =	vst v1  }
0x2e8: {  	v6 =	vld [tilespmem:$0x1FF80]  }
0x2e9: {  	v4 =	vmul.f32 v60, v25;
	v1 =	vld.idx.msk [tilespmem:v52+s5+$0x0], $0xffff;
	_ =	sdelay $0x1  }
0x2ea: {  	v4 =	vadd.f32 v4, v37;
	v0 =	vmul.f32 v0, v36;
	_ =	sdelay $0x1  }
0x2eb: {  	[tilespmem:s0+$0x90] =	vst v4;
	v2 =	vmul.f32 v2, v35;
	v3 =	vadd.s32 v6, v33;
	v0 =	vadd.f32 v0, v39  }
0x2ec: {  	v4 =	vld.idx.msk [tilespmem:v54+s5+$0x0], $0xffff;
	v1 =	vmul.f32 v1, v34;
	v5 =	vadd.s32 v6, v32  }
0x2ed: {  	v2 =	vadd.f32 v2, v40;
	[tilespmem:s0+$0xFFFFFF90] =	vst v0  }
0x2ee: {  	v0 =	vadd.f32 v1, v26;
	v1 =	vld.idx.msk [tilespmem:v49+s5+$0x0], $0xffff  }
0x2ef: {  	[tilespmem:s0+$0xFFFFFF10] =	vst v2  }
0x2f0: {  	v2 =	vld.idx.msk [tilespmem:v3+s5+$0x0], $0xffff;
	[tilespmem:s0+$0x10] =	vst v0  }
0x2f1: {  	v4 =	vmul.f32 v4, v25;
	v0 =	vld.idx.msk [tilespmem:v5+s5+$0x0], $0xffff  }
0x2f2: {  	v55 =	vmul.f32 v55, v8;
	v60 =	vmov v6;
	v6 =	vadd.f32 v63, v27  }
0x2f3: {  	v4 =	vadd.f32 v4, v37;
	v13 =	vld [tilespmem:$0x1FF90];
	[tilespmem:s30+$0xFFFFFFE0] =	vst v61;
	v1 =	vmul.f32 v1, v36  }
0x2f4: {  	v3 =	vmul.f32 v58, v38;
	v49 =	vadd.f32 v55, v12;
	[tilespmem:s30+$0xFFFFFF60] =	vst v6  }
0x2f5: {  	[tilespmem:s0+$0xA0] =	vst v4;
	v2 =	vmul.f32 v2, v35;
	v1 =	vadd.f32 v1, v39  }
0x2f6: {  	v3 =	vadd.f32 v3, v20;
	[tilespmem:s30+$0xE0] =	vst v49;
	v0 =	vmul.f32 v0, v34  }
0x2f7: {  	v2 =	vadd.f32 v2, v40;
	[tilespmem:s0+$0xFFFFFFA0] =	vst v1;
	v1 =	vmul.f32 v56, v9  }
0x2f8: {  	[tilespmem:s31+$0xFFFFFF30] =	vst v3;
	v0 =	vadd.f32 v0, v26  }
0x2f9: {  	[tilespmem:s0+$0xFFFFFF20] =	vst v2;
	v1 =	vadd.f32 v1, v11  }
0x2fa: {  	v54 =	vadd.s32 v13, v31;
	[tilespmem:s0+$0x20] =	vst v0  }
0x2fb: {  	v7 =	vld.idx.msk [tilespmem:v51+s5+$0x0], $0xffff;
	v3 =	vadd.s32 v13, v33;
	[tilespmem:s30+$0x60] =	vst v1  }
0x2fc: {  	v61 =	vld [tilespmem:$0x1FEB0]  }
0x2fd: {  	v6 =	vadd.s32 v13, v32  }
0x2fe: {  	v29 =	vld.idx.msk [tilespmem:v50+s5+$0x0], $0xffff  }
0x2ff: {  	v5 =	vld.idx.msk [tilespmem:v54+s5+$0x0], $0xffff  }
0x300: {  	v2 =	vmul.f32 v53, v10;
	v3 =	vld.idx.msk [tilespmem:v3+s5+$0x0], $0xffff  }
0x301: {  	v58 =	vmul.f32 v7, v38;
	v7 =	vld.idx.msk [tilespmem:v48+s5+$0x0], $0xffff  }
0x302: {  	v0 =	vadd.f32 v2, v14;
	v2 =	vld.idx.msk [tilespmem:v6+s5+$0x0], $0xffff  }
0x303: {  	v6 =	vld.idx.msk [tilespmem:v47+s5+$0x0], $0xffff  }
0x304: {  	[tilespmem:s31+$0x30] =	vst v0;
	v5 =	vmul.f32 v5, v36;
	v4 =	vld.idx.msk [tilespmem:v61+s5+$0x0], $0xffff  }
0x305: {  	v1 =	vadd.f32 v58, v20;
	v3 =	vmul.f32 v3, v35;
	v61 =	vld [tilespmem:$0x1FFA0]  }
0x306: {  	v46 =	vld.idx.msk [tilespmem:v46+s5+$0x0], $0xffff;
	v7 =	vmul.f32 v7, v25;
	v5 =	vadd.f32 v5, v39  }
0x307: {  	v2 =	vmul.f32 v2, v34;
	v3 =	vadd.f32 v3, v40;
	[tilespmem:s31+$0xFFFFFF40] =	vst v1  }
0x308: {  	v59 =	vmul.f32 v57, v17;
	v7 =	vadd.f32 v7, v37;
	[tilespmem:s0+$0xFFFFFFB0] =	vst v5  }
0x309: {  	v50 =	vmov v10;
	v6 =	vmul.f32 v6, v24;
	v2 =	vadd.f32 v2, v26;
	[tilespmem:s0+$0xFFFFFF30] =	vst v3  }
0x30a: {  	v41 =	vadd.f32 v59, v18;
	v24 =	vmul.f32 v29, v15;
	v59 =	vld [tilespmem:$0x1FFB0];
	[tilespmem:s0+$0xB0] =	vst v7;
	v0 =	vadd.s32 v61, v31  }
0x30b: {  	v3 =	vadd.f32 v6, v28;
	v6 =	vmul.f32 v46, v50;
	[tilespmem:s0+$0x30] =	vst v2;
	v1 =	vadd.s32 v61, v33  }
0x30c: {  	[tilespmem:s31+$0xFFFFFFC0] =	vst v41;
	v2 =	vadd.f32 v24, v16;
	v4 =	vmul.f32 v4, v23  }
0x30d: {  	v45 =	vld.idx.msk [tilespmem:v45+s5+$0x0], $0xffff;
	[tilespmem:s30+$0xFFFFFFF0] =	vst v3;
	v6 =	vadd.f32 v6, v14;
	v62 =	vadd.s32 v61, v30  }
0x30e: {  	v3 =	vld.idx.msk [tilespmem:v44+s5+$0x0], $0xffff;
	[tilespmem:s31+$0xC0] =	vst v2;
	v63 =	vadd.s32 v61, v32;
	v4 =	vadd.f32 v4, v27  }
0x30f: {  	[tilespmem:s31+$0x40] =	vst v6;
	v7 =	vadd.s32 v59, v21;
	v0 =	vld.idx.msk [tilespmem:v0+s5+$0x0], $0xffff  }
0x310: {  	[tilespmem:s30+$0xFFFFFF70] =	vst v4;
	v1 =	vld.idx.msk [tilespmem:v1+s5+$0x0], $0xffff  }
0x311: {  	v56 =	vld [tilespmem:$0x1FFC0]  }
0x312: {  	v24 =	vmul.f32 v45, v38;
	v23 =	vld.idx.msk [tilespmem:v62+s5+$0x0], $0xffff  }
0x313: {  	v52 =	vadd.s32 v59, v19;
	v28 =	vld.idx.msk [tilespmem:v63+s5+$0x0], $0xffff  }
0x314: {  	v2 =	vadd.f32 v24, v20;
	v24 =	vadd.s32 v59, v31;
	v7 =	vld.idx.msk [tilespmem:v7+s5+$0x0], $0xffff;
	v0 =	vmul.f32 v0, v36  }
0x315: {  	v6 =	vadd.s32 v59, v33;
	v3 =	vmul.f32 v3, v17;
	v1 =	vmul.f32 v1, v35  }
0x316: {  	v27 =	vadd.s32 v59, v30;
	v29 =	vadd.s32 v56, v22;
	v0 =	vadd.f32 v0, v39  }
0x317: {  	v3 =	vadd.f32 v3, v18;
	[tilespmem:s31+$0xFFFFFF50] =	vst v2;
	v23 =	vmul.f32 v23, v25;
	v1 =	vadd.f32 v1, v40  }
0x318: {  	v5 =	vld.idx.msk [tilespmem:v52+s5+$0x0], $0xffff;
	v53 =	vmul.f32 v28, v34;
	v28 =	vadd.s32 v59, v32;
	[tilespmem:s0+$0xFFFFFFC0] =	vst v0  }
0x319: {  	v7 =	vmul.f32 v7, v50;
	v0 =	vadd.f32 v23, v37;
	[tilespmem:s0+$0xFFFFFF40] =	vst v1;
	v1 =	vld.idx.msk [tilespmem:v24+s5+$0x0], $0xffff  }
0x31a: {  	[tilespmem:s31+$0xFFFFFFD0] =	vst v3;
	v4 =	vadd.f32 v53, v26;
	v6 =	vld.idx.msk [tilespmem:v6+s5+$0x0], $0xffff  }
0x31b: {  	v2 =	vadd.f32 v7, v14;
	v7 =	vld.idx.msk [tilespmem:v29+s5+$0x0], $0xffff;
	[tilespmem:s0+$0xC0] =	vst v0  }
0x31c: {  	[tilespmem:s0+$0x40] =	vst v4;
	v54 =	vld.idx.msk [tilespmem:v27+s5+$0x0], $0xffff  }
0x31d: {  	v5 =	vmul.f32 v5, v15;
	v55 =	vld.idx.msk [tilespmem:v28+s5+$0x0], $0xffff  }
0x31e: {  	v1 =	vmul.f32 v1, v36  }
0x31f: {  	v3 =	vadd.f32 v5, v16;
	[tilespmem:s31+$0x50] =	vst v2;
	v2 =	vmul.f32 v6, v35  }
0x320: {  	v7 =	vmul.f32 v7, v17;
	v1 =	vadd.f32 v1, v39  }
0x321: {  	v23 =	vadd.s32 v56, v42;
	[tilespmem:s31+$0xD0] =	vst v3;
	v4 =	vmul.f32 v54, v25;
	v2 =	vadd.f32 v2, v40  }
0x322: {  	v52 =	vld [tilespmem:$0x1FFD0];
	v5 =	vmul.f32 v55, v34;
	v58 =	vadd.f32 v7, v18;
	[tilespmem:s0+$0xFFFFFFD0] =	vst v1  }
0x323: {  	v1 =	vadd.f32 v4, v37;
	[tilespmem:s0+$0xFFFFFF50] =	vst v2  }
0x324: {  	v2 =	vadd.f32 v5, v26;
	[tilespmem:s31+$0xFFFFFFE0] =	vst v58  }
0x325: {  	[tilespmem:s0+$0xD0] =	vst v1  }
0x326: {  	v24 =	vadd.s32 v56, v21;
	v23 =	vld.idx.msk [tilespmem:v23+s5+$0x0], $0xffff;
	[tilespmem:s0+$0x50] =	vst v2  }
0x327: {  	v10 =	vmov v12;
	v0 =	vadd.s32 v56, v19;
	v12 =	vld [tilespmem:$0x1FED0]  }
0x328: {  	v3 =	vadd.s32 v56, v31  }
0x329: {  	v6 =	vadd.s32 v56, v33;
	_ =	sdelay $0x1  }
0x32a: {  	v24 =	vld.idx.msk [tilespmem:v24+s5+$0x0], $0xffff;
	v57 =	vmul.f32 v23, v38  }
0x32b: {  	v28 =	vadd.s32 v56, v30;
	v0 =	vld.idx.msk [tilespmem:v0+s5+$0x0], $0xffff  }
0x32c: {  	v3 =	vld.idx.msk [tilespmem:v3+s5+$0x0], $0xffff;
	v1 =	vadd.f32 v57, v20  }
0x32d: {  	v29 =	vadd.s32 v56, v32;
	v6 =	vld.idx.msk [tilespmem:v6+s5+$0x0], $0xffff  }
0x32e: {  	v22 =	vadd.s32 v52, v22;
	v62 =	vadd.s32 v52, v19;
	[tilespmem:s31+$0xFFFFFF60] =	vst v1;
	v19 =	vld.idx.msk [tilespmem:v12+s5+$0x0], $0xffff  }
0x32f: {  	v12 =	vld [tilespmem:$0x1FEC0]  }
0x330: {  	v0 =	vmul.f32 v0, v15;
	v2 =	vld.idx.msk [tilespmem:v28+s5+$0x0], $0xffff;
	_ =	sdelay $0x1  }
0x331: {  	v63 =	vmul.f32 v24, v50;
	v7 =	vld.idx.msk [tilespmem:v29+s5+$0x0], $0xffff;
	v0 =	vadd.f32 v0, v16  }
0x332: {  	v21 =	vadd.s32 v52, v21;
	v1 =	vld.idx.msk [tilespmem:v22+s5+$0x0], $0xffff;
	v22 =	vadd.s32 v52, v31;
	v3 =	vmul.f32 v3, v36  }
0x333: {  	v23 =	vadd.s32 v52, v33;
	v5 =	vadd.f32 v63, v14;
	[tilespmem:s31+$0xE0] =	vst v0;
	v0 =	vmul.f32 v6, v35  }
0x334: {  	v27 =	vld.idx.msk [tilespmem:v43+s5+$0x0], $0xffff;
	v33 =	vadd.s32 v52, v30;
	v3 =	vadd.f32 v3, v39;
	v2 =	vmul.f32 v2, v25  }
0x335: {  	[tilespmem:s31+$0x60] =	vst v5;
	v4 =	vld.idx.msk [tilespmem:v62+s5+$0x0], $0xffff;
	v0 =	vadd.f32 v0, v40  }
0x336: {  	v2 =	vadd.f32 v2, v37;
	[tilespmem:s0+$0xFFFFFFE0] =	vst v3;
	v24 =	vld.idx.msk [tilespmem:v12+s5+$0x0], $0xffff  }
0x337: {  	v7 =	vmul.f32 v7, v34;
	v6 =	vadd.s32 v52, v32;
	[tilespmem:s0+$0xFFFFFF60] =	vst v0;
	v0 =	vld.idx.msk [tilespmem:v22+s5+$0x0], $0xffff  }
0x338: {  	v1 =	vmul.f32 v1, v17;
	v21 =	vld.idx.msk [tilespmem:v21+s5+$0x0], $0xffff;
	[tilespmem:s0+$0xE0] =	vst v2  }
0x339: {  	v7 =	vadd.f32 v7, v26;
	v5 =	vld.idx.msk [tilespmem:v33+s5+$0x0], $0xffff;
	v3 =	vmul.f32 v19, v9  }
0x33a: {  	v1 =	vadd.f32 v1, v18;
	v9 =	vld.idx.msk [tilespmem:v23+s5+$0x0], $0xffff;
	v4 =	vmul.f32 v4, v15  }
0x33b: {  	[tilespmem:s0+$0x60] =	vst v7;
	v2 =	vadd.f32 v3, v11;
	v3 =	vmul.f32 v24, v38  }
0x33c: {  	[tilespmem:s31+$0xFFFFFFF0] =	vst v1;
	v6 =	vld.idx.msk [tilespmem:v6+s5+$0x0], $0xffff;
	v1 =	vadd.f32 v4, v16;
	v0 =	vmul.f32 v0, v36  }
0x33d: {  	[tilespmem:s30+$0x70] =	vst v2;
	v2 =	vadd.f32 v3, v20;
	v3 =	vmul.f32 v21, v50  }
0x33e: {  	v8 =	vmul.f32 v27, v8;
	[tilespmem:s31+$0xF0] =	vst v1;
	v0 =	vadd.f32 v0, v39  }
0x33f: {  	v1 =	vmul.f32 v5, v25;
	[tilespmem:s31+$0xFFFFFF70] =	vst v2;
	v2 =	vadd.f32 v3, v14;
	v3 =	vmul.f32 v9, v35  }
0x340: {  	v8 =	vadd.f32 v8, v10;
	[tilespmem:s0+$0xFFFFFFF0] =	vst v0  }
0x341: {  	v0 =	vadd.f32 v1, v37;
	[tilespmem:s31+$0x70] =	vst v2;
	v2 =	vadd.f32 v3, v40;
	v3 =	vmul.f32 v6, v34  }
0x342: {  	[tilespmem:s30+$0xF0] =	vst v8  }
0x343: {  	[tilespmem:s0+$0xF0] =	vst v0;
	v1 =	vadd.f32 v3, v26  }
0x344: {  	[tilespmem:s0+$0xFFFFFF70] =	vst v2  }
0x345: {  	[tilespmem:s0+$0x70] =	vst v1  }
0x346: {  	[hbm4b:s12+s21] =	stream.strided.scatter [tilespmem:s23], [sflag:$0x3], $0x2000, s22, s21, $0x38;
	[tilespmem:$0xC180] =	vst v63  }
0x347: {  	s3 =	simm.s32 $0x3;
	_ =	swait.ge [sflag:s24], $0x4000  }
0x348: {  	v0 =	vmov s3;
	[sflag:s24] =	ssyncset.done $0x0  }
0x349: {  	[sflag:s24] =	ssyncadd.s32 $0xFFFFC000  }
0x34a: {  	s4 =	simm.s32 $0x1;
	_ =	swait.ge [sflag:s28], $0x2000  }
0x34b: {  	v1 =	vmov s4;
	[sflag:s28] =	ssyncset.done $0x0  }
0x34c: {  	v1 =	vand.u32 $0xFFFFFFFD, v1;
	v30 =	vld [tilespmem:$0x1FFE0];
	[sflag:s28] =	ssyncadd.s32 $0xFFFFE000  }
0x34d: {  	v1 =	vbroadcast v1, $0x0;
	v37 =	vld.idx.msk [tilespmem:v0+s15+$0x0], $0xffff;
	_ =	sdelay $0x1  }
0x34e: {  	s1 =	simm.s32 $0x0  }
0x34f: {  	v2 =	vmov s1  }
0x350: {  	v2 =	vand.u32 $0xFFFFFFFC, v2  }
0x351: {  	s2 =	simm.s32 $0x2;
	v2 =	vbroadcast v2, $0x0;
	v38 =	vadd.s32 v30, v37  }
0x352: {  	v3 =	vmov s2;
	v40 =	vld.idx.msk [tilespmem:v1+s15+$0x0], $0xffff  }
0x353: {  	v3 =	vand.u32 $0xFFFFFFFE, v3  }
0x354: {  	v3 =	vbroadcast v3, $0x0;
	v53 =	vld [tilespmem:$0x1FFF0]  }
0x355: {  	v10 =	vld.idx.msk [tilespmem:v0+s17+$0x0], $0xffff  }
0x356: {  	v4 =	vld.idx.msk [tilespmem:v38+s19+$0x0], $0xffff  }
0x357: {  	v41 =	vld.idx.msk [tilespmem:v2+s15+$0x0], $0xffff;
	v42 =	vadd.s32 v30, v40  }
0x358: {  	v58 =	vld.idx.msk [tilespmem:v0+s18+$0x0], $0xffff;
	_ =	sdelay $0x1  }
0x359: {  	v44 =	vld.idx.msk [tilespmem:v3+s15+$0x0], $0xffff  }
0x35a: {  	v25 =	vld.idx.msk [tilespmem:v1+s17+$0x0], $0xffff;
	v6 =	vadd.s32 v53, v37;
	v4 =	vmul.f32 v4, v10  }
0x35b: {  	v0 =	vadd.s32 v30, v41;
	v5 =	vld.idx.msk [tilespmem:v42+s19+$0x0], $0xffff  }
0x35c: {  	v16 =	vld.idx.msk [tilespmem:v2+s17+$0x0], $0xffff;
	v4 =	vadd.f32 v4, v58  }
0x35d: {  	s30 =	simm.s32 $0xA100;
	v28 =	vld.idx.msk [tilespmem:v1+s18+$0x0], $0xffff  }
0x35e: {  	v24 =	vld.idx.msk [tilespmem:v2+s18+$0x0], $0xffff;
	[tilespmem:s30+$0x80] =	vst v4  }
0x35f: {  	v7 =	vadd.s32 v30, v44;
	v1 =	vld.idx.msk [tilespmem:v6+s19+$0x0], $0xffff  }
0x360: {  	v2 =	vadd.s32 v53, v40;
	v0 =	vld.idx.msk [tilespmem:v0+s19+$0x0], $0xffff;
	v5 =	vmul.f32 v5, v25  }
0x361: {  	v9 =	vld.idx.msk [tilespmem:v3+s17+$0x0], $0xffff  }
0x362: {  	s2 =	simm.s32 $0x7;
	v11 =	vld.idx.msk [tilespmem:v3+s18+$0x0], $0xffff;
	v3 =	vadd.f32 v5, v28  }
0x363: {  	v14 =	vmov s2  }
0x364: {  	s4 =	simm.s32 $0x4;
	v45 =	vadd.s32 v60, v37;
	v43 =	vld.idx.msk [tilespmem:v7+s19+$0x0], $0xffff;
	[tilespmem:s30+$0xFFFFFF80] =	vst v3;
	v1 =	vmul.f32 v1, v10  }
0x365: {  	v46 =	vmov s4;
	v7 =	vadd.s32 v53, v41;
	v0 =	vmul.f32 v0, v16;
	v2 =	vld.idx.msk [tilespmem:v2+s19+$0x0], $0xffff  }
0x366: {  	v5 =	vand.u32 $0xFFFFFFFC, v46;
	v1 =	vadd.f32 v1, v58  }
0x367: {  	s1 =	simm.s32 $0x6;
	v0 =	vadd.f32 v0, v24;
	v5 =	vbroadcast v5, $0x0  }
0x368: {  	v12 =	vmov s1;
	v20 =	vld.idx.msk [tilespmem:v14+s15+$0x0], $0xffff;
	v47 =	vadd.s32 v60, v40;
	[tilespmem:s30+$0x90] =	vst v1  }
0x369: {  	s3 =	simm.s32 $0x5;
	v12 =	vand.u32 $0xFFFFFFFE, v12;
	v4 =	vmul.f32 v43, v9;
	[tilespmem:s30+$0xFFFFFF00] =	vst v0;
	v6 =	vadd.s32 v53, v44;
	v1 =	vld.idx.msk [tilespmem:v45+s19+$0x0], $0xffff  }
0x36a: {  	v3 =	vmov s3;
	v0 =	vbroadcast v12, $0x0;
	v7 =	vld.idx.msk [tilespmem:v7+s19+$0x0], $0xffff;
	v2 =	vmul.f32 v2, v25  }
0x36b: {  	v51 =	vmov v13;
	v13 =	vld.idx.msk [tilespmem:v14+s17+$0x0], $0xffff;
	v3 =	vand.u32 $0xFFFFFFFD, v3;
	v4 =	vadd.f32 v4, v11  }
0x36c: {  	v14 =	vld.idx.msk [tilespmem:v14+s18+$0x0], $0xffff;
	v3 =	vbroadcast v3, $0x0;
	v2 =	vadd.f32 v2, v28  }
0x36d: {  	[tilespmem:s30+$0x0] =	vst v4;
	v38 =	vld.idx.msk [tilespmem:v5+s15+$0x0], $0xffff  }
0x36e: {  	v6 =	vld.idx.msk [tilespmem:v6+s19+$0x0], $0xffff;
	[tilespmem:s30+$0xFFFFFF90] =	vst v2;
	v1 =	vmul.f32 v1, v10  }
0x36f: {  	v17 =	vadd.s32 v60, v41;
	v7 =	vmul.f32 v7, v16;
	v2 =	vld.idx.msk [tilespmem:v47+s19+$0x0], $0xffff  }
0x370: {  	v22 =	vld.idx.msk [tilespmem:v0+s15+$0x0], $0xffff;
	v1 =	vadd.f32 v1, v58  }
0x371: {  	v15 =	vadd.s32 v51, v37;
	v12 =	vld.idx.msk [tilespmem:v0+s18+$0x0], $0xffff;
	v48 =	vadd.f32 v7, v24  }
0x372: {  	v23 =	vld.idx.msk [tilespmem:v3+s15+$0x0], $0xffff;
	[tilespmem:s30+$0xA0] =	vst v1;
	v1 =	vadd.s32 v30, v20  }
0x373: {  	v18 =	vld.idx.msk [tilespmem:v3+s17+$0x0], $0xffff;
	[tilespmem:s30+$0xFFFFFF10] =	vst v48  }
0x374: {  	v19 =	vadd.s32 v51, v40;
	v7 =	vld.idx.msk [tilespmem:v17+s19+$0x0], $0xffff;
	v2 =	vmul.f32 v2, v25  }
0x375: {  	v21 =	vadd.s32 v60, v44;
	v6 =	vmul.f32 v6, v9;
	v17 =	vld.idx.msk [tilespmem:v0+s17+$0x0], $0xffff  }
0x376: {  	v0 =	vadd.f32 v2, v28;
	v49 =	vld.idx.msk [tilespmem:v15+s19+$0x0], $0xffff  }
0x377: {  	v2 =	vadd.f32 v6, v11;
	v1 =	vld.idx.msk [tilespmem:v1+s19+$0x0], $0xffff  }
0x378: {  	v6 =	vadd.s32 v30, v38;
	[tilespmem:s30+$0xFFFFFFA0] =	vst v0;
	v15 =	vld.idx.msk [tilespmem:v5+s17+$0x0], $0xffff  }
0x379: {  	v27 =	vadd.s32 v51, v41;
	v7 =	vmul.f32 v7, v16;
	[tilespmem:s30+$0x10] =	vst v2;
	v2 =	vld.idx.msk [tilespmem:v19+s19+$0x0], $0xffff  }
0x37a: {  	v29 =	vadd.s32 v30, v23;
	v26 =	vld.idx.msk [tilespmem:v21+s19+$0x0], $0xffff  }
0x37b: {  	v0 =	vadd.s32 v30, v22;
	v19 =	vld.idx.msk [tilespmem:v3+s18+$0x0], $0xffff;
	v3 =	vadd.f32 v7, v24  }
0x37c: {  	v21 =	vld.idx.msk [tilespmem:v5+s18+$0x0], $0xffff;
	v1 =	vmul.f32 v1, v13  }
0x37d: {  	v50 =	vadd.s32 v53, v20;
	v6 =	vld.idx.msk [tilespmem:v6+s19+$0x0], $0xffff;
	[tilespmem:s30+$0xFFFFFF20] =	vst v3  }
0x37e: {  	v31 =	vadd.s32 v61, v40;
	v3 =	vld.idx.msk [tilespmem:v27+s19+$0x0], $0xffff;
	v4 =	vmul.f32 v49, v10;
	v1 =	vadd.f32 v1, v14  }
0x37f: {  	s31 =	simm.s32 $0xA300;
	v8 =	vadd.s32 v52, v41;
	v27 =	vadd.s32 v51, v44;
	v7 =	vmul.f32 v26, v9;
	v26 =	vld.idx.msk [tilespmem:v29+s19+$0x0], $0xffff  }
0x380: {  	v0 =	vld.idx.msk [tilespmem:v0+s19+$0x0], $0xffff;
	v4 =	vadd.f32 v4, v58;
	[tilespmem:s31+$0x80] =	vst v1;
	v1 =	vmul.f32 v2, v25  }
0x381: {  	v54 =	vadd.s32 v53, v22;
	v29 =	vadd.s32 v61, v37;
	v7 =	vadd.f32 v7, v11  }
0x382: {  	v55 =	vmul.f32 v6, v15;
	[tilespmem:s30+$0xB0] =	vst v4;
	v5 =	vld.idx.msk [tilespmem:v50+s19+$0x0], $0xffff;
	v1 =	vadd.f32 v1, v28  }
0x383: {  	v57 =	vadd.s32 v53, v23;
	v3 =	vmul.f32 v3, v16;
	[tilespmem:s30+$0x20] =	vst v7;
	v2 =	vadd.s32 v61, v41  }
0x384: {  	v6 =	vadd.s32 v53, v38;
	v4 =	vadd.f32 v55, v21;
	v7 =	vmul.f32 v26, v18;
	[tilespmem:s30+$0xFFFFFFB0] =	vst v1  }
0x385: {  	v0 =	vmul.f32 v0, v17;
	v3 =	vadd.f32 v3, v24;
	v1 =	vld.idx.msk [tilespmem:v27+s19+$0x0], $0xffff;
	[tilespmem:$0x1FE90] =	vst v12  }
0x386: {  	s1 =	simm.s32 $0x9;
	v26 =	vadd.s32 v60, v20;
	v7 =	vadd.f32 v7, v19;
	v27 =	vld.idx.msk [tilespmem:v31+s19+$0x0], $0xffff;
	[tilespmem:s31+$0xFFFFFF00] =	vst v4  }
0x387: {  	s2 =	simm.s32 $0xA;
	s3 =	simm.s32 $0xB;
	v0 =	vadd.f32 v0, v12;
	v4 =	vld.idx.msk [tilespmem:v29+s19+$0x0], $0xffff;
	v29 =	vmov s1;
	v5 =	vmul.f32 v5, v13;
	[tilespmem:s30+$0xFFFFFF30] =	vst v3  }
0x388: {  	v45 =	vmov s3;
	v31 =	vmov s2;
	[tilespmem:s31+$0xFFFFFF80] =	vst v7;
	v29 =	vand.u32 $0xFFFFFFFD, v29;
	v2 =	vld.idx.msk [tilespmem:v2+s19+$0x0], $0xffff  }
0x389: {  	[tilespmem:s31+$0x0] =	vst v0;
	v7 =	vld.idx.msk [tilespmem:v57+s19+$0x0], $0xffff;
	v3 =	vbroadcast v29, $0x0;
	v29 =	vand.u32 $0xFFFFFFFE, v31;
	v5 =	vadd.f32 v5, v14  }
0x38a: {  	v6 =	vld.idx.msk [tilespmem:v6+s19+$0x0], $0xffff;
	[tilespmem:$0x1FE60] =	vst v8;
	v0 =	vbroadcast v29, $0x0  }
0x38b: {  	v34 =	vadd.s32 v59, v41;
	v33 =	vld.idx.msk [tilespmem:v54+s19+$0x0], $0xffff;
	[tilespmem:s31+$0x90] =	vst v5  }
0x38c: {  	s4 =	simm.s32 $0x8;
	v62 =	vadd.s32 v61, v44;
	v54 =	vadd.s32 v60, v23;
	v1 =	vmul.f32 v1, v9;
	v63 =	vld.idx.msk [tilespmem:v26+s19+$0x0], $0xffff  }
0x38d: {  	v29 =	vld.idx.msk [tilespmem:v45+s15+$0x0], $0xffff;
	v5 =	vadd.s32 v59, v40;
	v26 =	vmov s4;
	v2 =	vmul.f32 v2, v16  }
0x38e: {  	v1 =	vadd.f32 v1, v11;
	v31 =	vand.u32 $0xFFFFFFFC, v26;
	v26 =	vld.idx.msk [tilespmem:v45+s17+$0x0], $0xffff;
	v7 =	vmul.f32 v7, v18  }
0x38f: {  	v57 =	vmul.f32 v27, v25;
	v48 =	vbroadcast v31, $0x0;
	v31 =	vld.idx.msk [tilespmem:v3+s15+$0x0], $0xffff;
	v2 =	vadd.f32 v2, v24  }
0x390: {  	v33 =	vmul.f32 v33, v17;
	[tilespmem:s30+$0x30] =	vst v1;
	v1 =	vadd.f32 v7, v19;
	v32 =	vld.idx.msk [tilespmem:v0+s15+$0x0], $0xffff  }
0x391: {  	v7 =	vadd.f32 v57, v28;
	v27 =	vld.idx.msk [tilespmem:v0+s18+$0x0], $0xffff;
	v36 =	vmul.f32 v63, v13;
	[tilespmem:s30+$0xFFFFFF40] =	vst v2  }
0x392: {  	v8 =	vadd.s32 v51, v20;
	v33 =	vadd.f32 v33, v12;
	v2 =	vld.idx.msk [tilespmem:v62+s19+$0x0], $0xffff;
	[tilespmem:s31+$0xFFFFFF90] =	vst v1  }
0x393: {  	v6 =	vmul.f32 v6, v15;
	[tilespmem:s30+$0xFFFFFFC0] =	vst v7;
	v1 =	vld.idx.msk [tilespmem:v34+s19+$0x0], $0xffff;
	v7 =	vadd.f32 v36, v14  }
0x394: {  	v55 =	vadd.s32 v60, v38;
	v62 =	vld.idx.msk [tilespmem:v54+s19+$0x0], $0xffff;
	[tilespmem:s31+$0x10] =	vst v33  }
0x395: {  	v6 =	vadd.f32 v6, v21;
	v5 =	vld.idx.msk [tilespmem:v5+s19+$0x0], $0xffff;
	[tilespmem:s31+$0xA0] =	vst v7;
	v7 =	vadd.s32 v52, v38  }
0x396: {  	v33 =	vld.idx.msk [tilespmem:v48+s15+$0x0], $0xffff;
	[tilespmem:$0x1FE70] =	vst v7  }
0x397: {  	v4 =	vmul.f32 v4, v10;
	v7 =	vadd.s32 v52, v37;
	[tilespmem:s31+$0xFFFFFF10] =	vst v6  }
0x398: {  	v49 =	vadd.s32 v30, v29;
	v6 =	vld.idx.msk [tilespmem:v8+s19+$0x0], $0xffff;
	[tilespmem:$0x1FE80] =	vst v7  }
0x399: {  	v4 =	vadd.f32 v4, v58;
	v63 =	vadd.s32 v59, v37;
	v7 =	vld.idx.msk [tilespmem:v55+s19+$0x0], $0xffff  }
0x39a: {  	v35 =	vld.idx.msk [tilespmem:v48+s17+$0x0], $0xffff  }
0x39b: {  	v8 =	vadd.s32 v56, v37;
	[tilespmem:s30+$0xC0] =	vst v4;
	v36 =	vld.idx.msk [tilespmem:v3+s17+$0x0], $0xffff  }
0x39c: {  	v2 =	vmul.f32 v2, v9;
	v34 =	vld.idx.msk [tilespmem:v0+s17+$0x0], $0xffff;
	[tilespmem:$0x1FEA0] =	vst v8  }
0x39d: {  	v1 =	vmul.f32 v1, v16;
	v49 =	vld.idx.msk [tilespmem:v49+s19+$0x0], $0xffff  }
0x39e: {  	v57 =	vmul.f32 v62, v18;
	v2 =	vadd.f32 v2, v11;
	v4 =	vld.idx.msk [tilespmem:v63+s19+$0x0], $0xffff  }
0x39f: {  	v42 =	vmov v51;
	v5 =	vmul.f32 v5, v25;
	v1 =	vadd.f32 v1, v24;
	v37 =	vld.idx.msk [tilespmem:v45+s18+$0x0], $0xffff  }
0x3a0: {  	v50 =	vadd.s32 v59, v44;
	v51 =	vadd.f32 v57, v19;
	[tilespmem:s30+$0x40] =	vst v2;
	v6 =	vmul.f32 v6, v13  }
0x3a1: {  	v47 =	vadd.s32 v60, v22;
	v5 =	vadd.f32 v5, v28;
	[tilespmem:s30+$0xFFFFFF50] =	vst v1;
	v7 =	vmul.f32 v7, v15  }
0x3a2: {  	v2 =	vadd.s32 v30, v31;
	[tilespmem:s31+$0xFFFFFFA0] =	vst v51;
	v6 =	vadd.f32 v6, v14;
	v63 =	vmul.f32 v49, v26  }
0x3a3: {  	[tilespmem:s30+$0xFFFFFFD0] =	vst v5;
	v7 =	vadd.f32 v7, v21;
	v4 =	vmul.f32 v4, v10  }
0x3a4: {  	[tilespmem:s31+$0xB0] =	vst v6;
	v5 =	vadd.f32 v63, v37  }
0x3a5: {  	s0 =	simm.s32 $0xA500;
	v50 =	vld.idx.msk [tilespmem:v50+s19+$0x0], $0xffff;
	[tilespmem:s31+$0xFFFFFF20] =	vst v7;
	v4 =	vadd.f32 v4, v58  }
0x3a6: {  	v57 =	vld.idx.msk [tilespmem:v47+s19+$0x0], $0xffff;
	[tilespmem:s0+$0x80] =	vst v5  }
0x3a7: {  	v0 =	vadd.s32 v42, v23;
	v1 =	vld.idx.msk [tilespmem:v2+s19+$0x0], $0xffff;
	[tilespmem:s30+$0xD0] =	vst v4  }
0x3a8: {  	v39 =	vadd.s32 v42, v38;
	v2 =	vld [tilespmem:$0x1FE90]  }
0x3a9: {  	v46 =	vadd.s32 v52, v40;
	v54 =	vadd.s32 v30, v32  }
0x3aa: {  	v62 =	vadd.s32 v30, v33;
	v55 =	vadd.s32 v56, v41;
	v6 =	vmul.f32 v50, v9  }
0x3ab: {  	v30 =	vadd.s32 v56, v44;
	v56 =	vadd.s32 v56, v40;
	v40 =	vld.idx.msk [tilespmem:v3+s18+$0x0], $0xffff;
	v5 =	vmul.f32 v57, v17  }
0x3ac: {  	v0 =	vld.idx.msk [tilespmem:v0+s19+$0x0], $0xffff;
	v6 =	vadd.f32 v6, v11  }
0x3ad: {  	v43 =	vadd.s32 v52, v44;
	v12 =	vmovc v58;
	v58 =	vld.idx.msk [tilespmem:v39+s19+$0x0], $0xffff;
	v39 =	vmov v2;
	v2 =	vadd.f32 v5, v2  }
0x3ae: {  	v44 =	vadd.s32 v59, v23;
	v45 =	vadd.s32 v59, v38;
	v59 =	vld.idx.msk [tilespmem:v54+s19+$0x0], $0xffff;
	[tilespmem:s30+$0x50] =	vst v6  }
0x3af: {  	v62 =	vld.idx.msk [tilespmem:v62+s19+$0x0], $0xffff;
	[tilespmem:s31+$0x20] =	vst v2  }
0x3b0: {  	v7 =	vadd.s32 v53, v29;
	v2 =	vld [tilespmem:$0x1FEA0]  }
0x3b1: {  	v47 =	vadd.s32 v61, v22;
	v51 =	vadd.s32 v61, v38;
	v3 =	vadd.s32 v42, v22;
	v63 =	vld.idx.msk [tilespmem:v56+s19+$0x0], $0xffff  }
0x3b2: {  	v50 =	vadd.s32 v61, v20;
	v61 =	vadd.s32 v61, v23;
	v0 =	vmul.f32 v0, v18;
	v57 =	vld.idx.msk [tilespmem:v55+s19+$0x0], $0xffff  }
0x3b3: {  	v52 =	vadd.s32 v53, v32;
	v41 =	vld.idx.msk [tilespmem:v48+s18+$0x0], $0xffff;
	v48 =	vadd.s32 v42, v29;
	v54 =	vadd.s32 v60, v29  }
0x3b4: {  	v8 =	vmovc v10;
	v10 =	vmov v38;
	v49 =	vadd.s32 v60, v31;
	v0 =	vadd.f32 v0, v19;
	v55 =	vld.idx.msk [tilespmem:v30+s19+$0x0], $0xffff  }
0x3b5: {  	v42 =	vmul.f32 v59, v34;
	v59 =	vadd.s32 v53, v31;
	v38 =	vmul.f32 v62, v35;
	v60 =	vld.idx.msk [tilespmem:v7+s19+$0x0], $0xffff  }
0x3b6: {  	v62 =	vadd.s32 v53, v33;
	v6 =	vmul.f32 v63, v25;
	[tilespmem:s31+$0xFFFFFFB0] =	vst v0;
	v53 =	vld.idx.msk [tilespmem:v3+s19+$0x0], $0xffff  }
0x3b7: {  	v63 =	vmul.f32 v57, v16;
	v0 =	vmul.f32 v1, v36;
	v1 =	vadd.f32 v42, v27;
	v57 =	vld.idx.msk [tilespmem:v61+s19+$0x0], $0xffff  }
0x3b8: {  	s4 =	simm.s32 $0xC;
	v61 =	vadd.f32 v6, v28;
	v56 =	vld.idx.msk [tilespmem:v2+s19+$0x0], $0xffff;
	v2 =	vadd.f32 v38, v41  }
.LBB2_8:
0x3b9: {  	v30 =	vld [tilespmem:$0x1FE60];
	_ =	sdelay $0x2  }
0x3ba: {  	s1 =	sadd.s32 $0x1, s4;
	v4 =	vld.idx.msk [tilespmem:v50+s19+$0x0], $0xffff;
	[tilespmem:s0+$0xFFFFFF00] =	vst v2;
	v2 =	vmul.f32 v58, v15  }
0x3bb: {  	v5 =	vadd.f32 v63, v24;
	v6 =	vmov s1;
	[tilespmem:s0+$0x0] =	vst v1;
	v7 =	vld.idx.msk [tilespmem:v62+s19+$0x0], $0xffff  }
0x3bc: {  	s2 =	sadd.s32 $0x2, s4;
	[tilespmem:s30+$0xFFFFFFE0] =	vst v61;
	v6 =	vand.u32 $0xFFFFFFFD, v6;
	v62 =	vld [tilespmem:$0x1FF80];
	v1 =	vmul.f32 v60, v26;
	v2 =	vadd.f32 v2, v21  }
0x3bd: {  	v38 =	vmov s2;
	v50 =	vbroadcast v6, $0x0;
	[tilespmem:s30+$0xFFFFFF60] =	vst v5;
	v60 =	vld.idx.msk [tilespmem:v52+s19+$0x0], $0xffff;
	v6 =	vmul.f32 v56, v8  }
0x3be: {  	v42 =	vand.u32 $0xFFFFFFFE, v38;
	v38 =	vmul.f32 v55, v9;
	v1 =	vadd.f32 v1, v37;
	[tilespmem:s31+$0xFFFFFF30] =	vst v2;
	v2 =	vld.idx.msk [tilespmem:v46+s19+$0x0], $0xffff  }
0x3bf: {  	s3 =	sadd.s32 $0x3, s4;
	v0 =	vadd.f32 v0, v40;
	v5 =	vbroadcast v42, $0x0;
	v61 =	vmul.f32 v57, v18;
	v57 =	vld.idx.msk [tilespmem:v30+s19+$0x0], $0xffff  }
0x3c0: {  	v52 =	vmov s3;
	v42 =	vadd.f32 v6, v12;
	[tilespmem:s0+$0x90] =	vst v1;
	v1 =	vadd.f32 v38, v11;
	v30 =	vmovc v12;
	v12 =	vld [tilespmem:$0x1FE70]  }
0x3c1: {  	v3 =	vmov s4;
	[tilespmem:s0+$0xFFFFFF80] =	vst v0;
	v0 =	vld.idx.msk [tilespmem:v51+s19+$0x0], $0xffff  }
0x3c2: {  	v3 =	vand.u32 $0xFFFFFFFC, v3;
	[tilespmem:s30+$0x60] =	vst v1;
	v1 =	vld [tilespmem:$0x1FE80]  }
0x3c3: {  	v51 =	vbroadcast v3, $0x0;
	v3 =	vld.idx.msk [tilespmem:v59+s19+$0x0], $0xffff  }
0x3c4: {  	v54 =	vld.idx.msk [tilespmem:v54+s19+$0x0], $0xffff;
	[tilespmem:s30+$0xE0] =	vst v42  }
0x3c5: {  	v63 =	vmul.f32 v53, v17;
	v60 =	vmul.f32 v60, v34;
	v55 =	vld.idx.msk [tilespmem:v52+s15+$0x0], $0xffff;
	v6 =	vmov v12  }
0x3c6: {  	v38 =	vld.idx.msk [tilespmem:v52+s17+$0x0], $0xffff;
	[tilespmem:$0x1FE60] =	vst v6;
	v6 =	vadd.f32 v61, v19  }
0x3c7: {  	v43 =	vld.idx.msk [tilespmem:v43+s19+$0x0], $0xffff;
	v61 =	vadd.f32 v63, v39;
	v63 =	vadd.f32 v60, v27  }
0x3c8: {  	v60 =	vld [tilespmem:$0x1FFB0]  }
0x3c9: {  	v2 =	vmul.f32 v2, v25;
	[tilespmem:s0+$0x10] =	vst v63;
	v63 =	vld [tilespmem:$0x1FFC0]  }
0x3ca: {  	v3 =	vmul.f32 v3, v36;
	[tilespmem:s31+$0xFFFFFFC0] =	vst v6;
	v1 =	vld.idx.msk [tilespmem:v1+s19+$0x0], $0xffff  }
0x3cb: {  	v2 =	vadd.f32 v2, v28;
	v6 =	vmul.f32 v57, v16;
	v57 =	vld.idx.msk [tilespmem:v50+s15+$0x0], $0xffff;
	[tilespmem:s31+$0x30] =	vst v61  }
0x3cc: {  	v3 =	vadd.f32 v3, v40;
	v16 =	vmov v15;
	v58 =	vld.idx.msk [tilespmem:v5+s15+$0x0], $0xffff  }
0x3cd: {  	v0 =	vmul.f32 v0, v16;
	[tilespmem:s30+$0xFFFFFFF0] =	vst v2;
	v2 =	vld.idx.msk [tilespmem:v5+s18+$0x0], $0xffff  }
0x3ce: {  	[tilespmem:s0+$0xFFFFFF90] =	vst v3;
	v6 =	vadd.f32 v6, v24;
	v24 =	vmul.f32 v54, v26;
	v54 =	vld [tilespmem:$0x1FFE0]  }
0x3cf: {  	v7 =	vmul.f32 v7, v35;
	v46 =	vadd.s32 v62, v33;
	v59 =	vld.idx.msk [tilespmem:v49+s19+$0x0], $0xffff;
	v0 =	vadd.f32 v0, v21  }
0x3d0: {  	v25 =	vmov v18;
	v18 =	vmov v36;
	v36 =	vld.idx.msk [tilespmem:v50+s17+$0x0], $0xffff;
	[tilespmem:s30+$0xFFFFFF70] =	vst v6  }
0x3d1: {  	v7 =	vadd.f32 v7, v41;
	[tilespmem:s31+$0xFFFFFF40] =	vst v0;
	v0 =	vld.idx.msk [tilespmem:v47+s19+$0x0], $0xffff  }
0x3d2: {  	v4 =	vmul.f32 v4, v13;
	v3 =	vld.idx.msk [tilespmem:v45+s19+$0x0], $0xffff  }
0x3d3: {  	v6 =	vadd.f32 v24, v37;
	v24 =	vmul.f32 v43, v9;
	v49 =	vld.idx.msk [tilespmem:v51+s15+$0x0], $0xffff;
	[tilespmem:s0+$0xFFFFFF10] =	vst v7  }
0x3d4: {  	v4 =	vadd.f32 v4, v14;
	v61 =	vmovc v13;
	v13 =	vmov v27;
	v27 =	vmov v2;
	v2 =	vld.idx.msk [tilespmem:v46+s19+$0x0], $0xffff  }
0x3d5: {  	v15 =	vmov v35;
	v1 =	vmul.f32 v1, v8;
	[tilespmem:s0+$0xA0] =	vst v6;
	v6 =	vadd.f32 v24, v11;
	v35 =	vld.idx.msk [tilespmem:v51+s17+$0x0], $0xffff  }
0x3d6: {  	v12 =	vmovc v39;
	v39 =	vmovc v14;
	v14 =	vmov v37;
	v47 =	vadd.s32 v54, v55;
	v37 =	vmul.f32 v59, v18;
	v59 =	vld [tilespmem:$0x1FF90]  }
0x3d7: {  	v53 =	vadd.s32 v62, v32;
	v42 =	vmovc v26;
	v28 =	vmov v19;
	v1 =	vadd.f32 v1, v30;
	v30 =	vld [tilespmem:$0x1FFD0];
	[tilespmem:s30+$0x70] =	vst v6  }
0x3d8: {  	v19 =	vmovc v40;
	v9 =	vmovc v17;
	v17 =	vmov v34;
	v56 =	vadd.s32 v63, v20;
	v11 =	vmov v12;
	v34 =	vld.idx.msk [tilespmem:v5+s17+$0x0], $0xffff  }
0x3d9: {  	v45 =	vadd.s32 v60, v33;
	v24 =	vmov v21;
	v40 =	vadd.f32 v37, v19;
	[tilespmem:s30+$0xF0] =	vst v1;
	v1 =	vld.idx.msk [tilespmem:v44+s19+$0x0], $0xffff;
	s30 =	smov.u32 s31  }
0x3da: {  	v21 =	vmov v41;
	v0 =	vmul.f32 v0, v9;
	v44 =	vadd.s32 v60, v31;
	v6 =	vld.idx.msk [tilespmem:v48+s19+$0x0], $0xffff;
	[tilespmem:s30+$0xC0] =	vst v4  }
0x3db: {  	s31 =	smov.u32 s0;
	v3 =	vmul.f32 v3, v16;
	v4 =	vadd.s32 v60, v20;
	v41 =	vadd.s32 v54, v49;
	v48 =	vld.idx.msk [tilespmem:v47+s19+$0x0], $0xffff  }
0x3dc: {  	v26 =	vmov v38;
	[tilespmem:s31+$0xFFFFFFA0] =	vst v40;
	v0 =	vadd.f32 v0, v11;
	v5 =	vadd.s32 v59, v31;
	v37 =	vld.idx.msk [tilespmem:v52+s18+$0x0], $0xffff  }
0x3dd: {  	v2 =	vmul.f32 v2, v15;
	v52 =	vadd.s32 v63, v23;
	v40 =	vld.idx.msk [tilespmem:v50+s18+$0x0], $0xffff;
	v7 =	vadd.s32 v30, v20  }
0x3de: {  	v38 =	vld [tilespmem:$0x1FFF0];
	v8 =	vadd.s32 v30, v33;
	v43 =	vadd.s32 v30, v22;
	[tilespmem:$0x1FE80] =	vst v7;
	v7 =	vadd.s32 v60, v22  }
0x3df: {  	v46 =	vadd.s32 v30, v23;
	v3 =	vadd.f32 v3, v24;
	v20 =	vmov v29;
	[tilespmem:s30+$0x40] =	vst v0;
	v60 =	vld [tilespmem:$0x1FFA0]  }
0x3e0: {  	v0 =	vadd.s32 v54, v57;
	v54 =	vadd.s32 v54, v58;
	v1 =	vmul.f32 v1, v25;
	v53 =	vld.idx.msk [tilespmem:v53+s19+$0x0], $0xffff  }
0x3e1: {  	v29 =	vmovc v55;
	v30 =	vadd.s32 v63, v10;
	v23 =	vmov v31;
	v55 =	vadd.s32 v59, v33;
	v4 =	vld.idx.msk [tilespmem:v4+s19+$0x0], $0xffff  }
0x3e2: {  	v31 =	vmov v57;
	[tilespmem:$0x1FE70] =	vst v8;
	v6 =	vmul.f32 v6, v42;
	v5 =	vld.idx.msk [tilespmem:v5+s19+$0x0], $0xffff;
	v1 =	vadd.f32 v1, v28  }
0x3e3: {  	v2 =	vadd.f32 v2, v21;
	[tilespmem:s30+$0xFFFFFF50] =	vst v3;
	v3 =	vadd.s32 v63, v22;
	v22 =	vmov v32;
	v7 =	vld.idx.msk [tilespmem:v7+s19+$0x0], $0xffff  }
0x3e4: {  	v10 =	vmov v33;
	v6 =	vadd.f32 v6, v14;
	v47 =	vadd.s32 v60, v22;
	[tilespmem:s30+$0xFFFFFFD0] =	vst v1;
	v1 =	vld.idx.msk [tilespmem:v41+s19+$0x0], $0xffff  }
0x3e5: {  	v32 =	vmov v58;
	[tilespmem:s31+$0xFFFFFF20] =	vst v2;
	v57 =	vld.idx.msk [tilespmem:v54+s19+$0x0], $0xffff;
	v50 =	vadd.s32 v60, v20;
	v54 =	vadd.s32 v62, v29  }
0x3e6: {  	v8 =	vmov v61;
	[tilespmem:s31+$0xB0] =	vst v6;
	v6 =	vmul.f32 v48, v26;
	v41 =	vld.idx.msk [tilespmem:v51+s18+$0x0], $0xffff;
	v51 =	vadd.s32 v60, v33  }
0x3e7: {  	v63 =	vld.idx.msk [tilespmem:v52+s19+$0x0], $0xffff;
	v48 =	vadd.s32 v59, v29;
	v52 =	vadd.s32 v38, v32;
	v4 =	vmul.f32 v4, v61  }
0x3e8: {  	v30 =	vld.idx.msk [tilespmem:v30+s19+$0x0], $0xffff;
	v61 =	vadd.s32 v60, v23;
	v6 =	vadd.f32 v6, v37;
	v5 =	vmul.f32 v5, v18  }
0x3e9: {  	s0 =	sadd.s32 $0x200, s0;
	v0 =	vld.idx.msk [tilespmem:v0+s19+$0x0], $0xffff;
	v4 =	vadd.f32 v4, v39;
	v2 =	vmul.f32 v7, v9;
	v7 =	vadd.s32 v38, v29  }
0x3ea: {  	v33 =	vmov v49;
	v58 =	vld.idx.msk [tilespmem:v55+s19+$0x0], $0xffff;
	[tilespmem:s0+$0x80] =	vst v6;
	v6 =	vmul.f32 v53, v17;
	v5 =	vadd.f32 v5, v19  }
0x3eb: {  	p0 =	slt.u32 s4, $0x3C;
	v49 =	vadd.s32 v62, v31;
	v53 =	vadd.s32 v59, v22;
	[tilespmem:s30+$0xD0] =	vst v4;
	v2 =	vadd.f32 v2, v11  }
.Ltmp3:
0x3ec: {  	v62 =	vadd.s32 v38, v33;
	v4 =	vadd.f32 v6, v13;
	v56 =	vld.idx.msk [tilespmem:v56+s19+$0x0], $0xffff;
	[tilespmem:s31+$0xFFFFFFB0] =	vst v5;
	(pc) =	sbr.rel @p0 .LBB2_8-.Ltmp3, $4  }
0x3ed: {  	v1 =	vmul.f32 v1, v35;
	v6 =	vmul.f32 v57, v34;
	v57 =	vld.idx.msk [tilespmem:v61+s19+$0x0], $0xffff;
	[tilespmem:s30+$0x50] =	vst v2  }
0x3ee: {  	v12 =	vmovc v39;
	v39 =	vmov v13;
	v13 =	vmov v42;
	v42 =	vmul.f32 v63, v25;
	v60 =	vld.idx.msk [tilespmem:v7+s19+$0x0], $0xffff;
	[tilespmem:s31+$0x20] =	vst v4  }
0x3ef: {  	v59 =	vadd.s32 v38, v31;
	v0 =	vmul.f32 v0, v36;
	v2 =	vadd.f32 v1, v41;
	v55 =	vld.idx.msk [tilespmem:v3+s19+$0x0], $0xffff  }
0x3f0: {  	s4 =	sadd.s32 $0x4, s4;
	v63 =	vmul.f32 v30, v16;
	v1 =	vadd.f32 v6, v27;
	v61 =	vadd.f32 v42, v28;
	v53 =	vld.idx.msk [tilespmem:v53+s19+$0x0], $0xffff  }
0x3f1: {  	_ =	sdelay $0x1  }
0x3f2: {  	v0 =	vadd.f32 v0, v40;
	[tilespmem:s0+$0xFFFFFF00] =	vst v2  }
0x3f3: {  	[tilespmem:s0+$0x0] =	vst v1  }
0x3f4: {  	[tilespmem:s0+$0xFFFFFF80] =	vst v0;
	v0 =	vld.idx.msk [tilespmem:v62+s19+$0x0], $0xffff  }
0x3f5: {  	v5 =	vld [tilespmem:$0x1FF80]  }
0x3f6: {  	v2 =	vld.idx.msk [tilespmem:v59+s19+$0x0], $0xffff;
	_ =	sdelay $0x1  }
0x3f7: {  	v1 =	vld.idx.msk [tilespmem:v52+s19+$0x0], $0xffff  }
0x3f8: {  	v4 =	vmul.f32 v60, v26  }
0x3f9: {  	v0 =	vmul.f32 v0, v35;
	v3 =	vadd.s32 v5, v33  }
0x3fa: {  	v4 =	vadd.f32 v4, v37;
	v2 =	vmul.f32 v2, v36  }
0x3fb: {  	v0 =	vadd.f32 v0, v41  }
0x3fc: {  	[tilespmem:s0+$0x90] =	vst v4;
	v1 =	vmul.f32 v1, v34;
	v2 =	vadd.f32 v2, v40  }
0x3fd: {  	[tilespmem:s0+$0xFFFFFF10] =	vst v0;
	v0 =	vadd.s32 v5, v32;
	v5 =	vld.idx.msk [tilespmem:v54+s19+$0x0], $0xffff  }
0x3fe: {  	v1 =	vadd.f32 v1, v27;
	[tilespmem:s0+$0xFFFFFF90] =	vst v2;
	v2 =	vld.idx.msk [tilespmem:v3+s19+$0x0], $0xffff  }
0x3ff: {  	v3 =	vld.idx.msk [tilespmem:v49+s19+$0x0], $0xffff  }
0x400: {  	v4 =	vmul.f32 v58, v15;
	[tilespmem:s0+$0x10] =	vst v1  }
0x401: {  	v6 =	vadd.f32 v63, v24;
	v30 =	vld [tilespmem:$0x1FF90]  }
0x402: {  	v1 =	vadd.f32 v4, v21;
	v0 =	vld.idx.msk [tilespmem:v0+s19+$0x0], $0xffff;
	v5 =	vmul.f32 v5, v26  }
0x403: {  	[tilespmem:s30+$0xFFFFFF60] =	vst v6;
	v6 =	vmul.f32 v56, v8  }
0x404: {  	[tilespmem:s31+$0xFFFFFF30] =	vst v1;
	v1 =	vmul.f32 v3, v36;
	v5 =	vadd.f32 v5, v37  }
0x405: {  	[tilespmem:s30+$0xFFFFFFE0] =	vst v61;
	v7 =	vld.idx.msk [tilespmem:v51+s19+$0x0], $0xffff;
	v6 =	vadd.f32 v6, v12;
	v2 =	vmul.f32 v2, v35  }
0x406: {  	v4 =	vadd.s32 v30, v33;
	v1 =	vadd.f32 v1, v40;
	[tilespmem:s0+$0xA0] =	vst v5;
	v5 =	vmul.f32 v53, v17  }
0x407: {  	[tilespmem:s30+$0xE0] =	vst v6;
	v3 =	vadd.s32 v30, v31;
	v2 =	vadd.f32 v2, v41;
	v0 =	vmul.f32 v0, v34  }
0x408: {  	[tilespmem:s0+$0xFFFFFFA0] =	vst v1;
	v1 =	vmul.f32 v55, v9;
	v5 =	vadd.f32 v5, v39  }
0x409: {  	[tilespmem:s0+$0xFFFFFF20] =	vst v2;
	v0 =	vadd.f32 v0, v27  }
0x40a: {  	v6 =	vmul.f32 v7, v15;
	v7 =	vld.idx.msk [tilespmem:v48+s19+$0x0], $0xffff;
	v1 =	vadd.f32 v1, v11;
	[tilespmem:s31+$0x30] =	vst v5  }
0x40b: {  	v4 =	vld.idx.msk [tilespmem:v4+s19+$0x0], $0xffff;
	[tilespmem:s0+$0x20] =	vst v0  }
0x40c: {  	v2 =	vadd.s32 v30, v32;
	v3 =	vld.idx.msk [tilespmem:v3+s19+$0x0], $0xffff;
	[tilespmem:s30+$0x60] =	vst v1  }
0x40d: {  	v61 =	vld [tilespmem:$0x1FFA0]  }
0x40e: {  	v0 =	vld.idx.msk [tilespmem:v50+s19+$0x0], $0xffff  }
0x40f: {  	v62 =	vld.idx.msk [tilespmem:v47+s19+$0x0], $0xffff  }
0x410: {  	v60 =	vmul.f32 v57, v18;
	v1 =	vadd.f32 v6, v21;
	v6 =	vld.idx.msk [tilespmem:v46+s19+$0x0], $0xffff  }
0x411: {  	v7 =	vmul.f32 v7, v26;
	v2 =	vld.idx.msk [tilespmem:v2+s19+$0x0], $0xffff  }
0x412: {  	v30 =	vadd.f32 v60, v19;
	v4 =	vmul.f32 v4, v35;
	[tilespmem:s31+$0xFFFFFF40] =	vst v1;
	v5 =	vadd.s32 v61, v33  }
0x413: {  	v3 =	vmul.f32 v3, v36;
	v7 =	vadd.f32 v7, v37;
	v38 =	vld.idx.msk [tilespmem:v45+s19+$0x0], $0xffff  }
0x414: {  	[tilespmem:s31+$0xFFFFFFC0] =	vst v30;
	v4 =	vadd.f32 v4, v41;
	v0 =	vmul.f32 v0, v13  }
0x415: {  	v3 =	vadd.f32 v3, v40;
	[tilespmem:s0+$0xB0] =	vst v7;
	v6 =	vmul.f32 v6, v25  }
0x416: {  	v7 =	vmul.f32 v62, v17;
	[tilespmem:s0+$0xFFFFFF30] =	vst v4;
	v2 =	vmul.f32 v2, v34;
	v0 =	vadd.f32 v0, v14  }
0x417: {  	v1 =	vadd.s32 v61, v31;
	[tilespmem:s0+$0xFFFFFFB0] =	vst v3;
	v6 =	vadd.f32 v6, v28;
	v3 =	vld.idx.msk [tilespmem:v5+s19+$0x0], $0xffff  }
0x418: {  	v42 =	vld [tilespmem:$0x1FFB0];
	v2 =	vadd.f32 v2, v27;
	v30 =	vmul.f32 v38, v15;
	[tilespmem:s31+$0xC0] =	vst v0  }
0x419: {  	v63 =	vadd.s32 v61, v29;
	[tilespmem:s30+$0xFFFFFFF0] =	vst v6;
	v6 =	vadd.f32 v7, v39  }
0x41a: {  	[tilespmem:s0+$0x30] =	vst v2;
	v0 =	vadd.f32 v30, v21  }
0x41b: {  	v4 =	vadd.s32 v61, v32;
	[tilespmem:s31+$0x40] =	vst v6  }
0x41c: {  	v1 =	vld.idx.msk [tilespmem:v1+s19+$0x0], $0xffff;
	[tilespmem:s31+$0xFFFFFF50] =	vst v0;
	v3 =	vmul.f32 v3, v35  }
0x41d: {  	v0 =	vld [tilespmem:$0x1FE60]  }
0x41e: {  	v48 =	vld.idx.msk [tilespmem:v63+s19+$0x0], $0xffff;
	v5 =	vadd.s32 v42, v20;
	v3 =	vadd.f32 v3, v41  }
0x41f: {  	v2 =	vld.idx.msk [tilespmem:v44+s19+$0x0], $0xffff;
	v46 =	vadd.s32 v42, v22  }
0x420: {  	v4 =	vld.idx.msk [tilespmem:v4+s19+$0x0], $0xffff;
	[tilespmem:s0+$0xFFFFFF40] =	vst v3  }
0x421: {  	v51 =	vld [tilespmem:$0x1FFC0]  }
0x422: {  	v7 =	vadd.s32 v42, v33;
	v1 =	vmul.f32 v1, v36  }
0x423: {  	v6 =	vadd.s32 v42, v31;
	v28 =	vmul.f32 v48, v26;
	v5 =	vld.idx.msk [tilespmem:v5+s19+$0x0], $0xffff  }
0x424: {  	v49 =	vadd.s32 v42, v29;
	v25 =	vld.idx.msk [tilespmem:v46+s19+$0x0], $0xffff;
	v1 =	vadd.f32 v1, v40  }
0x425: {  	v50 =	vadd.s32 v42, v32;
	v4 =	vmul.f32 v4, v34;
	v3 =	vadd.f32 v28, v37;
	v0 =	vld.idx.msk [tilespmem:v0+s19+$0x0], $0xffff  }
0x426: {  	v2 =	vmul.f32 v2, v18;
	[tilespmem:s0+$0xFFFFFFC0] =	vst v1;
	v1 =	vadd.s32 v51, v23  }
0x427: {  	v7 =	vld.idx.msk [tilespmem:v7+s19+$0x0], $0xffff;
	[tilespmem:s0+$0xC0] =	vst v3;
	v3 =	vadd.f32 v4, v27;
	v38 =	vadd.s32 v51, v10  }
0x428: {  	v2 =	vadd.f32 v2, v19;
	v5 =	vmul.f32 v5, v13;
	v6 =	vld.idx.msk [tilespmem:v6+s19+$0x0], $0xffff;
	v4 =	vadd.s32 v51, v20  }
0x429: {  	v25 =	vmul.f32 v25, v17;
	v30 =	vld.idx.msk [tilespmem:v49+s19+$0x0], $0xffff;
	[tilespmem:s0+$0x40] =	vst v3;
	v3 =	vadd.s32 v51, v22  }
0x42a: {  	[tilespmem:s31+$0xFFFFFFD0] =	vst v2;
	v5 =	vadd.f32 v5, v14;
	v52 =	vld.idx.msk [tilespmem:v50+s19+$0x0], $0xffff;
	v0 =	vmul.f32 v0, v16  }
0x42b: {  	v2 =	vadd.f32 v25, v39;
	v1 =	vld.idx.msk [tilespmem:v1+s19+$0x0], $0xffff  }
0x42c: {  	[tilespmem:s31+$0xD0] =	vst v5;
	v5 =	vmul.f32 v7, v35;
	v0 =	vadd.f32 v0, v24;
	v7 =	vld.idx.msk [tilespmem:v38+s19+$0x0], $0xffff  }
0x42d: {  	[tilespmem:s31+$0x50] =	vst v2;
	v2 =	vmul.f32 v6, v36;
	v4 =	vld.idx.msk [tilespmem:v4+s19+$0x0], $0xffff  }
0x42e: {  	v5 =	vadd.f32 v5, v41;
	v54 =	vmul.f32 v30, v26;
	[tilespmem:s30+$0xFFFFFF70] =	vst v0;
	v0 =	vld.idx.msk [tilespmem:v3+s19+$0x0], $0xffff  }
0x42f: {  	v2 =	vadd.f32 v2, v40;
	v16 =	vmul.f32 v52, v34  }
0x430: {  	[tilespmem:s0+$0xFFFFFF50] =	vst v5;
	v25 =	vadd.f32 v54, v37;
	v1 =	vmul.f32 v1, v18  }
0x431: {  	[tilespmem:s0+$0xFFFFFFD0] =	vst v2;
	v2 =	vmul.f32 v7, v15;
	v7 =	vadd.f32 v16, v27  }
0x432: {  	[tilespmem:s0+$0xD0] =	vst v25;
	v4 =	vmul.f32 v4, v13;
	v1 =	vadd.f32 v1, v19  }
0x433: {  	v25 =	vld [tilespmem:$0x1FFD0];
	v0 =	vmul.f32 v0, v17;
	[tilespmem:s0+$0x50] =	vst v7;
	v2 =	vadd.f32 v2, v21  }
0x434: {  	v6 =	vadd.s32 v51, v31;
	v4 =	vadd.f32 v4, v14;
	[tilespmem:s31+$0xFFFFFFE0] =	vst v1  }
0x435: {  	v53 =	vadd.s32 v51, v33;
	v0 =	vadd.f32 v0, v39;
	[tilespmem:s31+$0xFFFFFF60] =	vst v2  }
0x436: {  	v3 =	vadd.s32 v51, v29;
	v2 =	vld [tilespmem:$0x1FE80];
	[tilespmem:s31+$0xE0] =	vst v4  }
0x437: {  	v5 =	vadd.s32 v51, v32;
	[tilespmem:s31+$0x60] =	vst v0  }
0x438: {  	v59 =	vld [tilespmem:$0x1FE70]  }
0x439: {  	v6 =	vld.idx.msk [tilespmem:v6+s19+$0x0], $0xffff  }
0x43a: {  	v56 =	vld.idx.msk [tilespmem:v53+s19+$0x0], $0xffff  }
0x43b: {  	v3 =	vld.idx.msk [tilespmem:v3+s19+$0x0], $0xffff  }
0x43c: {  	v55 =	vadd.s32 v25, v23;
	v5 =	vld.idx.msk [tilespmem:v5+s19+$0x0], $0xffff  }
0x43d: {  	v7 =	vadd.s32 v25, v22  }
0x43e: {  	v6 =	vmul.f32 v6, v36;
	v1 =	vadd.s32 v25, v20;
	v4 =	vld.idx.msk [tilespmem:v43+s19+$0x0], $0xffff  }
0x43f: {  	v58 =	vmul.f32 v56, v35;
	v57 =	vadd.s32 v25, v31;
	v0 =	vadd.s32 v25, v33;
	v2 =	vld.idx.msk [tilespmem:v2+s19+$0x0], $0xffff  }
0x440: {  	v61 =	vadd.s32 v25, v29;
	v6 =	vadd.f32 v6, v40;
	v3 =	vmul.f32 v3, v26;
	v60 =	vld.idx.msk [tilespmem:v59+s19+$0x0], $0xffff  }
0x441: {  	v22 =	vadd.f32 v58, v41;
	v25 =	vadd.s32 v25, v32;
	v16 =	vld.idx.msk [tilespmem:v55+s19+$0x0], $0xffff;
	v5 =	vmul.f32 v5, v34  }
0x442: {  	[tilespmem:s0+$0xFFFFFFE0] =	vst v6;
	v6 =	vld.idx.msk [tilespmem:v7+s19+$0x0], $0xffff;
	v3 =	vadd.f32 v3, v37  }
0x443: {  	[tilespmem:s0+$0xFFFFFF60] =	vst v22;
	v1 =	vld.idx.msk [tilespmem:v1+s19+$0x0], $0xffff;
	v4 =	vmul.f32 v4, v9;
	v5 =	vadd.f32 v5, v27  }
0x444: {  	[tilespmem:s0+$0xE0] =	vst v3;
	v0 =	vld.idx.msk [tilespmem:v0+s19+$0x0], $0xffff;
	v2 =	vmul.f32 v2, v8  }
0x445: {  	v7 =	vld.idx.msk [tilespmem:v57+s19+$0x0], $0xffff;
	v3 =	vadd.f32 v4, v11;
	[tilespmem:s0+$0x60] =	vst v5;
	v4 =	vmul.f32 v60, v15  }
0x446: {  	v62 =	vmul.f32 v16, v18;
	v63 =	vld.idx.msk [tilespmem:v25+s19+$0x0], $0xffff;
	v2 =	vadd.f32 v2, v12  }
0x447: {  	v5 =	vld.idx.msk [tilespmem:v61+s19+$0x0], $0xffff;
	[tilespmem:s30+$0x70] =	vst v3;
	v3 =	vadd.f32 v4, v21;
	v4 =	vmul.f32 v6, v17  }
0x448: {  	v1 =	vmul.f32 v1, v13;
	[tilespmem:s30+$0xF0] =	vst v2;
	v2 =	vadd.f32 v62, v19  }
0x449: {  	v0 =	vmul.f32 v0, v35;
	[tilespmem:s31+$0xFFFFFF70] =	vst v3;
	v3 =	vadd.f32 v4, v39  }
0x44a: {  	v1 =	vadd.f32 v1, v14;
	[tilespmem:s31+$0xFFFFFFF0] =	vst v2;
	v2 =	vmul.f32 v7, v36  }
0x44b: {  	v0 =	vadd.f32 v0, v41;
	[tilespmem:s31+$0x70] =	vst v3;
	v3 =	vmul.f32 v63, v34  }
0x44c: {  	[tilespmem:s31+$0xF0] =	vst v1;
	v1 =	vadd.f32 v2, v40;
	v2 =	vmul.f32 v5, v26  }
0x44d: {  	[tilespmem:s0+$0xFFFFFF70] =	vst v0;
	v0 =	vadd.f32 v3, v27  }
0x44e: {  	[tilespmem:s0+$0xFFFFFFF0] =	vst v1;
	v1 =	vadd.f32 v2, v37  }
0x44f: {  	[tilespmem:s0+$0x70] =	vst v0  }
0x450: {  	s29 =	sadd.s32 $0x1, s29;
	[tilespmem:s0+$0xF0] =	vst v1  }
0x451: {  	[hbm4b:s13+s21] =	stream.strided.scatter [tilespmem:s25], [sflag:$0x4], $0x2000, s22, s21, $0x38;
	[tilespmem:$0xC180] =	vst v63  }
0x452: {  	p0 =	sne.s32 s29, s14;
	_ =	swait.ge [sflag:s26], $0x2000  }
.Ltmp4:
0x453: {  	[sflag:s26] =	ssyncset.done $0x0;
	(pc) =	sbr.rel @p0 .LBB2_1-.Ltmp4, $4  }
0x454: {  	[sflag:s26] =	ssyncadd.s32 $0xFFFFE000  }
0x455: {  	_ =	swait.ge [sflag:s28], $0x2000  }
0x456: {  	[sflag:s28] =	ssyncset.done $0x0;
	v3 =	vld [tilespmem:$0x1FFE0]  }
0x457: {  	v4 =	vld [tilespmem:$0x1FFF0];
	[sflag:s28] =	ssyncadd.s32 $0xFFFFE000  }
0x458: {  	_ =	sfence.sel $0x180000  }
0x459: {  	[bflag:$0x0] =	sbarrier.arrive $0xFFFF  }
0x45a: {  	_ =	strace $0x90000047  }
0x45b: {  	s0 =	stileid.u32;
	[bflag:$0x2] =	sbarrier.arrive $0xFFFF  }
0x45c: {  	p0 =	sne.s32 s0, $0x0;
	s0 =	rddreg [dreg:$0x5]  }
0x45d: {  	s0 =	sadd.s32 @!p0 $0x100000, s0  }
0x45e: {  	[sflag:s0] =	ssyncadd.tile.s32 @!p0 $0x1;
	_ =	shalt  }
.Lfunc_end2:
_tile_overlayer_lowered:
.L_overlay_start_2:
0x45f: {  	(tag) =	ssettag $0x2  }
0x460: {  	s0 =	rddreg [dreg:$0x0];
	s2 =	stileid.u32  }
0x461: {  	s1 =	rddreg [dreg:$0x1];
	p0 =	sne.s32 s2, $0x0  }
0x462: {  	s3 =	rddreg [dreg:$0x2];
	[bflag:$0x3] =	sbarrier.arrive $0xFFFF;
	s2 =	simm.s32 @!p0 $0x1C05  }
0x463: {  	[timem:s3], [sflag:s2] =	dma.local @!p0 [hbm:s0], s1  }
0x464: {  	s0 =	simm.s32 @!p0 $0x5  }
0x465: {  	_ =	swait.ge @!p0 [sflag:s0], s1  }
0x466: {  	s1 =	ssub.s32 @!p0 $0x0, s1;
	[sflag:s0] =	ssyncset.done @!p0 $0x0  }
0x467: {  	[sflag:s0] =	ssyncadd.s32 @!p0 s1  }
0x468: {  	[bflag:$0x3] =	sbarrier.arrive $0xFFFF  }
0x469: {  	_ =	shalt  }

</sc_bundles>
